<compile_context>
chip_gen: v7x
topology: tpu7x:2x2x1
jax: 0.10.2.dev20260603
libtpu: 0.0.44.dev20260713+nightly
codegen_flags: <defaults>
</compile_context>

<pallas_src>
import functools

import numpy as np
import jax
import jax.numpy as jnp
from jax import lax
from jax.experimental import pallas as pl
from jax.experimental.pallas import tpu as pltpu
from jax.experimental.pallas import tpu_sc as plsc

_BATCH = 16384
_NUM_FEATURE = 26
_EMB = 16
_BINS = 50
_TOTAL = 100
_INV = 3

_N = _BATCH * _NUM_FEATURE
_OUT_W = _NUM_FEATURE * _EMB
_LANES = 16

_j = np.arange(_BINS)[:, None]
_c = np.arange(3 * _TOTAL)[None, :]
_MHB = (np.abs(_c - (_j + _TOTAL)) <= _INV).astype(np.float32)


def _table_body(mhb_ref, w_ref, e_ref):
    e_ref[...] = lax.dot_general(
        mhb_ref[...], w_ref[...], (((1,), (1,)), ((), ())),
        preferred_element_type=jnp.float32)


def kernel(x, W):
    table = pl.pallas_call(
        _table_body,
        out_shape=jax.ShapeDtypeStruct((_BINS, _EMB), jnp.float32),
    )(jnp.asarray(_MHB), W)
    tab_flat = jnp.pad(table.reshape(_BINS * _EMB), (0, 1024 - _BINS * _EMB))

    idx = x.astype(jnp.int32).reshape(_N)

    info = plsc.get_sparse_core_info()
    nc, ns = info.num_cores, info.num_subcores
    nw = nc * ns
    rows_w = _BATCH // nw
    rows_chunk = 64
    n_chunks = rows_w // rows_chunk
    lk_chunk = rows_chunk * _NUM_FEATURE
    n_k = lk_chunk // _LANES
    buf_w = 512

    l_arr = np.arange(lk_chunk, dtype=np.int32)
    rows_const = jnp.asarray(l_arr // _NUM_FEATURE)
    colb_const = jnp.asarray((l_arr % _NUM_FEATURE) * _EMB)

    mesh = plsc.VectorSubcoreMesh(core_axis_name="c", subcore_axis_name="s")

    @functools.partial(
        pl.kernel,
        out_type=jax.ShapeDtypeStruct((_BATCH, _OUT_W), jnp.float32),
        mesh=mesh,
        scratch_types=[
            pltpu.VMEM((1024,), jnp.float32),
            pltpu.VMEM((lk_chunk,), jnp.int32),
            pltpu.VMEM((lk_chunk,), jnp.int32),
            pltpu.VMEM((lk_chunk,), jnp.int32),
            pltpu.VMEM((lk_chunk,), jnp.int32),
            pltpu.VMEM((rows_chunk, _OUT_W), jnp.float32),
            pltpu.VMEM((rows_chunk, _OUT_W), jnp.float32),
            pltpu.SemaphoreType.DMA,
            pltpu.SemaphoreType.DMA,
            pltpu.SemaphoreType.DMA,
            pltpu.SemaphoreType.DMA,
        ],
        compiler_params=pltpu.CompilerParams(needs_layout_passes=False,
                                             disable_bounds_checks=True),
    )
    def _lookup(tab_hbm, idx_hbm, rows_hbm, colb_hbm, out_hbm,
                tab_v, rows_v, colb_v, idx_v0, idx_v1, o0, o1,
                si0, si1, so0, so1):
        wid = lax.axis_index("s") * nc + lax.axis_index("c")
        base = wid * rows_w * _NUM_FEATURE

        pltpu.sync_copy(tab_hbm, tab_v)
        pltpu.sync_copy(rows_hbm, rows_v)
        pltpu.sync_copy(colb_hbm, colb_v)

        idxs = [idx_v0, idx_v1]
        obufs = [o0, o1]
        sis = [si0, si1]
        sos = [so0, so1]
        ihandles = [None, None]
        ohandles = [None, None]

        pltpu.sync_copy(idx_hbm.at[pl.ds(base, lk_chunk)], idx_v0)

        def compute(buf):
            iv = idxs[buf]
            ob = obufs[buf]

            def body(k, carry):
                vidx = iv[pl.ds(k * _LANES, _LANES)] * _EMB
                vrow = rows_v[pl.ds(k * _LANES, _LANES)]
                vcolb = colb_v[pl.ds(k * _LANES, _LANES)]
                vals = [plsc.load_gather(tab_v, [vidx + e])
                        for e in range(_EMB)]
                for e in range(_EMB):
                    plsc.store_scatter(ob, [vrow, vcolb + e], vals[e])
                return carry
            lax.fori_loop(0, n_k, body, 0)

        for c in range(n_chunks):
            buf = c % 2
            nb = (c + 1) % 2
            if c + 1 < n_chunks:
                ihandles[nb] = pltpu.async_copy(
                    idx_hbm.at[pl.ds(base + (c + 1) * lk_chunk, lk_chunk)],
                    idxs[nb], sis[nb])
            if c >= 2:
                ohandles[buf].wait()
            compute(buf)
            ohandles[buf] = pltpu.async_copy(
                obufs[buf],
                out_hbm.at[pl.ds(wid * rows_w + c * rows_chunk, rows_chunk)],
                sos[buf])
            if c + 1 < n_chunks:
                ihandles[nb].wait()
        ohandles[n_chunks % 2].wait()
        ohandles[(n_chunks + 1) % 2].wait()

    return _lookup(tab_flat, idx, rows_const, colb_const)

# --- scband reference (transcript-rebuilt; emitter-appended) ---
"""Pipeline reference for scband-multi-hot-embedding-74062416052471 (READ-ONLY COPY).

The authoritative reference and input builder live on the scoring server;
editing this copy changes nothing except your own understanding.
"""

import jax, jax.numpy as jnp
import numpy as np

BATCH = 16384
NUM_FEATURE = 26
EMB_SIZE = 16
TOTAL = 100
INV = 3
BINS = 50


def _multihot_bin():
    mh = jax.nn.one_hot(jnp.arange(BINS), TOTAL, dtype=jnp.float32)
    pad = jnp.zeros_like(mh)
    mh_bin = jnp.concatenate([pad, mh, pad], axis=-1)  # [BINS, 3*TOTAL]
    emb = jnp.zeros_like(mh_bin)
    for i in range(INV + 1):
        emb = emb + jnp.roll(mh_bin, i, axis=-1)
    for i in range(INV + 1):
        emb = emb + jnp.roll(mh_bin, -i, axis=-1)
    return emb - mh_bin  # [BINS, 3*TOTAL]


def setup_inputs(seed: int = 0) -> dict:
    key = jax.random.key(seed)
    k_x, k_w = jax.random.split(key)
    x = jax.random.randint(k_x, (BATCH, NUM_FEATURE), 0, BINS, dtype=jnp.int64)
    # nn.Linear(3*TOTAL, EMB_SIZE, bias=False) weight; note the torch module aliases the
    # same ModuleList for every feature, so a single shared weight is faithful.
    W = jax.random.normal(k_w, (EMB_SIZE, TOTAL * 3), dtype=jnp.float32) * 0.05
    return {"x": x, "W": W}


def reference(x, W):
    mhb = _multihot_bin()  # [BINS, 3*TOTAL]
    outs = []
    for i in range(NUM_FEATURE):
        x_i = x[:, i]
        xf_i = jax.nn.one_hot(x_i, BINS, dtype=jnp.float32)  # [B, BINS]
        x_proj = xf_i @ mhb  # [B, 3*TOTAL] (gather of multi-hot rows)
        x_emb = x_proj @ W.T  # [B, EMB_SIZE]
        outs.append(x_emb)
    return jnp.concatenate(outs, axis=-1)  # [B, NUM_FEATURE*EMB_SIZE]

if __name__ == "__main__":
    import jax
    _d = setup_inputs()
    print(jax.jit(kernel)(*tuple(_d.values())))

</pallas_src>

<mosaic_0001>
#map = affine_map<(d0, d1) -> (0)>
#map1 = affine_map<(d0, d1) -> (0, 0)>
module attributes {stable_mosaic.version = 14 : i64} {
  func.func @_lookup(%arg0: i32, %arg1: i32, %arg2: memref<1024xf32, #tpu.memory_space<hbm>>, %arg3: memref<425984xi32, #tpu.memory_space<hbm>>, %arg4: memref<1664xi32, #tpu.memory_space<hbm>>, %arg5: memref<1664xi32, #tpu.memory_space<hbm>>, %arg6: memref<16384x416xf32, #tpu.memory_space<hbm>>, %arg7: memref<1024xf32, #tpu.memory_space<vmem>>, %arg8: memref<1664xi32, #tpu.memory_space<vmem>>, %arg9: memref<1664xi32, #tpu.memory_space<vmem>>, %arg10: memref<1664xi32, #tpu.memory_space<vmem>>, %arg11: memref<1664xi32, #tpu.memory_space<vmem>>, %arg12: memref<64x416xf32, #tpu.memory_space<vmem>>, %arg13: memref<64x416xf32, #tpu.memory_space<vmem>>, %arg14: memref<!tpu.dma_semaphore, #tpu.memory_space<semaphore_mem>>, %arg15: memref<!tpu.dma_semaphore, #tpu.memory_space<semaphore_mem>>, %arg16: memref<!tpu.dma_semaphore, #tpu.memory_space<semaphore_mem>>, %arg17: memref<!tpu.dma_semaphore, #tpu.memory_space<semaphore_mem>>) attributes {dimension_semantics = [#tpu.dimension_semantics<core_parallel>, #tpu.dimension_semantics<subcore_parallel>], iteration_bounds = array<i64: 2, 16>, scalar_prefetch = 0 : i64, scratch_operands = 11 : i64, tpu.core_type = #tpu.core_type<sc_vector_subcore>, window_params = [{transform_indices = #map}, {transform_indices = #map}, {transform_indices = #map}, {transform_indices = #map}, {transform_indices = #map1}]} {
    %mul3A = arith.constant 2 : i32
    %mul3A_0 = arith.muli %arg1, %mul3A : i32
    %add3A = arith.addi %mul3A_0, %arg0 : i32
    %mul3A_1 = arith.constant 512 : i32
    %mul3A_2 = arith.muli %add3A, %mul3A_1 : i32
    %mul3A_3 = arith.constant 26 : i32
    %mul3A_4 = arith.muli %mul3A_2, %mul3A_3 : i32
    "tpu.region"() ({
      %run_scoped3A = tpu.sem_alloc : memref<!tpu.dma_semaphore, #tpu.memory_space<semaphore_mem>>
      tpu.enqueue_dma source(%arg2 : memref<1024xf32, #tpu.memory_space<hbm>>) target(%arg7 : memref<1024xf32, #tpu.memory_space<vmem>>) target_semaphore(%run_scoped3A : memref<!tpu.dma_semaphore, #tpu.memory_space<semaphore_mem>>)
      tpu.wait_dma2 semaphore(%run_scoped3A : memref<!tpu.dma_semaphore, #tpu.memory_space<semaphore_mem>>) src(%arg2 : memref<1024xf32, #tpu.memory_space<hbm>>) dst(%arg7 : memref<1024xf32, #tpu.memory_space<vmem>>)
      tpu.yield
    }) : () -> ()
    "tpu.region"() ({
      %run_scoped3A = tpu.sem_alloc : memref<!tpu.dma_semaphore, #tpu.memory_space<semaphore_mem>>
      tpu.enqueue_dma source(%arg4 : memref<1664xi32, #tpu.memory_space<hbm>>) target(%arg8 : memref<1664xi32, #tpu.memory_space<vmem>>) target_semaphore(%run_scoped3A : memref<!tpu.dma_semaphore, #tpu.memory_space<semaphore_mem>>)
      tpu.wait_dma2 semaphore(%run_scoped3A : memref<!tpu.dma_semaphore, #tpu.memory_space<semaphore_mem>>) src(%arg4 : memref<1664xi32, #tpu.memory_space<hbm>>) dst(%arg8 : memref<1664xi32, #tpu.memory_space<vmem>>)
      tpu.yield
    }) : () -> ()
    "tpu.region"() ({
      %run_scoped3A = tpu.sem_alloc : memref<!tpu.dma_semaphore, #tpu.memory_space<semaphore_mem>>
      tpu.enqueue_dma source(%arg5 : memref<1664xi32, #tpu.memory_space<hbm>>) target(%arg9 : memref<1664xi32, #tpu.memory_space<vmem>>) target_semaphore(%run_scoped3A : memref<!tpu.dma_semaphore, #tpu.memory_space<semaphore_mem>>)
      tpu.wait_dma2 semaphore(%run_scoped3A : memref<!tpu.dma_semaphore, #tpu.memory_space<semaphore_mem>>) src(%arg5 : memref<1664xi32, #tpu.memory_space<hbm>>) dst(%arg9 : memref<1664xi32, #tpu.memory_space<vmem>>)
      tpu.yield
    }) : () -> ()
    "tpu.region"() ({
      %run_scoped3A = tpu.sem_alloc : memref<!tpu.dma_semaphore, #tpu.memory_space<semaphore_mem>>
      %dma_start3A_188 = tpu.memref_slice %arg3[%mul3A_4] : memref<425984xi32, #tpu.memory_space<hbm>> -> memref<1664xi32, #tpu.memory_space<hbm>>
      %dma_start3A_189 = tpu.memref_slice %arg3[%mul3A_4] : memref<425984xi32, #tpu.memory_space<hbm>> -> memref<1664xi32, #tpu.memory_space<hbm>>
      tpu.enqueue_dma source(%dma_start3A_189 : memref<1664xi32, #tpu.memory_space<hbm>>) target(%arg10 : memref<1664xi32, #tpu.memory_space<vmem>>) target_semaphore(%run_scoped3A : memref<!tpu.dma_semaphore, #tpu.memory_space<semaphore_mem>>)
      %dma_wait3A_190 = tpu.memref_slice %arg3[%mul3A_4] : memref<425984xi32, #tpu.memory_space<hbm>> -> memref<1664xi32, #tpu.memory_space<hbm>>
      %dma_wait3A_191 = tpu.memref_slice %arg3[%mul3A_4] : memref<425984xi32, #tpu.memory_space<hbm>> -> memref<1664xi32, #tpu.memory_space<hbm>>
      tpu.wait_dma2 semaphore(%run_scoped3A : memref<!tpu.dma_semaphore, #tpu.memory_space<semaphore_mem>>) src(%dma_wait3A_191 : memref<1664xi32, #tpu.memory_space<hbm>>) dst(%arg10 : memref<1664xi32, #tpu.memory_space<vmem>>)
      tpu.yield
    }) : () -> ()
    %add3A_5 = arith.constant 1664 : i32
    %add3A_6 = arith.addi %mul3A_4, %add3A_5 : i32
    %dma_start3A = tpu.memref_slice %arg3[%add3A_6] : memref<425984xi32, #tpu.memory_space<hbm>> -> memref<1664xi32, #tpu.memory_space<hbm>>
    %dma_start3A_7 = tpu.memref_slice %arg3[%add3A_6] : memref<425984xi32, #tpu.memory_space<hbm>> -> memref<1664xi32, #tpu.memory_space<hbm>>
    tpu.enqueue_dma source(%dma_start3A_7 : memref<1664xi32, #tpu.memory_space<hbm>>) target(%arg11 : memref<1664xi32, #tpu.memory_space<vmem>>) target_semaphore(%arg15 : memref<!tpu.dma_semaphore, #tpu.memory_space<semaphore_mem>>)
    %scan3A = arith.constant 0 : i32
    %scan3A_8 = arith.constant 0 : i32
    %scan3A_9 = arith.constant 104 : i32
    %scan3A_10 = arith.addi %scan3A_8, %scan3A_9 : i32
    %scan3A_11 = arith.constant 1 : i32
    scf.for %scan3A_188 = %scan3A_8 to %scan3A_10 step %scan3A_11  : i32 {
      %mul3A_189 = arith.constant 16 : i32
      %mul3A_190 = arith.muli %scan3A_188, %mul3A_189 : i32
      %get3A = arith.index_cast %mul3A_190 : i32 to index
      %get3A_191 = tpu.vector_load %arg10[%get3A] {strides = array<i32>} : memref<1664xi32, #tpu.memory_space<vmem>>, vector<16xi32>,
      %mul3A_192 = arith.constant 16 : i32
      %mul3A_193 = vector.broadcast %mul3A_192 : i32 to vector<16xi32>
      %mul3A_194 = arith.muli %get3A_191, %mul3A_193 : vector<16xi32>
      %mul3A_195 = arith.constant 16 : i32
      %mul3A_196 = arith.muli %scan3A_188, %mul3A_195 : i32
      %get3A_197 = arith.index_cast %mul3A_196 : i32 to index
      %get3A_198 = tpu.vector_load %arg8[%get3A_197] {strides = array<i32>} : memref<1664xi32, #tpu.memory_space<vmem>>, vector<16xi32>,
      %mul3A_199 = arith.constant 16 : i32
      %mul3A_200 = arith.muli %scan3A_188, %mul3A_199 : i32
      %get3A_201 = arith.index_cast %mul3A_200 : i32 to index
      %get3A_202 = tpu.vector_load %arg9[%get3A_201] {strides = array<i32>} : memref<1664xi32, #tpu.memory_space<vmem>>, vector<16xi32>,
      %add3A_203 = arith.constant 0 : i32
      %add3A_204 = vector.broadcast %add3A_203 : i32 to vector<16xi32>
      %add3A_205 = arith.addi %mul3A_194, %add3A_204 : vector<16xi32>
      %gather3A = tpu.vector_load_idx %arg7[%add3A_205] : memref<1024xf32, #tpu.memory_space<vmem>>[vector<16xi32>], vector<16xf32>,
      %add3A_206 = arith.constant 1 : i32
      %add3A_207 = vector.broadcast %add3A_206 : i32 to vector<16xi32>
      %add3A_208 = arith.addi %mul3A_194, %add3A_207 : vector<16xi32>
      %gather3A_209 = tpu.vector_load_idx %arg7[%add3A_208] : memref<1024xf32, #tpu.memory_space<vmem>>[vector<16xi32>], vector<16xf32>,
      %add3A_210 = arith.constant 2 : i32
      %add3A_211 = vector.broadcast %add3A_210 : i32 to vector<16xi32>
      %add3A_212 = arith.addi %mul3A_194, %add3A_211 : vector<16xi32>
      %gather3A_213 = tpu.vector_load_idx %arg7[%add3A_212] : memref<1024xf32, #tpu.memory_space<vmem>>[vector<16xi32>], vector<16xf32>,
      %add3A_214 = arith.constant 3 : i32
      %add3A_215 = vector.broadcast %add3A_214 : i32 to vector<16xi32>
      %add3A_216 = arith.addi %mul3A_194, %add3A_215 : vector<16xi32>
      %gather3A_217 = tpu.vector_load_idx %arg7[%add3A_216] : memref<1024xf32, #tpu.memory_space<vmem>>[vector<16xi32>], vector<16xf32>,
      %add3A_218 = arith.constant 4 : i32
      %add3A_219 = vector.broadcast %add3A_218 : i32 to vector<16xi32>
      %add3A_220 = arith.addi %mul3A_194, %add3A_219 : vector<16xi32>
      %gather3A_221 = tpu.vector_load_idx %arg7[%add3A_220] : memref<1024xf32, #tpu.memory_space<vmem>>[vector<16xi32>], vector<16xf32>,
      %add3A_222 = arith.constant 5 : i32
      %add3A_223 = vector.broadcast %add3A_222 : i32 to vector<16xi32>
      %add3A_224 = arith.addi %mul3A_194, %add3A_223 : vector<16xi32>
      %gather3A_225 = tpu.vector_load_idx %arg7[%add3A_224] : memref<1024xf32, #tpu.memory_space<vmem>>[vector<16xi32>], vector<16xf32>,
      %add3A_226 = arith.constant 6 : i32
      %add3A_227 = vector.broadcast %add3A_226 : i32 to vector<16xi32>
      %add3A_228 = arith.addi %mul3A_194, %add3A_227 : vector<16xi32>
      %gather3A_229 = tpu.vector_load_idx %arg7[%add3A_228] : memref<1024xf32, #tpu.memory_space<vmem>>[vector<16xi32>], vector<16xf32>,
      %add3A_230 = arith.constant 7 : i32
      %add3A_231 = vector.broadcast %add3A_230 : i32 to vector<16xi32>
      %add3A_232 = arith.addi %mul3A_194, %add3A_231 : vector<16xi32>
      %gather3A_233 = tpu.vector_load_idx %arg7[%add3A_232] : memref<1024xf32, #tpu.memory_space<vmem>>[vector<16xi32>], vector<16xf32>,
      %add3A_234 = arith.constant 8 : i32
      %add3A_235 = vector.broadcast %add3A_234 : i32 to vector<16xi32>
      %add3A_236 = arith.addi %mul3A_194, %add3A_235 : vector<16xi32>
      %gather3A_237 = tpu.vector_load_idx %arg7[%add3A_236] : memref<1024xf32, #tpu.memory_space<vmem>>[vector<16xi32>], vector<16xf32>,
      %add3A_238 = arith.constant 9 : i32
      %add3A_239 = vector.broadcast %add3A_238 : i32 to vector<16xi32>
      %add3A_240 = arith.addi %mul3A_194, %add3A_239 : vector<16xi32>
      %gather3A_241 = tpu.vector_load_idx %arg7[%add3A_240] : memref<1024xf32, #tpu.memory_space<vmem>>[vector<16xi32>], vector<16xf32>,
      %add3A_242 = arith.constant 10 : i32
      %add3A_243 = vector.broadcast %add3A_242 : i32 to vector<16xi32>
      %add3A_244 = arith.addi %mul3A_194, %add3A_243 : vector<16xi32>
      %gather3A_245 = tpu.vector_load_idx %arg7[%add3A_244] : memref<1024xf32, #tpu.memory_space<vmem>>[vector<16xi32>], vector<16xf32>,
      %add3A_246 = arith.constant 11 : i32
      %add3A_247 = vector.broadcast %add3A_246 : i32 to vector<16xi32>
      %add3A_248 = arith.addi %mul3A_194, %add3A_247 : vector<16xi32>
      %gather3A_249 = tpu.vector_load_idx %arg7[%add3A_248] : memref<1024xf32, #tpu.memory_space<vmem>>[vector<16xi32>], vector<16xf32>,
      %add3A_250 = arith.constant 12 : i32
      %add3A_251 = vector.broadcast %add3A_250 : i32 to vector<16xi32>
      %add3A_252 = arith.addi %mul3A_194, %add3A_251 : vector<16xi32>
      %gather3A_253 = tpu.vector_load_idx %arg7[%add3A_252] : memref<1024xf32, #tpu.memory_space<vmem>>[vector<16xi32>], vector<16xf32>,
      %add3A_254 = arith.constant 13 : i32
      %add3A_255 = vector.broadcast %add3A_254 : i32 to vector<16xi32>
      %add3A_256 = arith.addi %mul3A_194, %add3A_255 : vector<16xi32>
      %gather3A_257 = tpu.vector_load_idx %arg7[%add3A_256] : memref<1024xf32, #tpu.memory_space<vmem>>[vector<16xi32>], vector<16xf32>,
      %add3A_258 = arith.constant 14 : i32
      %add3A_259 = vector.broadcast %add3A_258 : i32 to vector<16xi32>
      %add3A_260 = arith.addi %mul3A_194, %add3A_259 : vector<16xi32>
      %gather3A_261 = tpu.vector_load_idx %arg7[%add3A_260] : memref<1024xf32, #tpu.memory_space<vmem>>[vector<16xi32>], vector<16xf32>,
      %add3A_262 = arith.constant 15 : i32
      %add3A_263 = vector.broadcast %add3A_262 : i32 to vector<16xi32>
      %add3A_264 = arith.addi %mul3A_194, %add3A_263 : vector<16xi32>
      %gather3A_265 = tpu.vector_load_idx %arg7[%add3A_264] : memref<1024xf32, #tpu.memory_space<vmem>>[vector<16xi32>], vector<16xf32>,
      %add3A_266 = arith.constant 0 : i32
      %add3A_267 = vector.broadcast %add3A_266 : i32 to vector<16xi32>
      %add3A_268 = arith.addi %get3A_202, %add3A_267 : vector<16xi32>
      tpu.vector_store_idx %arg12[%get3A_198, %add3A_268], %gather3A : memref<64x416xf32, #tpu.memory_space<vmem>>[vector<16xi32>, vector<16xi32>], vector<16xf32>,
      %add3A_269 = arith.constant 1 : i32
      %add3A_270 = vector.broadcast %add3A_269 : i32 to vector<16xi32>
      %add3A_271 = arith.addi %get3A_202, %add3A_270 : vector<16xi32>
      tpu.vector_store_idx %arg12[%get3A_198, %add3A_271], %gather3A_209 : memref<64x416xf32, #tpu.memory_space<vmem>>[vector<16xi32>, vector<16xi32>], vector<16xf32>,
      %add3A_272 = arith.constant 2 : i32
      %add3A_273 = vector.broadcast %add3A_272 : i32 to vector<16xi32>
      %add3A_274 = arith.addi %get3A_202, %add3A_273 : vector<16xi32>
      tpu.vector_store_idx %arg12[%get3A_198, %add3A_274], %gather3A_213 : memref<64x416xf32, #tpu.memory_space<vmem>>[vector<16xi32>, vector<16xi32>], vector<16xf32>,
      %add3A_275 = arith.constant 3 : i32
      %add3A_276 = vector.broadcast %add3A_275 : i32 to vector<16xi32>
      %add3A_277 = arith.addi %get3A_202, %add3A_276 : vector<16xi32>
      tpu.vector_store_idx %arg12[%get3A_198, %add3A_277], %gather3A_217 : memref<64x416xf32, #tpu.memory_space<vmem>>[vector<16xi32>, vector<16xi32>], vector<16xf32>,
      %add3A_278 = arith.constant 4 : i32
      %add3A_279 = vector.broadcast %add3A_278 : i32 to vector<16xi32>
      %add3A_280 = arith.addi %get3A_202, %add3A_279 : vector<16xi32>
      tpu.vector_store_idx %arg12[%get3A_198, %add3A_280], %gather3A_221 : memref<64x416xf32, #tpu.memory_space<vmem>>[vector<16xi32>, vector<16xi32>], vector<16xf32>,
      %add3A_281 = arith.constant 5 : i32
      %add3A_282 = vector.broadcast %add3A_281 : i32 to vector<16xi32>
      %add3A_283 = arith.addi %get3A_202, %add3A_282 : vector<16xi32>
      tpu.vector_store_idx %arg12[%get3A_198, %add3A_283], %gather3A_225 : memref<64x416xf32, #tpu.memory_space<vmem>>[vector<16xi32>, vector<16xi32>], vector<16xf32>,
      %add3A_284 = arith.constant 6 : i32
      %add3A_285 = vector.broadcast %add3A_284 : i32 to vector<16xi32>
      %add3A_286 = arith.addi %get3A_202, %add3A_285 : vector<16xi32>
      tpu.vector_store_idx %arg12[%get3A_198, %add3A_286], %gather3A_229 : memref<64x416xf32, #tpu.memory_space<vmem>>[vector<16xi32>, vector<16xi32>], vector<16xf32>,
      %add3A_287 = arith.constant 7 : i32
      %add3A_288 = vector.broadcast %add3A_287 : i32 to vector<16xi32>
      %add3A_289 = arith.addi %get3A_202, %add3A_288 : vector<16xi32>
      tpu.vector_store_idx %arg12[%get3A_198, %add3A_289], %gather3A_233 : memref<64x416xf32, #tpu.memory_space<vmem>>[vector<16xi32>, vector<16xi32>], vector<16xf32>,
      %add3A_290 = arith.constant 8 : i32
      %add3A_291 = vector.broadcast %add3A_290 : i32 to vector<16xi32>
      %add3A_292 = arith.addi %get3A_202, %add3A_291 : vector<16xi32>
      tpu.vector_store_idx %arg12[%get3A_198, %add3A_292], %gather3A_237 : memref<64x416xf32, #tpu.memory_space<vmem>>[vector<16xi32>, vector<16xi32>], vector<16xf32>,
      %add3A_293 = arith.constant 9 : i32
      %add3A_294 = vector.broadcast %add3A_293 : i32 to vector<16xi32>
      %add3A_295 = arith.addi %get3A_202, %add3A_294 : vector<16xi32>
      tpu.vector_store_idx %arg12[%get3A_198, %add3A_295], %gather3A_241 : memref<64x416xf32, #tpu.memory_space<vmem>>[vector<16xi32>, vector<16xi32>], vector<16xf32>,
      %add3A_296 = arith.constant 10 : i32
      %add3A_297 = vector.broadcast %add3A_296 : i32 to vector<16xi32>
      %add3A_298 = arith.addi %get3A_202, %add3A_297 : vector<16xi32>
      tpu.vector_store_idx %arg12[%get3A_198, %add3A_298], %gather3A_245 : memref<64x416xf32, #tpu.memory_space<vmem>>[vector<16xi32>, vector<16xi32>], vector<16xf32>,
      %add3A_299 = arith.constant 11 : i32
      %add3A_300 = vector.broadcast %add3A_299 : i32 to vector<16xi32>
      %add3A_301 = arith.addi %get3A_202, %add3A_300 : vector<16xi32>
      tpu.vector_store_idx %arg12[%get3A_198, %add3A_301], %gather3A_249 : memref<64x416xf32, #tpu.memory_space<vmem>>[vector<16xi32>, vector<16xi32>], vector<16xf32>,
      %add3A_302 = arith.constant 12 : i32
      %add3A_303 = vector.broadcast %add3A_302 : i32 to vector<16xi32>
      %add3A_304 = arith.addi %get3A_202, %add3A_303 : vector<16xi32>
      tpu.vector_store_idx %arg12[%get3A_198, %add3A_304], %gather3A_253 : memref<64x416xf32, #tpu.memory_space<vmem>>[vector<16xi32>, vector<16xi32>], vector<16xf32>,
      %add3A_305 = arith.constant 13 : i32
      %add3A_306 = vector.broadcast %add3A_305 : i32 to vector<16xi32>
      %add3A_307 = arith.addi %get3A_202, %add3A_306 : vector<16xi32>
      tpu.vector_store_idx %arg12[%get3A_198, %add3A_307], %gather3A_257 : memref<64x416xf32, #tpu.memory_space<vmem>>[vector<16xi32>, vector<16xi32>], vector<16xf32>,
      %add3A_308 = arith.constant 14 : i32
      %add3A_309 = vector.broadcast %add3A_308 : i32 to vector<16xi32>
      %add3A_310 = arith.addi %get3A_202, %add3A_309 : vector<16xi32>
      tpu.vector_store_idx %arg12[%get3A_198, %add3A_310], %gather3A_261 : memref<64x416xf32, #tpu.memory_space<vmem>>[vector<16xi32>, vector<16xi32>], vector<16xf32>,
      %add3A_311 = arith.constant 15 : i32
      %add3A_312 = vector.broadcast %add3A_311 : i32 to vector<16xi32>
      %add3A_313 = arith.addi %get3A_202, %add3A_312 : vector<16xi32>
      tpu.vector_store_idx %arg12[%get3A_198, %add3A_313], %gather3A_265 : memref<64x416xf32, #tpu.memory_space<vmem>>[vector<16xi32>, vector<16xi32>], vector<16xf32>,
    }
    %scan3A_12 = arith.constant 104 : i32
    %mul3A_13 = arith.constant 512 : i32
    %mul3A_14 = arith.muli %add3A, %mul3A_13 : i32
    %add3A_15 = arith.constant 0 : i32
    %add3A_16 = arith.addi %mul3A_14, %add3A_15 : i32
    %dma_start3A_17 = arith.constant 0 : i32
    %dma_start3A_18 = tpu.memref_slice %arg6[%add3A_16, %dma_start3A_17] : memref<16384x416xf32, #tpu.memory_space<hbm>> -> memref<64x416xf32, #tpu.memory_space<hbm>>
    %dma_start3A_19 = arith.constant 0 : i32
    %dma_start3A_20 = tpu.memref_slice %arg6[%add3A_16, %dma_start3A_19] : memref<16384x416xf32, #tpu.memory_space<hbm>> -> memref<64x416xf32, #tpu.memory_space<hbm>>
    tpu.enqueue_dma source(%arg12 : memref<64x416xf32, #tpu.memory_space<vmem>>) target(%dma_start3A_20 : memref<64x416xf32, #tpu.memory_space<hbm>>) target_semaphore(%arg16 : memref<!tpu.dma_semaphore, #tpu.memory_space<semaphore_mem>>)
    %dma_wait3A = tpu.memref_slice %arg3[%add3A_6] : memref<425984xi32, #tpu.memory_space<hbm>> -> memref<1664xi32, #tpu.memory_space<hbm>>
    %dma_wait3A_21 = tpu.memref_slice %arg3[%add3A_6] : memref<425984xi32, #tpu.memory_space<hbm>> -> memref<1664xi32, #tpu.memory_space<hbm>>
    tpu.wait_dma2 semaphore(%arg15 : memref<!tpu.dma_semaphore, #tpu.memory_space<semaphore_mem>>) src(%dma_wait3A_21 : memref<1664xi32, #tpu.memory_space<hbm>>) dst(%arg11 : memref<1664xi32, #tpu.memory_space<vmem>>)
    %add3A_22 = arith.constant 3328 : i32
    %add3A_23 = arith.addi %mul3A_4, %add3A_22 : i32
    %dma_start3A_24 = tpu.memref_slice %arg3[%add3A_23] : memref<425984xi32, #tpu.memory_space<hbm>> -> memref<1664xi32, #tpu.memory_space<hbm>>
    %dma_start3A_25 = tpu.memref_slice %arg3[%add3A_23] : memref<425984xi32, #tpu.memory_space<hbm>> -> memref<1664xi32, #tpu.memory_space<hbm>>
    tpu.enqueue_dma source(%dma_start3A_25 : memref<1664xi32, #tpu.memory_space<hbm>>) target(%arg10 : memref<1664xi32, #tpu.memory_space<vmem>>) target_semaphore(%arg14 : memref<!tpu.dma_semaphore, #tpu.memory_space<semaphore_mem>>)
    %scan3A_26 = arith.constant 0 : i32
    %scan3A_27 = arith.constant 0 : i32
    %scan3A_28 = arith.constant 104 : i32
    %scan3A_29 = arith.addi %scan3A_27, %scan3A_28 : i32
    %scan3A_30 = arith.constant 1 : i32
    scf.for %scan3A_188 = %scan3A_27 to %scan3A_29 step %scan3A_30  : i32 {
      %mul3A_189 = arith.constant 16 : i32
      %mul3A_190 = arith.muli %scan3A_188, %mul3A_189 : i32
      %get3A = arith.index_cast %mul3A_190 : i32 to index
      %get3A_191 = tpu.vector_load %arg11[%get3A] {strides = array<i32>} : memref<1664xi32, #tpu.memory_space<vmem>>, vector<16xi32>,
      %mul3A_192 = arith.constant 16 : i32
      %mul3A_193 = vector.broadcast %mul3A_192 : i32 to vector<16xi32>
      %mul3A_194 = arith.muli %get3A_191, %mul3A_193 : vector<16xi32>
      %mul3A_195 = arith.constant 16 : i32
      %mul3A_196 = arith.muli %scan3A_188, %mul3A_195 : i32
      %get3A_197 = arith.index_cast %mul3A_196 : i32 to index
      %get3A_198 = tpu.vector_load %arg8[%get3A_197] {strides = array<i32>} : memref<1664xi32, #tpu.memory_space<vmem>>, vector<16xi32>,
      %mul3A_199 = arith.constant 16 : i32
      %mul3A_200 = arith.muli %scan3A_188, %mul3A_199 : i32
      %get3A_201 = arith.index_cast %mul3A_200 : i32 to index
      %get3A_202 = tpu.vector_load %arg9[%get3A_201] {strides = array<i32>} : memref<1664xi32, #tpu.memory_space<vmem>>, vector<16xi32>,
      %add3A_203 = arith.constant 0 : i32
      %add3A_204 = vector.broadcast %add3A_203 : i32 to vector<16xi32>
      %add3A_205 = arith.addi %mul3A_194, %add3A_204 : vector<16xi32>
      %gather3A = tpu.vector_load_idx %arg7[%add3A_205] : memref<1024xf32, #tpu.memory_space<vmem>>[vector<16xi32>], vector<16xf32>,
      %add3A_206 = arith.constant 1 : i32
      %add3A_207 = vector.broadcast %add3A_206 : i32 to vector<16xi32>
      %add3A_208 = arith.addi %mul3A_194, %add3A_207 : vector<16xi32>
      %gather3A_209 = tpu.vector_load_idx %arg7[%add3A_208] : memref<1024xf32, #tpu.memory_space<vmem>>[vector<16xi32>], vector<16xf32>,
      %add3A_210 = arith.constant 2 : i32
      %add3A_211 = vector.broadcast %add3A_210 : i32 to vector<16xi32>
      %add3A_212 = arith.addi %mul3A_194, %add3A_211 : vector<16xi32>
      %gather3A_213 = tpu.vector_load_idx %arg7[%add3A_212] : memref<1024xf32, #tpu.memory_space<vmem>>[vector<16xi32>], vector<16xf32>,
      %add3A_214 = arith.constant 3 : i32
      %add3A_215 = vector.broadcast %add3A_214 : i32 to vector<16xi32>
      %add3A_216 = arith.addi %mul3A_194, %add3A_215 : vector<16xi32>
      %gather3A_217 = tpu.vector_load_idx %arg7[%add3A_216] : memref<1024xf32, #tpu.memory_space<vmem>>[vector<16xi32>], vector<16xf32>,
      %add3A_218 = arith.constant 4 : i32
      %add3A_219 = vector.broadcast %add3A_218 : i32 to vector<16xi32>
      %add3A_220 = arith.addi %mul3A_194, %add3A_219 : vector<16xi32>
      %gather3A_221 = tpu.vector_load_idx %arg7[%add3A_220] : memref<1024xf32, #tpu.memory_space<vmem>>[vector<16xi32>], vector<16xf32>,
      %add3A_222 = arith.constant 5 : i32
      %add3A_223 = vector.broadcast %add3A_222 : i32 to vector<16xi32>
      %add3A_224 = arith.addi %mul3A_194, %add3A_223 : vector<16xi32>
      %gather3A_225 = tpu.vector_load_idx %arg7[%add3A_224] : memref<1024xf32, #tpu.memory_space<vmem>>[vector<16xi32>], vector<16xf32>,
      %add3A_226 = arith.constant 6 : i32
      %add3A_227 = vector.broadcast %add3A_226 : i32 to vector<16xi32>
      %add3A_228 = arith.addi %mul3A_194, %add3A_227 : vector<16xi32>
      %gather3A_229 = tpu.vector_load_idx %arg7[%add3A_228] : memref<1024xf32, #tpu.memory_space<vmem>>[vector<16xi32>], vector<16xf32>,
      %add3A_230 = arith.constant 7 : i32
      %add3A_231 = vector.broadcast %add3A_230 : i32 to vector<16xi32>
      %add3A_232 = arith.addi %mul3A_194, %add3A_231 : vector<16xi32>
      %gather3A_233 = tpu.vector_load_idx %arg7[%add3A_232] : memref<1024xf32, #tpu.memory_space<vmem>>[vector<16xi32>], vector<16xf32>,
      %add3A_234 = arith.constant 8 : i32
      %add3A_235 = vector.broadcast %add3A_234 : i32 to vector<16xi32>
      %add3A_236 = arith.addi %mul3A_194, %add3A_235 : vector<16xi32>
      %gather3A_237 = tpu.vector_load_idx %arg7[%add3A_236] : memref<1024xf32, #tpu.memory_space<vmem>>[vector<16xi32>], vector<16xf32>,
      %add3A_238 = arith.constant 9 : i32
      %add3A_239 = vector.broadcast %add3A_238 : i32 to vector<16xi32>
      %add3A_240 = arith.addi %mul3A_194, %add3A_239 : vector<16xi32>
      %gather3A_241 = tpu.vector_load_idx %arg7[%add3A_240] : memref<1024xf32, #tpu.memory_space<vmem>>[vector<16xi32>], vector<16xf32>,
      %add3A_242 = arith.constant 10 : i32
      %add3A_243 = vector.broadcast %add3A_242 : i32 to vector<16xi32>
      %add3A_244 = arith.addi %mul3A_194, %add3A_243 : vector<16xi32>
      %gather3A_245 = tpu.vector_load_idx %arg7[%add3A_244] : memref<1024xf32, #tpu.memory_space<vmem>>[vector<16xi32>], vector<16xf32>,
      %add3A_246 = arith.constant 11 : i32
      %add3A_247 = vector.broadcast %add3A_246 : i32 to vector<16xi32>
      %add3A_248 = arith.addi %mul3A_194, %add3A_247 : vector<16xi32>
      %gather3A_249 = tpu.vector_load_idx %arg7[%add3A_248] : memref<1024xf32, #tpu.memory_space<vmem>>[vector<16xi32>], vector<16xf32>,
      %add3A_250 = arith.constant 12 : i32
      %add3A_251 = vector.broadcast %add3A_250 : i32 to vector<16xi32>
      %add3A_252 = arith.addi %mul3A_194, %add3A_251 : vector<16xi32>
      %gather3A_253 = tpu.vector_load_idx %arg7[%add3A_252] : memref<1024xf32, #tpu.memory_space<vmem>>[vector<16xi32>], vector<16xf32>,
      %add3A_254 = arith.constant 13 : i32
      %add3A_255 = vector.broadcast %add3A_254 : i32 to vector<16xi32>
      %add3A_256 = arith.addi %mul3A_194, %add3A_255 : vector<16xi32>
      %gather3A_257 = tpu.vector_load_idx %arg7[%add3A_256] : memref<1024xf32, #tpu.memory_space<vmem>>[vector<16xi32>], vector<16xf32>,
      %add3A_258 = arith.constant 14 : i32
      %add3A_259 = vector.broadcast %add3A_258 : i32 to vector<16xi32>
      %add3A_260 = arith.addi %mul3A_194, %add3A_259 : vector<16xi32>
      %gather3A_261 = tpu.vector_load_idx %arg7[%add3A_260] : memref<1024xf32, #tpu.memory_space<vmem>>[vector<16xi32>], vector<16xf32>,
      %add3A_262 = arith.constant 15 : i32
      %add3A_263 = vector.broadcast %add3A_262 : i32 to vector<16xi32>
      %add3A_264 = arith.addi %mul3A_194, %add3A_263 : vector<16xi32>
      %gather3A_265 = tpu.vector_load_idx %arg7[%add3A_264] : memref<1024xf32, #tpu.memory_space<vmem>>[vector<16xi32>], vector<16xf32>,
      %add3A_266 = arith.constant 0 : i32
      %add3A_267 = vector.broadcast %add3A_266 : i32 to vector<16xi32>
      %add3A_268 = arith.addi %get3A_202, %add3A_267 : vector<16xi32>
      tpu.vector_store_idx %arg13[%get3A_198, %add3A_268], %gather3A : memref<64x416xf32, #tpu.memory_space<vmem>>[vector<16xi32>, vector<16xi32>], vector<16xf32>,
      %add3A_269 = arith.constant 1 : i32
      %add3A_270 = vector.broadcast %add3A_269 : i32 to vector<16xi32>
      %add3A_271 = arith.addi %get3A_202, %add3A_270 : vector<16xi32>
      tpu.vector_store_idx %arg13[%get3A_198, %add3A_271], %gather3A_209 : memref<64x416xf32, #tpu.memory_space<vmem>>[vector<16xi32>, vector<16xi32>], vector<16xf32>,
      %add3A_272 = arith.constant 2 : i32
      %add3A_273 = vector.broadcast %add3A_272 : i32 to vector<16xi32>
      %add3A_274 = arith.addi %get3A_202, %add3A_273 : vector<16xi32>
      tpu.vector_store_idx %arg13[%get3A_198, %add3A_274], %gather3A_213 : memref<64x416xf32, #tpu.memory_space<vmem>>[vector<16xi32>, vector<16xi32>], vector<16xf32>,
      %add3A_275 = arith.constant 3 : i32
      %add3A_276 = vector.broadcast %add3A_275 : i32 to vector<16xi32>
      %add3A_277 = arith.addi %get3A_202, %add3A_276 : vector<16xi32>
      tpu.vector_store_idx %arg13[%get3A_198, %add3A_277], %gather3A_217 : memref<64x416xf32, #tpu.memory_space<vmem>>[vector<16xi32>, vector<16xi32>], vector<16xf32>,
      %add3A_278 = arith.constant 4 : i32
      %add3A_279 = vector.broadcast %add3A_278 : i32 to vector<16xi32>
      %add3A_280 = arith.addi %get3A_202, %add3A_279 : vector<16xi32>
      tpu.vector_store_idx %arg13[%get3A_198, %add3A_280], %gather3A_221 : memref<64x416xf32, #tpu.memory_space<vmem>>[vector<16xi32>, vector<16xi32>], vector<16xf32>,
      %add3A_281 = arith.constant 5 : i32
      %add3A_282 = vector.broadcast %add3A_281 : i32 to vector<16xi32>
      %add3A_283 = arith.addi %get3A_202, %add3A_282 : vector<16xi32>
      tpu.vector_store_idx %arg13[%get3A_198, %add3A_283], %gather3A_225 : memref<64x416xf32, #tpu.memory_space<vmem>>[vector<16xi32>, vector<16xi32>], vector<16xf32>,
      %add3A_284 = arith.constant 6 : i32
      %add3A_285 = vector.broadcast %add3A_284 : i32 to vector<16xi32>
      %add3A_286 = arith.addi %get3A_202, %add3A_285 : vector<16xi32>
      tpu.vector_store_idx %arg13[%get3A_198, %add3A_286], %gather3A_229 : memref<64x416xf32, #tpu.memory_space<vmem>>[vector<16xi32>, vector<16xi32>], vector<16xf32>,
      %add3A_287 = arith.constant 7 : i32
      %add3A_288 = vector.broadcast %add3A_287 : i32 to vector<16xi32>
      %add3A_289 = arith.addi %get3A_202, %add3A_288 : vector<16xi32>
      tpu.vector_store_idx %arg13[%get3A_198, %add3A_289], %gather3A_233 : memref<64x416xf32, #tpu.memory_space<vmem>>[vector<16xi32>, vector<16xi32>], vector<16xf32>,
      %add3A_290 = arith.constant 8 : i32
      %add3A_291 = vector.broadcast %add3A_290 : i32 to vector<16xi32>
      %add3A_292 = arith.addi %get3A_202, %add3A_291 : vector<16xi32>
      tpu.vector_store_idx %arg13[%get3A_198, %add3A_292], %gather3A_237 : memref<64x416xf32, #tpu.memory_space<vmem>>[vector<16xi32>, vector<16xi32>], vector<16xf32>,
      %add3A_293 = arith.constant 9 : i32
      %add3A_294 = vector.broadcast %add3A_293 : i32 to vector<16xi32>
      %add3A_295 = arith.addi %get3A_202, %add3A_294 : vector<16xi32>
      tpu.vector_store_idx %arg13[%get3A_198, %add3A_295], %gather3A_241 : memref<64x416xf32, #tpu.memory_space<vmem>>[vector<16xi32>, vector<16xi32>], vector<16xf32>,
      %add3A_296 = arith.constant 10 : i32
      %add3A_297 = vector.broadcast %add3A_296 : i32 to vector<16xi32>
      %add3A_298 = arith.addi %get3A_202, %add3A_297 : vector<16xi32>
      tpu.vector_store_idx %arg13[%get3A_198, %add3A_298], %gather3A_245 : memref<64x416xf32, #tpu.memory_space<vmem>>[vector<16xi32>, vector<16xi32>], vector<16xf32>,
      %add3A_299 = arith.constant 11 : i32
      %add3A_300 = vector.broadcast %add3A_299 : i32 to vector<16xi32>
      %add3A_301 = arith.addi %get3A_202, %add3A_300 : vector<16xi32>
      tpu.vector_store_idx %arg13[%get3A_198, %add3A_301], %gather3A_249 : memref<64x416xf32, #tpu.memory_space<vmem>>[vector<16xi32>, vector<16xi32>], vector<16xf32>,
      %add3A_302 = arith.constant 12 : i32
      %add3A_303 = vector.broadcast %add3A_302 : i32 to vector<16xi32>
      %add3A_304 = arith.addi %get3A_202, %add3A_303 : vector<16xi32>
      tpu.vector_store_idx %arg13[%get3A_198, %add3A_304], %gather3A_253 : memref<64x416xf32, #tpu.memory_space<vmem>>[vector<16xi32>, vector<16xi32>], vector<16xf32>,
      %add3A_305 = arith.constant 13 : i32
      %add3A_306 = vector.broadcast %add3A_305 : i32 to vector<16xi32>
      %add3A_307 = arith.addi %get3A_202, %add3A_306 : vector<16xi32>
      tpu.vector_store_idx %arg13[%get3A_198, %add3A_307], %gather3A_257 : memref<64x416xf32, #tpu.memory_space<vmem>>[vector<16xi32>, vector<16xi32>], vector<16xf32>,
      %add3A_308 = arith.constant 14 : i32
      %add3A_309 = vector.broadcast %add3A_308 : i32 to vector<16xi32>
      %add3A_310 = arith.addi %get3A_202, %add3A_309 : vector<16xi32>
      tpu.vector_store_idx %arg13[%get3A_198, %add3A_310], %gather3A_261 : memref<64x416xf32, #tpu.memory_space<vmem>>[vector<16xi32>, vector<16xi32>], vector<16xf32>,
      %add3A_311 = arith.constant 15 : i32
      %add3A_312 = vector.broadcast %add3A_311 : i32 to vector<16xi32>
      %add3A_313 = arith.addi %get3A_202, %add3A_312 : vector<16xi32>
      tpu.vector_store_idx %arg13[%get3A_198, %add3A_313], %gather3A_265 : memref<64x416xf32, #tpu.memory_space<vmem>>[vector<16xi32>, vector<16xi32>], vector<16xf32>,
    }
    %scan3A_31 = arith.constant 104 : i32
    %mul3A_32 = arith.constant 512 : i32
    %mul3A_33 = arith.muli %add3A, %mul3A_32 : i32
    %add3A_34 = arith.constant 64 : i32
    %add3A_35 = arith.addi %mul3A_33, %add3A_34 : i32
    %dma_start3A_36 = arith.constant 0 : i32
    %dma_start3A_37 = tpu.memref_slice %arg6[%add3A_35, %dma_start3A_36] : memref<16384x416xf32, #tpu.memory_space<hbm>> -> memref<64x416xf32, #tpu.memory_space<hbm>>
    %dma_start3A_38 = arith.constant 0 : i32
    %dma_start3A_39 = tpu.memref_slice %arg6[%add3A_35, %dma_start3A_38] : memref<16384x416xf32, #tpu.memory_space<hbm>> -> memref<64x416xf32, #tpu.memory_space<hbm>>
    tpu.enqueue_dma source(%arg13 : memref<64x416xf32, #tpu.memory_space<vmem>>) target(%dma_start3A_39 : memref<64x416xf32, #tpu.memory_space<hbm>>) target_semaphore(%arg17 : memref<!tpu.dma_semaphore, #tpu.memory_space<semaphore_mem>>)
    %dma_wait3A_40 = tpu.memref_slice %arg3[%add3A_23] : memref<425984xi32, #tpu.memory_space<hbm>> -> memref<1664xi32, #tpu.memory_space<hbm>>
    %dma_wait3A_41 = tpu.memref_slice %arg3[%add3A_23] : memref<425984xi32, #tpu.memory_space<hbm>> -> memref<1664xi32, #tpu.memory_space<hbm>>
    tpu.wait_dma2 semaphore(%arg14 : memref<!tpu.dma_semaphore, #tpu.memory_space<semaphore_mem>>) src(%dma_wait3A_41 : memref<1664xi32, #tpu.memory_space<hbm>>) dst(%arg10 : memref<1664xi32, #tpu.memory_space<vmem>>)
    %add3A_42 = arith.constant 4992 : i32
    %add3A_43 = arith.addi %mul3A_4, %add3A_42 : i32
    %dma_start3A_44 = tpu.memref_slice %arg3[%add3A_43] : memref<425984xi32, #tpu.memory_space<hbm>> -> memref<1664xi32, #tpu.memory_space<hbm>>
    %dma_start3A_45 = tpu.memref_slice %arg3[%add3A_43] : memref<425984xi32, #tpu.memory_space<hbm>> -> memref<1664xi32, #tpu.memory_space<hbm>>
    tpu.enqueue_dma source(%dma_start3A_45 : memref<1664xi32, #tpu.memory_space<hbm>>) target(%arg11 : memref<1664xi32, #tpu.memory_space<vmem>>) target_semaphore(%arg15 : memref<!tpu.dma_semaphore, #tpu.memory_space<semaphore_mem>>)
    %dma_wait3A_46 = arith.constant 0 : i32
    %dma_wait3A_47 = tpu.memref_slice %arg6[%add3A_16, %dma_wait3A_46] : memref<16384x416xf32, #tpu.memory_space<hbm>> -> memref<64x416xf32, #tpu.memory_space<hbm>>
    %dma_wait3A_48 = arith.constant 0 : i32
    %dma_wait3A_49 = tpu.memref_slice %arg6[%add3A_16, %dma_wait3A_48] : memref<16384x416xf32, #tpu.memory_space<hbm>> -> memref<64x416xf32, #tpu.memory_space<hbm>>
    tpu.wait_dma2 semaphore(%arg16 : memref<!tpu.dma_semaphore, #tpu.memory_space<semaphore_mem>>) src(%arg12 : memref<64x416xf32, #tpu.memory_space<vmem>>) dst(%dma_wait3A_49 : memref<64x416xf32, #tpu.memory_space<hbm>>)
    %scan3A_50 = arith.constant 0 : i32
    %scan3A_51 = arith.constant 0 : i32
    %scan3A_52 = arith.constant 104 : i32
    %scan3A_53 = arith.addi %scan3A_51, %scan3A_52 : i32
    %scan3A_54 = arith.constant 1 : i32
    scf.for %scan3A_188 = %scan3A_51 to %scan3A_53 step %scan3A_54  : i32 {
      %mul3A_189 = arith.constant 16 : i32
      %mul3A_190 = arith.muli %scan3A_188, %mul3A_189 : i32
      %get3A = arith.index_cast %mul3A_190 : i32 to index
      %get3A_191 = tpu.vector_load %arg10[%get3A] {strides = array<i32>} : memref<1664xi32, #tpu.memory_space<vmem>>, vector<16xi32>,
      %mul3A_192 = arith.constant 16 : i32
      %mul3A_193 = vector.broadcast %mul3A_192 : i32 to vector<16xi32>
      %mul3A_194 = arith.muli %get3A_191, %mul3A_193 : vector<16xi32>
      %mul3A_195 = arith.constant 16 : i32
      %mul3A_196 = arith.muli %scan3A_188, %mul3A_195 : i32
      %get3A_197 = arith.index_cast %mul3A_196 : i32 to index
      %get3A_198 = tpu.vector_load %arg8[%get3A_197] {strides = array<i32>} : memref<1664xi32, #tpu.memory_space<vmem>>, vector<16xi32>,
      %mul3A_199 = arith.constant 16 : i32
      %mul3A_200 = arith.muli %scan3A_188, %mul3A_199 : i32
      %get3A_201 = arith.index_cast %mul3A_200 : i32 to index
      %get3A_202 = tpu.vector_load %arg9[%get3A_201] {strides = array<i32>} : memref<1664xi32, #tpu.memory_space<vmem>>, vector<16xi32>,
      %add3A_203 = arith.constant 0 : i32
      %add3A_204 = vector.broadcast %add3A_203 : i32 to vector<16xi32>
      %add3A_205 = arith.addi %mul3A_194, %add3A_204 : vector<16xi32>
      %gather3A = tpu.vector_load_idx %arg7[%add3A_205] : memref<1024xf32, #tpu.memory_space<vmem>>[vector<16xi32>], vector<16xf32>,
      %add3A_206 = arith.constant 1 : i32
      %add3A_207 = vector.broadcast %add3A_206 : i32 to vector<16xi32>
      %add3A_208 = arith.addi %mul3A_194, %add3A_207 : vector<16xi32>
      %gather3A_209 = tpu.vector_load_idx %arg7[%add3A_208] : memref<1024xf32, #tpu.memory_space<vmem>>[vector<16xi32>], vector<16xf32>,
      %add3A_210 = arith.constant 2 : i32
      %add3A_211 = vector.broadcast %add3A_210 : i32 to vector<16xi32>
      %add3A_212 = arith.addi %mul3A_194, %add3A_211 : vector<16xi32>
      %gather3A_213 = tpu.vector_load_idx %arg7[%add3A_212] : memref<1024xf32, #tpu.memory_space<vmem>>[vector<16xi32>], vector<16xf32>,
      %add3A_214 = arith.constant 3 : i32
      %add3A_215 = vector.broadcast %add3A_214 : i32 to vector<16xi32>
      %add3A_216 = arith.addi %mul3A_194, %add3A_215 : vector<16xi32>
      %gather3A_217 = tpu.vector_load_idx %arg7[%add3A_216] : memref<1024xf32, #tpu.memory_space<vmem>>[vector<16xi32>], vector<16xf32>,
      %add3A_218 = arith.constant 4 : i32
      %add3A_219 = vector.broadcast %add3A_218 : i32 to vector<16xi32>
      %add3A_220 = arith.addi %mul3A_194, %add3A_219 : vector<16xi32>
      %gather3A_221 = tpu.vector_load_idx %arg7[%add3A_220] : memref<1024xf32, #tpu.memory_space<vmem>>[vector<16xi32>], vector<16xf32>,
      %add3A_222 = arith.constant 5 : i32
      %add3A_223 = vector.broadcast %add3A_222 : i32 to vector<16xi32>
      %add3A_224 = arith.addi %mul3A_194, %add3A_223 : vector<16xi32>
      %gather3A_225 = tpu.vector_load_idx %arg7[%add3A_224] : memref<1024xf32, #tpu.memory_space<vmem>>[vector<16xi32>], vector<16xf32>,
      %add3A_226 = arith.constant 6 : i32
      %add3A_227 = vector.broadcast %add3A_226 : i32 to vector<16xi32>
      %add3A_228 = arith.addi %mul3A_194, %add3A_227 : vector<16xi32>
      %gather3A_229 = tpu.vector_load_idx %arg7[%add3A_228] : memref<1024xf32, #tpu.memory_space<vmem>>[vector<16xi32>], vector<16xf32>,
      %add3A_230 = arith.constant 7 : i32
      %add3A_231 = vector.broadcast %add3A_230 : i32 to vector<16xi32>
      %add3A_232 = arith.addi %mul3A_194, %add3A_231 : vector<16xi32>
      %gather3A_233 = tpu.vector_load_idx %arg7[%add3A_232] : memref<1024xf32, #tpu.memory_space<vmem>>[vector<16xi32>], vector<16xf32>,
      %add3A_234 = arith.constant 8 : i32
      %add3A_235 = vector.broadcast %add3A_234 : i32 to vector<16xi32>
      %add3A_236 = arith.addi %mul3A_194, %add3A_235 : vector<16xi32>
      %gather3A_237 = tpu.vector_load_idx %arg7[%add3A_236] : memref<1024xf32, #tpu.memory_space<vmem>>[vector<16xi32>], vector<16xf32>,
      %add3A_238 = arith.constant 9 : i32
      %add3A_239 = vector.broadcast %add3A_238 : i32 to vector<16xi32>
      %add3A_240 = arith.addi %mul3A_194, %add3A_239 : vector<16xi32>
      %gather3A_241 = tpu.vector_load_idx %arg7[%add3A_240] : memref<1024xf32, #tpu.memory_space<vmem>>[vector<16xi32>], vector<16xf32>,
      %add3A_242 = arith.constant 10 : i32
      %add3A_243 = vector.broadcast %add3A_242 : i32 to vector<16xi32>
      %add3A_244 = arith.addi %mul3A_194, %add3A_243 : vector<16xi32>
      %gather3A_245 = tpu.vector_load_idx %arg7[%add3A_244] : memref<1024xf32, #tpu.memory_space<vmem>>[vector<16xi32>], vector<16xf32>,
      %add3A_246 = arith.constant 11 : i32
      %add3A_247 = vector.broadcast %add3A_246 : i32 to vector<16xi32>
      %add3A_248 = arith.addi %mul3A_194, %add3A_247 : vector<16xi32>
      %gather3A_249 = tpu.vector_load_idx %arg7[%add3A_248] : memref<1024xf32, #tpu.memory_space<vmem>>[vector<16xi32>], vector<16xf32>,
      %add3A_250 = arith.constant 12 : i32
      %add3A_251 = vector.broadcast %add3A_250 : i32 to vector<16xi32>
      %add3A_252 = arith.addi %mul3A_194, %add3A_251 : vector<16xi32>
      %gather3A_253 = tpu.vector_load_idx %arg7[%add3A_252] : memref<1024xf32, #tpu.memory_space<vmem>>[vector<16xi32>], vector<16xf32>,
      %add3A_254 = arith.constant 13 : i32
      %add3A_255 = vector.broadcast %add3A_254 : i32 to vector<16xi32>
      %add3A_256 = arith.addi %mul3A_194, %add3A_255 : vector<16xi32>
      %gather3A_257 = tpu.vector_load_idx %arg7[%add3A_256] : memref<1024xf32, #tpu.memory_space<vmem>>[vector<16xi32>], vector<16xf32>,
      %add3A_258 = arith.constant 14 : i32
      %add3A_259 = vector.broadcast %add3A_258 : i32 to vector<16xi32>
      %add3A_260 = arith.addi %mul3A_194, %add3A_259 : vector<16xi32>
      %gather3A_261 = tpu.vector_load_idx %arg7[%add3A_260] : memref<1024xf32, #tpu.memory_space<vmem>>[vector<16xi32>], vector<16xf32>,
      %add3A_262 = arith.constant 15 : i32
      %add3A_263 = vector.broadcast %add3A_262 : i32 to vector<16xi32>
      %add3A_264 = arith.addi %mul3A_194, %add3A_263 : vector<16xi32>
      %gather3A_265 = tpu.vector_load_idx %arg7[%add3A_264] : memref<1024xf32, #tpu.memory_space<vmem>>[vector<16xi32>], vector<16xf32>,
      %add3A_266 = arith.constant 0 : i32
      %add3A_267 = vector.broadcast %add3A_266 : i32 to vector<16xi32>
      %add3A_268 = arith.addi %get3A_202, %add3A_267 : vector<16xi32>
      tpu.vector_store_idx %arg12[%get3A_198, %add3A_268], %gather3A : memref<64x416xf32, #tpu.memory_space<vmem>>[vector<16xi32>, vector<16xi32>], vector<16xf32>,
      %add3A_269 = arith.constant 1 : i32
      %add3A_270 = vector.broadcast %add3A_269 : i32 to vector<16xi32>
      %add3A_271 = arith.addi %get3A_202, %add3A_270 : vector<16xi32>
      tpu.vector_store_idx %arg12[%get3A_198, %add3A_271], %gather3A_209 : memref<64x416xf32, #tpu.memory_space<vmem>>[vector<16xi32>, vector<16xi32>], vector<16xf32>,
      %add3A_272 = arith.constant 2 : i32
      %add3A_273 = vector.broadcast %add3A_272 : i32 to vector<16xi32>
      %add3A_274 = arith.addi %get3A_202, %add3A_273 : vector<16xi32>
      tpu.vector_store_idx %arg12[%get3A_198, %add3A_274], %gather3A_213 : memref<64x416xf32, #tpu.memory_space<vmem>>[vector<16xi32>, vector<16xi32>], vector<16xf32>,
      %add3A_275 = arith.constant 3 : i32
      %add3A_276 = vector.broadcast %add3A_275 : i32 to vector<16xi32>
      %add3A_277 = arith.addi %get3A_202, %add3A_276 : vector<16xi32>
      tpu.vector_store_idx %arg12[%get3A_198, %add3A_277], %gather3A_217 : memref<64x416xf32, #tpu.memory_space<vmem>>[vector<16xi32>, vector<16xi32>], vector<16xf32>,
      %add3A_278 = arith.constant 4 : i32
      %add3A_279 = vector.broadcast %add3A_278 : i32 to vector<16xi32>
      %add3A_280 = arith.addi %get3A_202, %add3A_279 : vector<16xi32>
      tpu.vector_store_idx %arg12[%get3A_198, %add3A_280], %gather3A_221 : memref<64x416xf32, #tpu.memory_space<vmem>>[vector<16xi32>, vector<16xi32>], vector<16xf32>,
      %add3A_281 = arith.constant 5 : i32
      %add3A_282 = vector.broadcast %add3A_281 : i32 to vector<16xi32>
      %add3A_283 = arith.addi %get3A_202, %add3A_282 : vector<16xi32>
      tpu.vector_store_idx %arg12[%get3A_198, %add3A_283], %gather3A_225 : memref<64x416xf32, #tpu.memory_space<vmem>>[vector<16xi32>, vector<16xi32>], vector<16xf32>,
      %add3A_284 = arith.constant 6 : i32
      %add3A_285 = vector.broadcast %add3A_284 : i32 to vector<16xi32>
      %add3A_286 = arith.addi %get3A_202, %add3A_285 : vector<16xi32>
      tpu.vector_store_idx %arg12[%get3A_198, %add3A_286], %gather3A_229 : memref<64x416xf32, #tpu.memory_space<vmem>>[vector<16xi32>, vector<16xi32>], vector<16xf32>,
      %add3A_287 = arith.constant 7 : i32
      %add3A_288 = vector.broadcast %add3A_287 : i32 to vector<16xi32>
      %add3A_289 = arith.addi %get3A_202, %add3A_288 : vector<16xi32>
      tpu.vector_store_idx %arg12[%get3A_198, %add3A_289], %gather3A_233 : memref<64x416xf32, #tpu.memory_space<vmem>>[vector<16xi32>, vector<16xi32>], vector<16xf32>,
      %add3A_290 = arith.constant 8 : i32
      %add3A_291 = vector.broadcast %add3A_290 : i32 to vector<16xi32>
      %add3A_292 = arith.addi %get3A_202, %add3A_291 : vector<16xi32>
      tpu.vector_store_idx %arg12[%get3A_198, %add3A_292], %gather3A_237 : memref<64x416xf32, #tpu.memory_space<vmem>>[vector<16xi32>, vector<16xi32>], vector<16xf32>,
      %add3A_293 = arith.constant 9 : i32
      %add3A_294 = vector.broadcast %add3A_293 : i32 to vector<16xi32>
      %add3A_295 = arith.addi %get3A_202, %add3A_294 : vector<16xi32>
      tpu.vector_store_idx %arg12[%get3A_198, %add3A_295], %gather3A_241 : memref<64x416xf32, #tpu.memory_space<vmem>>[vector<16xi32>, vector<16xi32>], vector<16xf32>,
      %add3A_296 = arith.constant 10 : i32
      %add3A_297 = vector.broadcast %add3A_296 : i32 to vector<16xi32>
      %add3A_298 = arith.addi %get3A_202, %add3A_297 : vector<16xi32>
      tpu.vector_store_idx %arg12[%get3A_198, %add3A_298], %gather3A_245 : memref<64x416xf32, #tpu.memory_space<vmem>>[vector<16xi32>, vector<16xi32>], vector<16xf32>,
      %add3A_299 = arith.constant 11 : i32
      %add3A_300 = vector.broadcast %add3A_299 : i32 to vector<16xi32>
      %add3A_301 = arith.addi %get3A_202, %add3A_300 : vector<16xi32>
      tpu.vector_store_idx %arg12[%get3A_198, %add3A_301], %gather3A_249 : memref<64x416xf32, #tpu.memory_space<vmem>>[vector<16xi32>, vector<16xi32>], vector<16xf32>,
      %add3A_302 = arith.constant 12 : i32
      %add3A_303 = vector.broadcast %add3A_302 : i32 to vector<16xi32>
      %add3A_304 = arith.addi %get3A_202, %add3A_303 : vector<16xi32>
      tpu.vector_store_idx %arg12[%get3A_198, %add3A_304], %gather3A_253 : memref<64x416xf32, #tpu.memory_space<vmem>>[vector<16xi32>, vector<16xi32>], vector<16xf32>,
      %add3A_305 = arith.constant 13 : i32
      %add3A_306 = vector.broadcast %add3A_305 : i32 to vector<16xi32>
      %add3A_307 = arith.addi %get3A_202, %add3A_306 : vector<16xi32>
      tpu.vector_store_idx %arg12[%get3A_198, %add3A_307], %gather3A_257 : memref<64x416xf32, #tpu.memory_space<vmem>>[vector<16xi32>, vector<16xi32>], vector<16xf32>,
      %add3A_308 = arith.constant 14 : i32
      %add3A_309 = vector.broadcast %add3A_308 : i32 to vector<16xi32>
      %add3A_310 = arith.addi %get3A_202, %add3A_309 : vector<16xi32>
      tpu.vector_store_idx %arg12[%get3A_198, %add3A_310], %gather3A_261 : memref<64x416xf32, #tpu.memory_space<vmem>>[vector<16xi32>, vector<16xi32>], vector<16xf32>,
      %add3A_311 = arith.constant 15 : i32
      %add3A_312 = vector.broadcast %add3A_311 : i32 to vector<16xi32>
      %add3A_313 = arith.addi %get3A_202, %add3A_312 : vector<16xi32>
      tpu.vector_store_idx %arg12[%get3A_198, %add3A_313], %gather3A_265 : memref<64x416xf32, #tpu.memory_space<vmem>>[vector<16xi32>, vector<16xi32>], vector<16xf32>,
    }
    %scan3A_55 = arith.constant 104 : i32
    %mul3A_56 = arith.constant 512 : i32
    %mul3A_57 = arith.muli %add3A, %mul3A_56 : i32
    %add3A_58 = arith.constant 128 : i32
    %add3A_59 = arith.addi %mul3A_57, %add3A_58 : i32
    %dma_start3A_60 = arith.constant 0 : i32
    %dma_start3A_61 = tpu.memref_slice %arg6[%add3A_59, %dma_start3A_60] : memref<16384x416xf32, #tpu.memory_space<hbm>> -> memref<64x416xf32, #tpu.memory_space<hbm>>
    %dma_start3A_62 = arith.constant 0 : i32
    %dma_start3A_63 = tpu.memref_slice %arg6[%add3A_59, %dma_start3A_62] : memref<16384x416xf32, #tpu.memory_space<hbm>> -> memref<64x416xf32, #tpu.memory_space<hbm>>
    tpu.enqueue_dma source(%arg12 : memref<64x416xf32, #tpu.memory_space<vmem>>) target(%dma_start3A_63 : memref<64x416xf32, #tpu.memory_space<hbm>>) target_semaphore(%arg16 : memref<!tpu.dma_semaphore, #tpu.memory_space<semaphore_mem>>)
    %dma_wait3A_64 = tpu.memref_slice %arg3[%add3A_43] : memref<425984xi32, #tpu.memory_space<hbm>> -> memref<1664xi32, #tpu.memory_space<hbm>>
    %dma_wait3A_65 = tpu.memref_slice %arg3[%add3A_43] : memref<425984xi32, #tpu.memory_space<hbm>> -> memref<1664xi32, #tpu.memory_space<hbm>>
    tpu.wait_dma2 semaphore(%arg15 : memref<!tpu.dma_semaphore, #tpu.memory_space<semaphore_mem>>) src(%dma_wait3A_65 : memref<1664xi32, #tpu.memory_space<hbm>>) dst(%arg11 : memref<1664xi32, #tpu.memory_space<vmem>>)
    %add3A_66 = arith.constant 6656 : i32
    %add3A_67 = arith.addi %mul3A_4, %add3A_66 : i32
    %dma_start3A_68 = tpu.memref_slice %arg3[%add3A_67] : memref<425984xi32, #tpu.memory_space<hbm>> -> memref<1664xi32, #tpu.memory_space<hbm>>
    %dma_start3A_69 = tpu.memref_slice %arg3[%add3A_67] : memref<425984xi32, #tpu.memory_space<hbm>> -> memref<1664xi32, #tpu.memory_space<hbm>>
    tpu.enqueue_dma source(%dma_start3A_69 : memref<1664xi32, #tpu.memory_space<hbm>>) target(%arg10 : memref<1664xi32, #tpu.memory_space<vmem>>) target_semaphore(%arg14 : memref<!tpu.dma_semaphore, #tpu.memory_space<semaphore_mem>>)
    %dma_wait3A_70 = arith.constant 0 : i32
    %dma_wait3A_71 = tpu.memref_slice %arg6[%add3A_35, %dma_wait3A_70] : memref<16384x416xf32, #tpu.memory_space<hbm>> -> memref<64x416xf32, #tpu.memory_space<hbm>>
    %dma_wait3A_72 = arith.constant 0 : i32
    %dma_wait3A_73 = tpu.memref_slice %arg6[%add3A_35, %dma_wait3A_72] : memref<16384x416xf32, #tpu.memory_space<hbm>> -> memref<64x416xf32, #tpu.memory_space<hbm>>
    tpu.wait_dma2 semaphore(%arg17 : memref<!tpu.dma_semaphore, #tpu.memory_space<semaphore_mem>>) src(%arg13 : memref<64x416xf32, #tpu.memory_space<vmem>>) dst(%dma_wait3A_73 : memref<64x416xf32, #tpu.memory_space<hbm>>)
    %scan3A_74 = arith.constant 0 : i32
    %scan3A_75 = arith.constant 0 : i32
    %scan3A_76 = arith.constant 104 : i32
    %scan3A_77 = arith.addi %scan3A_75, %scan3A_76 : i32
    %scan3A_78 = arith.constant 1 : i32
    scf.for %scan3A_188 = %scan3A_75 to %scan3A_77 step %scan3A_78  : i32 {
      %mul3A_189 = arith.constant 16 : i32
      %mul3A_190 = arith.muli %scan3A_188, %mul3A_189 : i32
      %get3A = arith.index_cast %mul3A_190 : i32 to index
      %get3A_191 = tpu.vector_load %arg11[%get3A] {strides = array<i32>} : memref<1664xi32, #tpu.memory_space<vmem>>, vector<16xi32>,
      %mul3A_192 = arith.constant 16 : i32
      %mul3A_193 = vector.broadcast %mul3A_192 : i32 to vector<16xi32>
      %mul3A_194 = arith.muli %get3A_191, %mul3A_193 : vector<16xi32>
      %mul3A_195 = arith.constant 16 : i32
      %mul3A_196 = arith.muli %scan3A_188, %mul3A_195 : i32
      %get3A_197 = arith.index_cast %mul3A_196 : i32 to index
      %get3A_198 = tpu.vector_load %arg8[%get3A_197] {strides = array<i32>} : memref<1664xi32, #tpu.memory_space<vmem>>, vector<16xi32>,
      %mul3A_199 = arith.constant 16 : i32
      %mul3A_200 = arith.muli %scan3A_188, %mul3A_199 : i32
      %get3A_201 = arith.index_cast %mul3A_200 : i32 to index
      %get3A_202 = tpu.vector_load %arg9[%get3A_201] {strides = array<i32>} : memref<1664xi32, #tpu.memory_space<vmem>>, vector<16xi32>,
      %add3A_203 = arith.constant 0 : i32
      %add3A_204 = vector.broadcast %add3A_203 : i32 to vector<16xi32>
      %add3A_205 = arith.addi %mul3A_194, %add3A_204 : vector<16xi32>
      %gather3A = tpu.vector_load_idx %arg7[%add3A_205] : memref<1024xf32, #tpu.memory_space<vmem>>[vector<16xi32>], vector<16xf32>,
      %add3A_206 = arith.constant 1 : i32
      %add3A_207 = vector.broadcast %add3A_206 : i32 to vector<16xi32>
      %add3A_208 = arith.addi %mul3A_194, %add3A_207 : vector<16xi32>
      %gather3A_209 = tpu.vector_load_idx %arg7[%add3A_208] : memref<1024xf32, #tpu.memory_space<vmem>>[vector<16xi32>], vector<16xf32>,
      %add3A_210 = arith.constant 2 : i32
      %add3A_211 = vector.broadcast %add3A_210 : i32 to vector<16xi32>
      %add3A_212 = arith.addi %mul3A_194, %add3A_211 : vector<16xi32>
      %gather3A_213 = tpu.vector_load_idx %arg7[%add3A_212] : memref<1024xf32, #tpu.memory_space<vmem>>[vector<16xi32>], vector<16xf32>,
      %add3A_214 = arith.constant 3 : i32
      %add3A_215 = vector.broadcast %add3A_214 : i32 to vector<16xi32>
      %add3A_216 = arith.addi %mul3A_194, %add3A_215 : vector<16xi32>
      %gather3A_217 = tpu.vector_load_idx %arg7[%add3A_216] : memref<1024xf32, #tpu.memory_space<vmem>>[vector<16xi32>], vector<16xf32>,
      %add3A_218 = arith.constant 4 : i32
      %add3A_219 = vector.broadcast %add3A_218 : i32 to vector<16xi32>
      %add3A_220 = arith.addi %mul3A_194, %add3A_219 : vector<16xi32>
      %gather3A_221 = tpu.vector_load_idx %arg7[%add3A_220] : memref<1024xf32, #tpu.memory_space<vmem>>[vector<16xi32>], vector<16xf32>,
      %add3A_222 = arith.constant 5 : i32
      %add3A_223 = vector.broadcast %add3A_222 : i32 to vector<16xi32>
      %add3A_224 = arith.addi %mul3A_194, %add3A_223 : vector<16xi32>
      %gather3A_225 = tpu.vector_load_idx %arg7[%add3A_224] : memref<1024xf32, #tpu.memory_space<vmem>>[vector<16xi32>], vector<16xf32>,
      %add3A_226 = arith.constant 6 : i32
      %add3A_227 = vector.broadcast %add3A_226 : i32 to vector<16xi32>
      %add3A_228 = arith.addi %mul3A_194, %add3A_227 : vector<16xi32>
      %gather3A_229 = tpu.vector_load_idx %arg7[%add3A_228] : memref<1024xf32, #tpu.memory_space<vmem>>[vector<16xi32>], vector<16xf32>,
      %add3A_230 = arith.constant 7 : i32
      %add3A_231 = vector.broadcast %add3A_230 : i32 to vector<16xi32>
      %add3A_232 = arith.addi %mul3A_194, %add3A_231 : vector<16xi32>
      %gather3A_233 = tpu.vector_load_idx %arg7[%add3A_232] : memref<1024xf32, #tpu.memory_space<vmem>>[vector<16xi32>], vector<16xf32>,
      %add3A_234 = arith.constant 8 : i32
      %add3A_235 = vector.broadcast %add3A_234 : i32 to vector<16xi32>
      %add3A_236 = arith.addi %mul3A_194, %add3A_235 : vector<16xi32>
      %gather3A_237 = tpu.vector_load_idx %arg7[%add3A_236] : memref<1024xf32, #tpu.memory_space<vmem>>[vector<16xi32>], vector<16xf32>,
      %add3A_238 = arith.constant 9 : i32
      %add3A_239 = vector.broadcast %add3A_238 : i32 to vector<16xi32>
      %add3A_240 = arith.addi %mul3A_194, %add3A_239 : vector<16xi32>
      %gather3A_241 = tpu.vector_load_idx %arg7[%add3A_240] : memref<1024xf32, #tpu.memory_space<vmem>>[vector<16xi32>], vector<16xf32>,
      %add3A_242 = arith.constant 10 : i32
      %add3A_243 = vector.broadcast %add3A_242 : i32 to vector<16xi32>
      %add3A_244 = arith.addi %mul3A_194, %add3A_243 : vector<16xi32>
      %gather3A_245 = tpu.vector_load_idx %arg7[%add3A_244] : memref<1024xf32, #tpu.memory_space<vmem>>[vector<16xi32>], vector<16xf32>,
      %add3A_246 = arith.constant 11 : i32
      %add3A_247 = vector.broadcast %add3A_246 : i32 to vector<16xi32>
      %add3A_248 = arith.addi %mul3A_194, %add3A_247 : vector<16xi32>
      %gather3A_249 = tpu.vector_load_idx %arg7[%add3A_248] : memref<1024xf32, #tpu.memory_space<vmem>>[vector<16xi32>], vector<16xf32>,
      %add3A_250 = arith.constant 12 : i32
      %add3A_251 = vector.broadcast %add3A_250 : i32 to vector<16xi32>
      %add3A_252 = arith.addi %mul3A_194, %add3A_251 : vector<16xi32>
      %gather3A_253 = tpu.vector_load_idx %arg7[%add3A_252] : memref<1024xf32, #tpu.memory_space<vmem>>[vector<16xi32>], vector<16xf32>,
      %add3A_254 = arith.constant 13 : i32
      %add3A_255 = vector.broadcast %add3A_254 : i32 to vector<16xi32>
      %add3A_256 = arith.addi %mul3A_194, %add3A_255 : vector<16xi32>
      %gather3A_257 = tpu.vector_load_idx %arg7[%add3A_256] : memref<1024xf32, #tpu.memory_space<vmem>>[vector<16xi32>], vector<16xf32>,
      %add3A_258 = arith.constant 14 : i32
      %add3A_259 = vector.broadcast %add3A_258 : i32 to vector<16xi32>
      %add3A_260 = arith.addi %mul3A_194, %add3A_259 : vector<16xi32>
      %gather3A_261 = tpu.vector_load_idx %arg7[%add3A_260] : memref<1024xf32, #tpu.memory_space<vmem>>[vector<16xi32>], vector<16xf32>,
      %add3A_262 = arith.constant 15 : i32
      %add3A_263 = vector.broadcast %add3A_262 : i32 to vector<16xi32>
      %add3A_264 = arith.addi %mul3A_194, %add3A_263 : vector<16xi32>
      %gather3A_265 = tpu.vector_load_idx %arg7[%add3A_264] : memref<1024xf32, #tpu.memory_space<vmem>>[vector<16xi32>], vector<16xf32>,
      %add3A_266 = arith.constant 0 : i32
      %add3A_267 = vector.broadcast %add3A_266 : i32 to vector<16xi32>
      %add3A_268 = arith.addi %get3A_202, %add3A_267 : vector<16xi32>
      tpu.vector_store_idx %arg13[%get3A_198, %add3A_268], %gather3A : memref<64x416xf32, #tpu.memory_space<vmem>>[vector<16xi32>, vector<16xi32>], vector<16xf32>,
      %add3A_269 = arith.constant 1 : i32
      %add3A_270 = vector.broadcast %add3A_269 : i32 to vector<16xi32>
      %add3A_271 = arith.addi %get3A_202, %add3A_270 : vector<16xi32>
      tpu.vector_store_idx %arg13[%get3A_198, %add3A_271], %gather3A_209 : memref<64x416xf32, #tpu.memory_space<vmem>>[vector<16xi32>, vector<16xi32>], vector<16xf32>,
      %add3A_272 = arith.constant 2 : i32
      %add3A_273 = vector.broadcast %add3A_272 : i32 to vector<16xi32>
      %add3A_274 = arith.addi %get3A_202, %add3A_273 : vector<16xi32>
      tpu.vector_store_idx %arg13[%get3A_198, %add3A_274], %gather3A_213 : memref<64x416xf32, #tpu.memory_space<vmem>>[vector<16xi32>, vector<16xi32>], vector<16xf32>,
      %add3A_275 = arith.constant 3 : i32
      %add3A_276 = vector.broadcast %add3A_275 : i32 to vector<16xi32>
      %add3A_277 = arith.addi %get3A_202, %add3A_276 : vector<16xi32>
      tpu.vector_store_idx %arg13[%get3A_198, %add3A_277], %gather3A_217 : memref<64x416xf32, #tpu.memory_space<vmem>>[vector<16xi32>, vector<16xi32>], vector<16xf32>,
      %add3A_278 = arith.constant 4 : i32
      %add3A_279 = vector.broadcast %add3A_278 : i32 to vector<16xi32>
      %add3A_280 = arith.addi %get3A_202, %add3A_279 : vector<16xi32>
      tpu.vector_store_idx %arg13[%get3A_198, %add3A_280], %gather3A_221 : memref<64x416xf32, #tpu.memory_space<vmem>>[vector<16xi32>, vector<16xi32>], vector<16xf32>,
      %add3A_281 = arith.constant 5 : i32
      %add3A_282 = vector.broadcast %add3A_281 : i32 to vector<16xi32>
      %add3A_283 = arith.addi %get3A_202, %add3A_282 : vector<16xi32>
      tpu.vector_store_idx %arg13[%get3A_198, %add3A_283], %gather3A_225 : memref<64x416xf32, #tpu.memory_space<vmem>>[vector<16xi32>, vector<16xi32>], vector<16xf32>,
      %add3A_284 = arith.constant 6 : i32
      %add3A_285 = vector.broadcast %add3A_284 : i32 to vector<16xi32>
      %add3A_286 = arith.addi %get3A_202, %add3A_285 : vector<16xi32>
      tpu.vector_store_idx %arg13[%get3A_198, %add3A_286], %gather3A_229 : memref<64x416xf32, #tpu.memory_space<vmem>>[vector<16xi32>, vector<16xi32>], vector<16xf32>,
      %add3A_287 = arith.constant 7 : i32
      %add3A_288 = vector.broadcast %add3A_287 : i32 to vector<16xi32>
      %add3A_289 = arith.addi %get3A_202, %add3A_288 : vector<16xi32>
      tpu.vector_store_idx %arg13[%get3A_198, %add3A_289], %gather3A_233 : memref<64x416xf32, #tpu.memory_space<vmem>>[vector<16xi32>, vector<16xi32>], vector<16xf32>,
      %add3A_290 = arith.constant 8 : i32
      %add3A_291 = vector.broadcast %add3A_290 : i32 to vector<16xi32>
      %add3A_292 = arith.addi %get3A_202, %add3A_291 : vector<16xi32>
      tpu.vector_store_idx %arg13[%get3A_198, %add3A_292], %gather3A_237 : memref<64x416xf32, #tpu.memory_space<vmem>>[vector<16xi32>, vector<16xi32>], vector<16xf32>,
      %add3A_293 = arith.constant 9 : i32
      %add3A_294 = vector.broadcast %add3A_293 : i32 to vector<16xi32>
      %add3A_295 = arith.addi %get3A_202, %add3A_294 : vector<16xi32>
      tpu.vector_store_idx %arg13[%get3A_198, %add3A_295], %gather3A_241 : memref<64x416xf32, #tpu.memory_space<vmem>>[vector<16xi32>, vector<16xi32>], vector<16xf32>,
      %add3A_296 = arith.constant 10 : i32
      %add3A_297 = vector.broadcast %add3A_296 : i32 to vector<16xi32>
      %add3A_298 = arith.addi %get3A_202, %add3A_297 : vector<16xi32>
      tpu.vector_store_idx %arg13[%get3A_198, %add3A_298], %gather3A_245 : memref<64x416xf32, #tpu.memory_space<vmem>>[vector<16xi32>, vector<16xi32>], vector<16xf32>,
      %add3A_299 = arith.constant 11 : i32
      %add3A_300 = vector.broadcast %add3A_299 : i32 to vector<16xi32>
      %add3A_301 = arith.addi %get3A_202, %add3A_300 : vector<16xi32>
      tpu.vector_store_idx %arg13[%get3A_198, %add3A_301], %gather3A_249 : memref<64x416xf32, #tpu.memory_space<vmem>>[vector<16xi32>, vector<16xi32>], vector<16xf32>,
      %add3A_302 = arith.constant 12 : i32
      %add3A_303 = vector.broadcast %add3A_302 : i32 to vector<16xi32>
      %add3A_304 = arith.addi %get3A_202, %add3A_303 : vector<16xi32>
      tpu.vector_store_idx %arg13[%get3A_198, %add3A_304], %gather3A_253 : memref<64x416xf32, #tpu.memory_space<vmem>>[vector<16xi32>, vector<16xi32>], vector<16xf32>,
      %add3A_305 = arith.constant 13 : i32
      %add3A_306 = vector.broadcast %add3A_305 : i32 to vector<16xi32>
      %add3A_307 = arith.addi %get3A_202, %add3A_306 : vector<16xi32>
      tpu.vector_store_idx %arg13[%get3A_198, %add3A_307], %gather3A_257 : memref<64x416xf32, #tpu.memory_space<vmem>>[vector<16xi32>, vector<16xi32>], vector<16xf32>,
      %add3A_308 = arith.constant 14 : i32
      %add3A_309 = vector.broadcast %add3A_308 : i32 to vector<16xi32>
      %add3A_310 = arith.addi %get3A_202, %add3A_309 : vector<16xi32>
      tpu.vector_store_idx %arg13[%get3A_198, %add3A_310], %gather3A_261 : memref<64x416xf32, #tpu.memory_space<vmem>>[vector<16xi32>, vector<16xi32>], vector<16xf32>,
      %add3A_311 = arith.constant 15 : i32
      %add3A_312 = vector.broadcast %add3A_311 : i32 to vector<16xi32>
      %add3A_313 = arith.addi %get3A_202, %add3A_312 : vector<16xi32>
      tpu.vector_store_idx %arg13[%get3A_198, %add3A_313], %gather3A_265 : memref<64x416xf32, #tpu.memory_space<vmem>>[vector<16xi32>, vector<16xi32>], vector<16xf32>,
    }
    %scan3A_79 = arith.constant 104 : i32
    %mul3A_80 = arith.constant 512 : i32
    %mul3A_81 = arith.muli %add3A, %mul3A_80 : i32
    %add3A_82 = arith.constant 192 : i32
    %add3A_83 = arith.addi %mul3A_81, %add3A_82 : i32
    %dma_start3A_84 = arith.constant 0 : i32
    %dma_start3A_85 = tpu.memref_slice %arg6[%add3A_83, %dma_start3A_84] : memref<16384x416xf32, #tpu.memory_space<hbm>> -> memref<64x416xf32, #tpu.memory_space<hbm>>
    %dma_start3A_86 = arith.constant 0 : i32
    %dma_start3A_87 = tpu.memref_slice %arg6[%add3A_83, %dma_start3A_86] : memref<16384x416xf32, #tpu.memory_space<hbm>> -> memref<64x416xf32, #tpu.memory_space<hbm>>
    tpu.enqueue_dma source(%arg13 : memref<64x416xf32, #tpu.memory_space<vmem>>) target(%dma_start3A_87 : memref<64x416xf32, #tpu.memory_space<hbm>>) target_semaphore(%arg17 : memref<!tpu.dma_semaphore, #tpu.memory_space<semaphore_mem>>)
    %dma_wait3A_88 = tpu.memref_slice %arg3[%add3A_67] : memref<425984xi32, #tpu.memory_space<hbm>> -> memref<1664xi32, #tpu.memory_space<hbm>>
    %dma_wait3A_89 = tpu.memref_slice %arg3[%add3A_67] : memref<425984xi32, #tpu.memory_space<hbm>> -> memref<1664xi32, #tpu.memory_space<hbm>>
    tpu.wait_dma2 semaphore(%arg14 : memref<!tpu.dma_semaphore, #tpu.memory_space<semaphore_mem>>) src(%dma_wait3A_89 : memref<1664xi32, #tpu.memory_space<hbm>>) dst(%arg10 : memref<1664xi32, #tpu.memory_space<vmem>>)
    %add3A_90 = arith.constant 8320 : i32
    %add3A_91 = arith.addi %mul3A_4, %add3A_90 : i32
    %dma_start3A_92 = tpu.memref_slice %arg3[%add3A_91] : memref<425984xi32, #tpu.memory_space<hbm>> -> memref<1664xi32, #tpu.memory_space<hbm>>
    %dma_start3A_93 = tpu.memref_slice %arg3[%add3A_91] : memref<425984xi32, #tpu.memory_space<hbm>> -> memref<1664xi32, #tpu.memory_space<hbm>>
    tpu.enqueue_dma source(%dma_start3A_93 : memref<1664xi32, #tpu.memory_space<hbm>>) target(%arg11 : memref<1664xi32, #tpu.memory_space<vmem>>) target_semaphore(%arg15 : memref<!tpu.dma_semaphore, #tpu.memory_space<semaphore_mem>>)
    %dma_wait3A_94 = arith.constant 0 : i32
    %dma_wait3A_95 = tpu.memref_slice %arg6[%add3A_59, %dma_wait3A_94] : memref<16384x416xf32, #tpu.memory_space<hbm>> -> memref<64x416xf32, #tpu.memory_space<hbm>>
    %dma_wait3A_96 = arith.constant 0 : i32
    %dma_wait3A_97 = tpu.memref_slice %arg6[%add3A_59, %dma_wait3A_96] : memref<16384x416xf32, #tpu.memory_space<hbm>> -> memref<64x416xf32, #tpu.memory_space<hbm>>
    tpu.wait_dma2 semaphore(%arg16 : memref<!tpu.dma_semaphore, #tpu.memory_space<semaphore_mem>>) src(%arg12 : memref<64x416xf32, #tpu.memory_space<vmem>>) dst(%dma_wait3A_97 : memref<64x416xf32, #tpu.memory_space<hbm>>)
    %scan3A_98 = arith.constant 0 : i32
    %scan3A_99 = arith.constant 0 : i32
    %scan3A_100 = arith.constant 104 : i32
    %scan3A_101 = arith.addi %scan3A_99, %scan3A_100 : i32
    %scan3A_102 = arith.constant 1 : i32
    scf.for %scan3A_188 = %scan3A_99 to %scan3A_101 step %scan3A_102  : i32 {
      %mul3A_189 = arith.constant 16 : i32
      %mul3A_190 = arith.muli %scan3A_188, %mul3A_189 : i32
      %get3A = arith.index_cast %mul3A_190 : i32 to index
      %get3A_191 = tpu.vector_load %arg10[%get3A] {strides = array<i32>} : memref<1664xi32, #tpu.memory_space<vmem>>, vector<16xi32>,
      %mul3A_192 = arith.constant 16 : i32
      %mul3A_193 = vector.broadcast %mul3A_192 : i32 to vector<16xi32>
      %mul3A_194 = arith.muli %get3A_191, %mul3A_193 : vector<16xi32>
      %mul3A_195 = arith.constant 16 : i32
      %mul3A_196 = arith.muli %scan3A_188, %mul3A_195 : i32
      %get3A_197 = arith.index_cast %mul3A_196 : i32 to index
      %get3A_198 = tpu.vector_load %arg8[%get3A_197] {strides = array<i32>} : memref<1664xi32, #tpu.memory_space<vmem>>, vector<16xi32>,
      %mul3A_199 = arith.constant 16 : i32
      %mul3A_200 = arith.muli %scan3A_188, %mul3A_199 : i32
      %get3A_201 = arith.index_cast %mul3A_200 : i32 to index
      %get3A_202 = tpu.vector_load %arg9[%get3A_201] {strides = array<i32>} : memref<1664xi32, #tpu.memory_space<vmem>>, vector<16xi32>,
      %add3A_203 = arith.constant 0 : i32
      %add3A_204 = vector.broadcast %add3A_203 : i32 to vector<16xi32>
      %add3A_205 = arith.addi %mul3A_194, %add3A_204 : vector<16xi32>
      %gather3A = tpu.vector_load_idx %arg7[%add3A_205] : memref<1024xf32, #tpu.memory_space<vmem>>[vector<16xi32>], vector<16xf32>,
      %add3A_206 = arith.constant 1 : i32
      %add3A_207 = vector.broadcast %add3A_206 : i32 to vector<16xi32>
      %add3A_208 = arith.addi %mul3A_194, %add3A_207 : vector<16xi32>
      %gather3A_209 = tpu.vector_load_idx %arg7[%add3A_208] : memref<1024xf32, #tpu.memory_space<vmem>>[vector<16xi32>], vector<16xf32>,
      %add3A_210 = arith.constant 2 : i32
      %add3A_211 = vector.broadcast %add3A_210 : i32 to vector<16xi32>
      %add3A_212 = arith.addi %mul3A_194, %add3A_211 : vector<16xi32>
      %gather3A_213 = tpu.vector_load_idx %arg7[%add3A_212] : memref<1024xf32, #tpu.memory_space<vmem>>[vector<16xi32>], vector<16xf32>,
      %add3A_214 = arith.constant 3 : i32
      %add3A_215 = vector.broadcast %add3A_214 : i32 to vector<16xi32>
      %add3A_216 = arith.addi %mul3A_194, %add3A_215 : vector<16xi32>
      %gather3A_217 = tpu.vector_load_idx %arg7[%add3A_216] : memref<1024xf32, #tpu.memory_space<vmem>>[vector<16xi32>], vector<16xf32>,
      %add3A_218 = arith.constant 4 : i32
      %add3A_219 = vector.broadcast %add3A_218 : i32 to vector<16xi32>
      %add3A_220 = arith.addi %mul3A_194, %add3A_219 : vector<16xi32>
      %gather3A_221 = tpu.vector_load_idx %arg7[%add3A_220] : memref<1024xf32, #tpu.memory_space<vmem>>[vector<16xi32>], vector<16xf32>,
      %add3A_222 = arith.constant 5 : i32
      %add3A_223 = vector.broadcast %add3A_222 : i32 to vector<16xi32>
      %add3A_224 = arith.addi %mul3A_194, %add3A_223 : vector<16xi32>
      %gather3A_225 = tpu.vector_load_idx %arg7[%add3A_224] : memref<1024xf32, #tpu.memory_space<vmem>>[vector<16xi32>], vector<16xf32>,
      %add3A_226 = arith.constant 6 : i32
      %add3A_227 = vector.broadcast %add3A_226 : i32 to vector<16xi32>
      %add3A_228 = arith.addi %mul3A_194, %add3A_227 : vector<16xi32>
      %gather3A_229 = tpu.vector_load_idx %arg7[%add3A_228] : memref<1024xf32, #tpu.memory_space<vmem>>[vector<16xi32>], vector<16xf32>,
      %add3A_230 = arith.constant 7 : i32
      %add3A_231 = vector.broadcast %add3A_230 : i32 to vector<16xi32>
      %add3A_232 = arith.addi %mul3A_194, %add3A_231 : vector<16xi32>
      %gather3A_233 = tpu.vector_load_idx %arg7[%add3A_232] : memref<1024xf32, #tpu.memory_space<vmem>>[vector<16xi32>], vector<16xf32>,
      %add3A_234 = arith.constant 8 : i32
      %add3A_235 = vector.broadcast %add3A_234 : i32 to vector<16xi32>
      %add3A_236 = arith.addi %mul3A_194, %add3A_235 : vector<16xi32>
      %gather3A_237 = tpu.vector_load_idx %arg7[%add3A_236] : memref<1024xf32, #tpu.memory_space<vmem>>[vector<16xi32>], vector<16xf32>,
      %add3A_238 = arith.constant 9 : i32
      %add3A_239 = vector.broadcast %add3A_238 : i32 to vector<16xi32>
      %add3A_240 = arith.addi %mul3A_194, %add3A_239 : vector<16xi32>
      %gather3A_241 = tpu.vector_load_idx %arg7[%add3A_240] : memref<1024xf32, #tpu.memory_space<vmem>>[vector<16xi32>], vector<16xf32>,
      %add3A_242 = arith.constant 10 : i32
      %add3A_243 = vector.broadcast %add3A_242 : i32 to vector<16xi32>
      %add3A_244 = arith.addi %mul3A_194, %add3A_243 : vector<16xi32>
      %gather3A_245 = tpu.vector_load_idx %arg7[%add3A_244] : memref<1024xf32, #tpu.memory_space<vmem>>[vector<16xi32>], vector<16xf32>,
      %add3A_246 = arith.constant 11 : i32
      %add3A_247 = vector.broadcast %add3A_246 : i32 to vector<16xi32>
      %add3A_248 = arith.addi %mul3A_194, %add3A_247 : vector<16xi32>
      %gather3A_249 = tpu.vector_load_idx %arg7[%add3A_248] : memref<1024xf32, #tpu.memory_space<vmem>>[vector<16xi32>], vector<16xf32>,
      %add3A_250 = arith.constant 12 : i32
      %add3A_251 = vector.broadcast %add3A_250 : i32 to vector<16xi32>
      %add3A_252 = arith.addi %mul3A_194, %add3A_251 : vector<16xi32>
      %gather3A_253 = tpu.vector_load_idx %arg7[%add3A_252] : memref<1024xf32, #tpu.memory_space<vmem>>[vector<16xi32>], vector<16xf32>,
      %add3A_254 = arith.constant 13 : i32
      %add3A_255 = vector.broadcast %add3A_254 : i32 to vector<16xi32>
      %add3A_256 = arith.addi %mul3A_194, %add3A_255 : vector<16xi32>
      %gather3A_257 = tpu.vector_load_idx %arg7[%add3A_256] : memref<1024xf32, #tpu.memory_space<vmem>>[vector<16xi32>], vector<16xf32>,
      %add3A_258 = arith.constant 14 : i32
      %add3A_259 = vector.broadcast %add3A_258 : i32 to vector<16xi32>
      %add3A_260 = arith.addi %mul3A_194, %add3A_259 : vector<16xi32>
      %gather3A_261 = tpu.vector_load_idx %arg7[%add3A_260] : memref<1024xf32, #tpu.memory_space<vmem>>[vector<16xi32>], vector<16xf32>,
      %add3A_262 = arith.constant 15 : i32
      %add3A_263 = vector.broadcast %add3A_262 : i32 to vector<16xi32>
      %add3A_264 = arith.addi %mul3A_194, %add3A_263 : vector<16xi32>
      %gather3A_265 = tpu.vector_load_idx %arg7[%add3A_264] : memref<1024xf32, #tpu.memory_space<vmem>>[vector<16xi32>], vector<16xf32>,
      %add3A_266 = arith.constant 0 : i32
      %add3A_267 = vector.broadcast %add3A_266 : i32 to vector<16xi32>
      %add3A_268 = arith.addi %get3A_202, %add3A_267 : vector<16xi32>
      tpu.vector_store_idx %arg12[%get3A_198, %add3A_268], %gather3A : memref<64x416xf32, #tpu.memory_space<vmem>>[vector<16xi32>, vector<16xi32>], vector<16xf32>,
      %add3A_269 = arith.constant 1 : i32
      %add3A_270 = vector.broadcast %add3A_269 : i32 to vector<16xi32>
      %add3A_271 = arith.addi %get3A_202, %add3A_270 : vector<16xi32>
      tpu.vector_store_idx %arg12[%get3A_198, %add3A_271], %gather3A_209 : memref<64x416xf32, #tpu.memory_space<vmem>>[vector<16xi32>, vector<16xi32>], vector<16xf32>,
      %add3A_272 = arith.constant 2 : i32
      %add3A_273 = vector.broadcast %add3A_272 : i32 to vector<16xi32>
      %add3A_274 = arith.addi %get3A_202, %add3A_273 : vector<16xi32>
      tpu.vector_store_idx %arg12[%get3A_198, %add3A_274], %gather3A_213 : memref<64x416xf32, #tpu.memory_space<vmem>>[vector<16xi32>, vector<16xi32>], vector<16xf32>,
      %add3A_275 = arith.constant 3 : i32
      %add3A_276 = vector.broadcast %add3A_275 : i32 to vector<16xi32>
      %add3A_277 = arith.addi %get3A_202, %add3A_276 : vector<16xi32>
      tpu.vector_store_idx %arg12[%get3A_198, %add3A_277], %gather3A_217 : memref<64x416xf32, #tpu.memory_space<vmem>>[vector<16xi32>, vector<16xi32>], vector<16xf32>,
      %add3A_278 = arith.constant 4 : i32
      %add3A_279 = vector.broadcast %add3A_278 : i32 to vector<16xi32>
      %add3A_280 = arith.addi %get3A_202, %add3A_279 : vector<16xi32>
      tpu.vector_store_idx %arg12[%get3A_198, %add3A_280], %gather3A_221 : memref<64x416xf32, #tpu.memory_space<vmem>>[vector<16xi32>, vector<16xi32>], vector<16xf32>,
      %add3A_281 = arith.constant 5 : i32
      %add3A_282 = vector.broadcast %add3A_281 : i32 to vector<16xi32>
      %add3A_283 = arith.addi %get3A_202, %add3A_282 : vector<16xi32>
      tpu.vector_store_idx %arg12[%get3A_198, %add3A_283], %gather3A_225 : memref<64x416xf32, #tpu.memory_space<vmem>>[vector<16xi32>, vector<16xi32>], vector<16xf32>,
      %add3A_284 = arith.constant 6 : i32
      %add3A_285 = vector.broadcast %add3A_284 : i32 to vector<16xi32>
      %add3A_286 = arith.addi %get3A_202, %add3A_285 : vector<16xi32>
      tpu.vector_store_idx %arg12[%get3A_198, %add3A_286], %gather3A_229 : memref<64x416xf32, #tpu.memory_space<vmem>>[vector<16xi32>, vector<16xi32>], vector<16xf32>,
      %add3A_287 = arith.constant 7 : i32
      %add3A_288 = vector.broadcast %add3A_287 : i32 to vector<16xi32>
      %add3A_289 = arith.addi %get3A_202, %add3A_288 : vector<16xi32>
      tpu.vector_store_idx %arg12[%get3A_198, %add3A_289], %gather3A_233 : memref<64x416xf32, #tpu.memory_space<vmem>>[vector<16xi32>, vector<16xi32>], vector<16xf32>,
      %add3A_290 = arith.constant 8 : i32
      %add3A_291 = vector.broadcast %add3A_290 : i32 to vector<16xi32>
      %add3A_292 = arith.addi %get3A_202, %add3A_291 : vector<16xi32>
      tpu.vector_store_idx %arg12[%get3A_198, %add3A_292], %gather3A_237 : memref<64x416xf32, #tpu.memory_space<vmem>>[vector<16xi32>, vector<16xi32>], vector<16xf32>,
      %add3A_293 = arith.constant 9 : i32
      %add3A_294 = vector.broadcast %add3A_293 : i32 to vector<16xi32>
      %add3A_295 = arith.addi %get3A_202, %add3A_294 : vector<16xi32>
      tpu.vector_store_idx %arg12[%get3A_198, %add3A_295], %gather3A_241 : memref<64x416xf32, #tpu.memory_space<vmem>>[vector<16xi32>, vector<16xi32>], vector<16xf32>,
      %add3A_296 = arith.constant 10 : i32
      %add3A_297 = vector.broadcast %add3A_296 : i32 to vector<16xi32>
      %add3A_298 = arith.addi %get3A_202, %add3A_297 : vector<16xi32>
      tpu.vector_store_idx %arg12[%get3A_198, %add3A_298], %gather3A_245 : memref<64x416xf32, #tpu.memory_space<vmem>>[vector<16xi32>, vector<16xi32>], vector<16xf32>,
      %add3A_299 = arith.constant 11 : i32
      %add3A_300 = vector.broadcast %add3A_299 : i32 to vector<16xi32>
      %add3A_301 = arith.addi %get3A_202, %add3A_300 : vector<16xi32>
      tpu.vector_store_idx %arg12[%get3A_198, %add3A_301], %gather3A_249 : memref<64x416xf32, #tpu.memory_space<vmem>>[vector<16xi32>, vector<16xi32>], vector<16xf32>,
      %add3A_302 = arith.constant 12 : i32
      %add3A_303 = vector.broadcast %add3A_302 : i32 to vector<16xi32>
      %add3A_304 = arith.addi %get3A_202, %add3A_303 : vector<16xi32>
      tpu.vector_store_idx %arg12[%get3A_198, %add3A_304], %gather3A_253 : memref<64x416xf32, #tpu.memory_space<vmem>>[vector<16xi32>, vector<16xi32>], vector<16xf32>,
      %add3A_305 = arith.constant 13 : i32
      %add3A_306 = vector.broadcast %add3A_305 : i32 to vector<16xi32>
      %add3A_307 = arith.addi %get3A_202, %add3A_306 : vector<16xi32>
      tpu.vector_store_idx %arg12[%get3A_198, %add3A_307], %gather3A_257 : memref<64x416xf32, #tpu.memory_space<vmem>>[vector<16xi32>, vector<16xi32>], vector<16xf32>,
      %add3A_308 = arith.constant 14 : i32
      %add3A_309 = vector.broadcast %add3A_308 : i32 to vector<16xi32>
      %add3A_310 = arith.addi %get3A_202, %add3A_309 : vector<16xi32>
      tpu.vector_store_idx %arg12[%get3A_198, %add3A_310], %gather3A_261 : memref<64x416xf32, #tpu.memory_space<vmem>>[vector<16xi32>, vector<16xi32>], vector<16xf32>,
      %add3A_311 = arith.constant 15 : i32
      %add3A_312 = vector.broadcast %add3A_311 : i32 to vector<16xi32>
      %add3A_313 = arith.addi %get3A_202, %add3A_312 : vector<16xi32>
      tpu.vector_store_idx %arg12[%get3A_198, %add3A_313], %gather3A_265 : memref<64x416xf32, #tpu.memory_space<vmem>>[vector<16xi32>, vector<16xi32>], vector<16xf32>,
    }
    %scan3A_103 = arith.constant 104 : i32
    %mul3A_104 = arith.constant 512 : i32
    %mul3A_105 = arith.muli %add3A, %mul3A_104 : i32
    %add3A_106 = arith.constant 256 : i32
    %add3A_107 = arith.addi %mul3A_105, %add3A_106 : i32
    %dma_start3A_108 = arith.constant 0 : i32
    %dma_start3A_109 = tpu.memref_slice %arg6[%add3A_107, %dma_start3A_108] : memref<16384x416xf32, #tpu.memory_space<hbm>> -> memref<64x416xf32, #tpu.memory_space<hbm>>
    %dma_start3A_110 = arith.constant 0 : i32
    %dma_start3A_111 = tpu.memref_slice %arg6[%add3A_107, %dma_start3A_110] : memref<16384x416xf32, #tpu.memory_space<hbm>> -> memref<64x416xf32, #tpu.memory_space<hbm>>
    tpu.enqueue_dma source(%arg12 : memref<64x416xf32, #tpu.memory_space<vmem>>) target(%dma_start3A_111 : memref<64x416xf32, #tpu.memory_space<hbm>>) target_semaphore(%arg16 : memref<!tpu.dma_semaphore, #tpu.memory_space<semaphore_mem>>)
    %dma_wait3A_112 = tpu.memref_slice %arg3[%add3A_91] : memref<425984xi32, #tpu.memory_space<hbm>> -> memref<1664xi32, #tpu.memory_space<hbm>>
    %dma_wait3A_113 = tpu.memref_slice %arg3[%add3A_91] : memref<425984xi32, #tpu.memory_space<hbm>> -> memref<1664xi32, #tpu.memory_space<hbm>>
    tpu.wait_dma2 semaphore(%arg15 : memref<!tpu.dma_semaphore, #tpu.memory_space<semaphore_mem>>) src(%dma_wait3A_113 : memref<1664xi32, #tpu.memory_space<hbm>>) dst(%arg11 : memref<1664xi32, #tpu.memory_space<vmem>>)
    %add3A_114 = arith.constant 9984 : i32
    %add3A_115 = arith.addi %mul3A_4, %add3A_114 : i32
    %dma_start3A_116 = tpu.memref_slice %arg3[%add3A_115] : memref<425984xi32, #tpu.memory_space<hbm>> -> memref<1664xi32, #tpu.memory_space<hbm>>
    %dma_start3A_117 = tpu.memref_slice %arg3[%add3A_115] : memref<425984xi32, #tpu.memory_space<hbm>> -> memref<1664xi32, #tpu.memory_space<hbm>>
    tpu.enqueue_dma source(%dma_start3A_117 : memref<1664xi32, #tpu.memory_space<hbm>>) target(%arg10 : memref<1664xi32, #tpu.memory_space<vmem>>) target_semaphore(%arg14 : memref<!tpu.dma_semaphore, #tpu.memory_space<semaphore_mem>>)
    %dma_wait3A_118 = arith.constant 0 : i32
    %dma_wait3A_119 = tpu.memref_slice %arg6[%add3A_83, %dma_wait3A_118] : memref<16384x416xf32, #tpu.memory_space<hbm>> -> memref<64x416xf32, #tpu.memory_space<hbm>>
    %dma_wait3A_120 = arith.constant 0 : i32
    %dma_wait3A_121 = tpu.memref_slice %arg6[%add3A_83, %dma_wait3A_120] : memref<16384x416xf32, #tpu.memory_space<hbm>> -> memref<64x416xf32, #tpu.memory_space<hbm>>
    tpu.wait_dma2 semaphore(%arg17 : memref<!tpu.dma_semaphore, #tpu.memory_space<semaphore_mem>>) src(%arg13 : memref<64x416xf32, #tpu.memory_space<vmem>>) dst(%dma_wait3A_121 : memref<64x416xf32, #tpu.memory_space<hbm>>)
    %scan3A_122 = arith.constant 0 : i32
    %scan3A_123 = arith.constant 0 : i32
    %scan3A_124 = arith.constant 104 : i32
    %scan3A_125 = arith.addi %scan3A_123, %scan3A_124 : i32
    %scan3A_126 = arith.constant 1 : i32
    scf.for %scan3A_188 = %scan3A_123 to %scan3A_125 step %scan3A_126  : i32 {
      %mul3A_189 = arith.constant 16 : i32
      %mul3A_190 = arith.muli %scan3A_188, %mul3A_189 : i32
      %get3A = arith.index_cast %mul3A_190 : i32 to index
      %get3A_191 = tpu.vector_load %arg11[%get3A] {strides = array<i32>} : memref<1664xi32, #tpu.memory_space<vmem>>, vector<16xi32>,
      %mul3A_192 = arith.constant 16 : i32
      %mul3A_193 = vector.broadcast %mul3A_192 : i32 to vector<16xi32>
      %mul3A_194 = arith.muli %get3A_191, %mul3A_193 : vector<16xi32>
      %mul3A_195 = arith.constant 16 : i32
      %mul3A_196 = arith.muli %scan3A_188, %mul3A_195 : i32
      %get3A_197 = arith.index_cast %mul3A_196 : i32 to index
      %get3A_198 = tpu.vector_load %arg8[%get3A_197] {strides = array<i32>} : memref<1664xi32, #tpu.memory_space<vmem>>, vector<16xi32>,
      %mul3A_199 = arith.constant 16 : i32
      %mul3A_200 = arith.muli %scan3A_188, %mul3A_199 : i32
      %get3A_201 = arith.index_cast %mul3A_200 : i32 to index
      %get3A_202 = tpu.vector_load %arg9[%get3A_201] {strides = array<i32>} : memref<1664xi32, #tpu.memory_space<vmem>>, vector<16xi32>,
      %add3A_203 = arith.constant 0 : i32
      %add3A_204 = vector.broadcast %add3A_203 : i32 to vector<16xi32>
      %add3A_205 = arith.addi %mul3A_194, %add3A_204 : vector<16xi32>
      %gather3A = tpu.vector_load_idx %arg7[%add3A_205] : memref<1024xf32, #tpu.memory_space<vmem>>[vector<16xi32>], vector<16xf32>,
      %add3A_206 = arith.constant 1 : i32
      %add3A_207 = vector.broadcast %add3A_206 : i32 to vector<16xi32>
      %add3A_208 = arith.addi %mul3A_194, %add3A_207 : vector<16xi32>
      %gather3A_209 = tpu.vector_load_idx %arg7[%add3A_208] : memref<1024xf32, #tpu.memory_space<vmem>>[vector<16xi32>], vector<16xf32>,
      %add3A_210 = arith.constant 2 : i32
      %add3A_211 = vector.broadcast %add3A_210 : i32 to vector<16xi32>
      %add3A_212 = arith.addi %mul3A_194, %add3A_211 : vector<16xi32>
      %gather3A_213 = tpu.vector_load_idx %arg7[%add3A_212] : memref<1024xf32, #tpu.memory_space<vmem>>[vector<16xi32>], vector<16xf32>,
      %add3A_214 = arith.constant 3 : i32
      %add3A_215 = vector.broadcast %add3A_214 : i32 to vector<16xi32>
      %add3A_216 = arith.addi %mul3A_194, %add3A_215 : vector<16xi32>
      %gather3A_217 = tpu.vector_load_idx %arg7[%add3A_216] : memref<1024xf32, #tpu.memory_space<vmem>>[vector<16xi32>], vector<16xf32>,
      %add3A_218 = arith.constant 4 : i32
      %add3A_219 = vector.broadcast %add3A_218 : i32 to vector<16xi32>
      %add3A_220 = arith.addi %mul3A_194, %add3A_219 : vector<16xi32>
      %gather3A_221 = tpu.vector_load_idx %arg7[%add3A_220] : memref<1024xf32, #tpu.memory_space<vmem>>[vector<16xi32>], vector<16xf32>,
      %add3A_222 = arith.constant 5 : i32
      %add3A_223 = vector.broadcast %add3A_222 : i32 to vector<16xi32>
      %add3A_224 = arith.addi %mul3A_194, %add3A_223 : vector<16xi32>
      %gather3A_225 = tpu.vector_load_idx %arg7[%add3A_224] : memref<1024xf32, #tpu.memory_space<vmem>>[vector<16xi32>], vector<16xf32>,
      %add3A_226 = arith.constant 6 : i32
      %add3A_227 = vector.broadcast %add3A_226 : i32 to vector<16xi32>
      %add3A_228 = arith.addi %mul3A_194, %add3A_227 : vector<16xi32>
      %gather3A_229 = tpu.vector_load_idx %arg7[%add3A_228] : memref<1024xf32, #tpu.memory_space<vmem>>[vector<16xi32>], vector<16xf32>,
      %add3A_230 = arith.constant 7 : i32
      %add3A_231 = vector.broadcast %add3A_230 : i32 to vector<16xi32>
      %add3A_232 = arith.addi %mul3A_194, %add3A_231 : vector<16xi32>
      %gather3A_233 = tpu.vector_load_idx %arg7[%add3A_232] : memref<1024xf32, #tpu.memory_space<vmem>>[vector<16xi32>], vector<16xf32>,
      %add3A_234 = arith.constant 8 : i32
      %add3A_235 = vector.broadcast %add3A_234 : i32 to vector<16xi32>
      %add3A_236 = arith.addi %mul3A_194, %add3A_235 : vector<16xi32>
      %gather3A_237 = tpu.vector_load_idx %arg7[%add3A_236] : memref<1024xf32, #tpu.memory_space<vmem>>[vector<16xi32>], vector<16xf32>,
      %add3A_238 = arith.constant 9 : i32
      %add3A_239 = vector.broadcast %add3A_238 : i32 to vector<16xi32>
      %add3A_240 = arith.addi %mul3A_194, %add3A_239 : vector<16xi32>
      %gather3A_241 = tpu.vector_load_idx %arg7[%add3A_240] : memref<1024xf32, #tpu.memory_space<vmem>>[vector<16xi32>], vector<16xf32>,
      %add3A_242 = arith.constant 10 : i32
      %add3A_243 = vector.broadcast %add3A_242 : i32 to vector<16xi32>
      %add3A_244 = arith.addi %mul3A_194, %add3A_243 : vector<16xi32>
      %gather3A_245 = tpu.vector_load_idx %arg7[%add3A_244] : memref<1024xf32, #tpu.memory_space<vmem>>[vector<16xi32>], vector<16xf32>,
      %add3A_246 = arith.constant 11 : i32
      %add3A_247 = vector.broadcast %add3A_246 : i32 to vector<16xi32>
      %add3A_248 = arith.addi %mul3A_194, %add3A_247 : vector<16xi32>
      %gather3A_249 = tpu.vector_load_idx %arg7[%add3A_248] : memref<1024xf32, #tpu.memory_space<vmem>>[vector<16xi32>], vector<16xf32>,
      %add3A_250 = arith.constant 12 : i32
      %add3A_251 = vector.broadcast %add3A_250 : i32 to vector<16xi32>
      %add3A_252 = arith.addi %mul3A_194, %add3A_251 : vector<16xi32>
      %gather3A_253 = tpu.vector_load_idx %arg7[%add3A_252] : memref<1024xf32, #tpu.memory_space<vmem>>[vector<16xi32>], vector<16xf32>,
      %add3A_254 = arith.constant 13 : i32
      %add3A_255 = vector.broadcast %add3A_254 : i32 to vector<16xi32>
      %add3A_256 = arith.addi %mul3A_194, %add3A_255 : vector<16xi32>
      %gather3A_257 = tpu.vector_load_idx %arg7[%add3A_256] : memref<1024xf32, #tpu.memory_space<vmem>>[vector<16xi32>], vector<16xf32>,
      %add3A_258 = arith.constant 14 : i32
      %add3A_259 = vector.broadcast %add3A_258 : i32 to vector<16xi32>
      %add3A_260 = arith.addi %mul3A_194, %add3A_259 : vector<16xi32>
      %gather3A_261 = tpu.vector_load_idx %arg7[%add3A_260] : memref<1024xf32, #tpu.memory_space<vmem>>[vector<16xi32>], vector<16xf32>,
      %add3A_262 = arith.constant 15 : i32
      %add3A_263 = vector.broadcast %add3A_262 : i32 to vector<16xi32>
      %add3A_264 = arith.addi %mul3A_194, %add3A_263 : vector<16xi32>
      %gather3A_265 = tpu.vector_load_idx %arg7[%add3A_264] : memref<1024xf32, #tpu.memory_space<vmem>>[vector<16xi32>], vector<16xf32>,
      %add3A_266 = arith.constant 0 : i32
      %add3A_267 = vector.broadcast %add3A_266 : i32 to vector<16xi32>
      %add3A_268 = arith.addi %get3A_202, %add3A_267 : vector<16xi32>
      tpu.vector_store_idx %arg13[%get3A_198, %add3A_268], %gather3A : memref<64x416xf32, #tpu.memory_space<vmem>>[vector<16xi32>, vector<16xi32>], vector<16xf32>,
      %add3A_269 = arith.constant 1 : i32
      %add3A_270 = vector.broadcast %add3A_269 : i32 to vector<16xi32>
      %add3A_271 = arith.addi %get3A_202, %add3A_270 : vector<16xi32>
      tpu.vector_store_idx %arg13[%get3A_198, %add3A_271], %gather3A_209 : memref<64x416xf32, #tpu.memory_space<vmem>>[vector<16xi32>, vector<16xi32>], vector<16xf32>,
      %add3A_272 = arith.constant 2 : i32
      %add3A_273 = vector.broadcast %add3A_272 : i32 to vector<16xi32>
      %add3A_274 = arith.addi %get3A_202, %add3A_273 : vector<16xi32>
      tpu.vector_store_idx %arg13[%get3A_198, %add3A_274], %gather3A_213 : memref<64x416xf32, #tpu.memory_space<vmem>>[vector<16xi32>, vector<16xi32>], vector<16xf32>,
      %add3A_275 = arith.constant 3 : i32
      %add3A_276 = vector.broadcast %add3A_275 : i32 to vector<16xi32>
      %add3A_277 = arith.addi %get3A_202, %add3A_276 : vector<16xi32>
      tpu.vector_store_idx %arg13[%get3A_198, %add3A_277], %gather3A_217 : memref<64x416xf32, #tpu.memory_space<vmem>>[vector<16xi32>, vector<16xi32>], vector<16xf32>,
      %add3A_278 = arith.constant 4 : i32
      %add3A_279 = vector.broadcast %add3A_278 : i32 to vector<16xi32>
      %add3A_280 = arith.addi %get3A_202, %add3A_279 : vector<16xi32>
      tpu.vector_store_idx %arg13[%get3A_198, %add3A_280], %gather3A_221 : memref<64x416xf32, #tpu.memory_space<vmem>>[vector<16xi32>, vector<16xi32>], vector<16xf32>,
      %add3A_281 = arith.constant 5 : i32
      %add3A_282 = vector.broadcast %add3A_281 : i32 to vector<16xi32>
      %add3A_283 = arith.addi %get3A_202, %add3A_282 : vector<16xi32>
      tpu.vector_store_idx %arg13[%get3A_198, %add3A_283], %gather3A_225 : memref<64x416xf32, #tpu.memory_space<vmem>>[vector<16xi32>, vector<16xi32>], vector<16xf32>,
      %add3A_284 = arith.constant 6 : i32
      %add3A_285 = vector.broadcast %add3A_284 : i32 to vector<16xi32>
      %add3A_286 = arith.addi %get3A_202, %add3A_285 : vector<16xi32>
      tpu.vector_store_idx %arg13[%get3A_198, %add3A_286], %gather3A_229 : memref<64x416xf32, #tpu.memory_space<vmem>>[vector<16xi32>, vector<16xi32>], vector<16xf32>,
      %add3A_287 = arith.constant 7 : i32
      %add3A_288 = vector.broadcast %add3A_287 : i32 to vector<16xi32>
      %add3A_289 = arith.addi %get3A_202, %add3A_288 : vector<16xi32>
      tpu.vector_store_idx %arg13[%get3A_198, %add3A_289], %gather3A_233 : memref<64x416xf32, #tpu.memory_space<vmem>>[vector<16xi32>, vector<16xi32>], vector<16xf32>,
      %add3A_290 = arith.constant 8 : i32
      %add3A_291 = vector.broadcast %add3A_290 : i32 to vector<16xi32>
      %add3A_292 = arith.addi %get3A_202, %add3A_291 : vector<16xi32>
      tpu.vector_store_idx %arg13[%get3A_198, %add3A_292], %gather3A_237 : memref<64x416xf32, #tpu.memory_space<vmem>>[vector<16xi32>, vector<16xi32>], vector<16xf32>,
      %add3A_293 = arith.constant 9 : i32
      %add3A_294 = vector.broadcast %add3A_293 : i32 to vector<16xi32>
      %add3A_295 = arith.addi %get3A_202, %add3A_294 : vector<16xi32>
      tpu.vector_store_idx %arg13[%get3A_198, %add3A_295], %gather3A_241 : memref<64x416xf32, #tpu.memory_space<vmem>>[vector<16xi32>, vector<16xi32>], vector<16xf32>,
      %add3A_296 = arith.constant 10 : i32
      %add3A_297 = vector.broadcast %add3A_296 : i32 to vector<16xi32>
      %add3A_298 = arith.addi %get3A_202, %add3A_297 : vector<16xi32>
      tpu.vector_store_idx %arg13[%get3A_198, %add3A_298], %gather3A_245 : memref<64x416xf32, #tpu.memory_space<vmem>>[vector<16xi32>, vector<16xi32>], vector<16xf32>,
      %add3A_299 = arith.constant 11 : i32
      %add3A_300 = vector.broadcast %add3A_299 : i32 to vector<16xi32>
      %add3A_301 = arith.addi %get3A_202, %add3A_300 : vector<16xi32>
      tpu.vector_store_idx %arg13[%get3A_198, %add3A_301], %gather3A_249 : memref<64x416xf32, #tpu.memory_space<vmem>>[vector<16xi32>, vector<16xi32>], vector<16xf32>,
      %add3A_302 = arith.constant 12 : i32
      %add3A_303 = vector.broadcast %add3A_302 : i32 to vector<16xi32>
      %add3A_304 = arith.addi %get3A_202, %add3A_303 : vector<16xi32>
      tpu.vector_store_idx %arg13[%get3A_198, %add3A_304], %gather3A_253 : memref<64x416xf32, #tpu.memory_space<vmem>>[vector<16xi32>, vector<16xi32>], vector<16xf32>,
      %add3A_305 = arith.constant 13 : i32
      %add3A_306 = vector.broadcast %add3A_305 : i32 to vector<16xi32>
      %add3A_307 = arith.addi %get3A_202, %add3A_306 : vector<16xi32>
      tpu.vector_store_idx %arg13[%get3A_198, %add3A_307], %gather3A_257 : memref<64x416xf32, #tpu.memory_space<vmem>>[vector<16xi32>, vector<16xi32>], vector<16xf32>,
      %add3A_308 = arith.constant 14 : i32
      %add3A_309 = vector.broadcast %add3A_308 : i32 to vector<16xi32>
      %add3A_310 = arith.addi %get3A_202, %add3A_309 : vector<16xi32>
      tpu.vector_store_idx %arg13[%get3A_198, %add3A_310], %gather3A_261 : memref<64x416xf32, #tpu.memory_space<vmem>>[vector<16xi32>, vector<16xi32>], vector<16xf32>,
      %add3A_311 = arith.constant 15 : i32
      %add3A_312 = vector.broadcast %add3A_311 : i32 to vector<16xi32>
      %add3A_313 = arith.addi %get3A_202, %add3A_312 : vector<16xi32>
      tpu.vector_store_idx %arg13[%get3A_198, %add3A_313], %gather3A_265 : memref<64x416xf32, #tpu.memory_space<vmem>>[vector<16xi32>, vector<16xi32>], vector<16xf32>,
    }
    %scan3A_127 = arith.constant 104 : i32
    %mul3A_128 = arith.constant 512 : i32
    %mul3A_129 = arith.muli %add3A, %mul3A_128 : i32
    %add3A_130 = arith.constant 320 : i32
    %add3A_131 = arith.addi %mul3A_129, %add3A_130 : i32
    %dma_start3A_132 = arith.constant 0 : i32
    %dma_start3A_133 = tpu.memref_slice %arg6[%add3A_131, %dma_start3A_132] : memref<16384x416xf32, #tpu.memory_space<hbm>> -> memref<64x416xf32, #tpu.memory_space<hbm>>
    %dma_start3A_134 = arith.constant 0 : i32
    %dma_start3A_135 = tpu.memref_slice %arg6[%add3A_131, %dma_start3A_134] : memref<16384x416xf32, #tpu.memory_space<hbm>> -> memref<64x416xf32, #tpu.memory_space<hbm>>
    tpu.enqueue_dma source(%arg13 : memref<64x416xf32, #tpu.memory_space<vmem>>) target(%dma_start3A_135 : memref<64x416xf32, #tpu.memory_space<hbm>>) target_semaphore(%arg17 : memref<!tpu.dma_semaphore, #tpu.memory_space<semaphore_mem>>)
    %dma_wait3A_136 = tpu.memref_slice %arg3[%add3A_115] : memref<425984xi32, #tpu.memory_space<hbm>> -> memref<1664xi32, #tpu.memory_space<hbm>>
    %dma_wait3A_137 = tpu.memref_slice %arg3[%add3A_115] : memref<425984xi32, #tpu.memory_space<hbm>> -> memref<1664xi32, #tpu.memory_space<hbm>>
    tpu.wait_dma2 semaphore(%arg14 : memref<!tpu.dma_semaphore, #tpu.memory_space<semaphore_mem>>) src(%dma_wait3A_137 : memref<1664xi32, #tpu.memory_space<hbm>>) dst(%arg10 : memref<1664xi32, #tpu.memory_space<vmem>>)
    %add3A_138 = arith.constant 11648 : i32
    %add3A_139 = arith.addi %mul3A_4, %add3A_138 : i32
    %dma_start3A_140 = tpu.memref_slice %arg3[%add3A_139] : memref<425984xi32, #tpu.memory_space<hbm>> -> memref<1664xi32, #tpu.memory_space<hbm>>
    %dma_start3A_141 = tpu.memref_slice %arg3[%add3A_139] : memref<425984xi32, #tpu.memory_space<hbm>> -> memref<1664xi32, #tpu.memory_space<hbm>>
    tpu.enqueue_dma source(%dma_start3A_141 : memref<1664xi32, #tpu.memory_space<hbm>>) target(%arg11 : memref<1664xi32, #tpu.memory_space<vmem>>) target_semaphore(%arg15 : memref<!tpu.dma_semaphore, #tpu.memory_space<semaphore_mem>>)
    %dma_wait3A_142 = arith.constant 0 : i32
    %dma_wait3A_143 = tpu.memref_slice %arg6[%add3A_107, %dma_wait3A_142] : memref<16384x416xf32, #tpu.memory_space<hbm>> -> memref<64x416xf32, #tpu.memory_space<hbm>>
    %dma_wait3A_144 = arith.constant 0 : i32
    %dma_wait3A_145 = tpu.memref_slice %arg6[%add3A_107, %dma_wait3A_144] : memref<16384x416xf32, #tpu.memory_space<hbm>> -> memref<64x416xf32, #tpu.memory_space<hbm>>
    tpu.wait_dma2 semaphore(%arg16 : memref<!tpu.dma_semaphore, #tpu.memory_space<semaphore_mem>>) src(%arg12 : memref<64x416xf32, #tpu.memory_space<vmem>>) dst(%dma_wait3A_145 : memref<64x416xf32, #tpu.memory_space<hbm>>)
    %scan3A_146 = arith.constant 0 : i32
    %scan3A_147 = arith.constant 0 : i32
    %scan3A_148 = arith.constant 104 : i32
    %scan3A_149 = arith.addi %scan3A_147, %scan3A_148 : i32
    %scan3A_150 = arith.constant 1 : i32
    scf.for %scan3A_188 = %scan3A_147 to %scan3A_149 step %scan3A_150  : i32 {
      %mul3A_189 = arith.constant 16 : i32
      %mul3A_190 = arith.muli %scan3A_188, %mul3A_189 : i32
      %get3A = arith.index_cast %mul3A_190 : i32 to index
      %get3A_191 = tpu.vector_load %arg10[%get3A] {strides = array<i32>} : memref<1664xi32, #tpu.memory_space<vmem>>, vector<16xi32>,
      %mul3A_192 = arith.constant 16 : i32
      %mul3A_193 = vector.broadcast %mul3A_192 : i32 to vector<16xi32>
      %mul3A_194 = arith.muli %get3A_191, %mul3A_193 : vector<16xi32>
      %mul3A_195 = arith.constant 16 : i32
      %mul3A_196 = arith.muli %scan3A_188, %mul3A_195 : i32
      %get3A_197 = arith.index_cast %mul3A_196 : i32 to index
      %get3A_198 = tpu.vector_load %arg8[%get3A_197] {strides = array<i32>} : memref<1664xi32, #tpu.memory_space<vmem>>, vector<16xi32>,
      %mul3A_199 = arith.constant 16 : i32
      %mul3A_200 = arith.muli %scan3A_188, %mul3A_199 : i32
      %get3A_201 = arith.index_cast %mul3A_200 : i32 to index
      %get3A_202 = tpu.vector_load %arg9[%get3A_201] {strides = array<i32>} : memref<1664xi32, #tpu.memory_space<vmem>>, vector<16xi32>,
      %add3A_203 = arith.constant 0 : i32
      %add3A_204 = vector.broadcast %add3A_203 : i32 to vector<16xi32>
      %add3A_205 = arith.addi %mul3A_194, %add3A_204 : vector<16xi32>
      %gather3A = tpu.vector_load_idx %arg7[%add3A_205] : memref<1024xf32, #tpu.memory_space<vmem>>[vector<16xi32>], vector<16xf32>,
      %add3A_206 = arith.constant 1 : i32
      %add3A_207 = vector.broadcast %add3A_206 : i32 to vector<16xi32>
      %add3A_208 = arith.addi %mul3A_194, %add3A_207 : vector<16xi32>
      %gather3A_209 = tpu.vector_load_idx %arg7[%add3A_208] : memref<1024xf32, #tpu.memory_space<vmem>>[vector<16xi32>], vector<16xf32>,
      %add3A_210 = arith.constant 2 : i32
      %add3A_211 = vector.broadcast %add3A_210 : i32 to vector<16xi32>
      %add3A_212 = arith.addi %mul3A_194, %add3A_211 : vector<16xi32>
      %gather3A_213 = tpu.vector_load_idx %arg7[%add3A_212] : memref<1024xf32, #tpu.memory_space<vmem>>[vector<16xi32>], vector<16xf32>,
      %add3A_214 = arith.constant 3 : i32
      %add3A_215 = vector.broadcast %add3A_214 : i32 to vector<16xi32>
      %add3A_216 = arith.addi %mul3A_194, %add3A_215 : vector<16xi32>
      %gather3A_217 = tpu.vector_load_idx %arg7[%add3A_216] : memref<1024xf32, #tpu.memory_space<vmem>>[vector<16xi32>], vector<16xf32>,
      %add3A_218 = arith.constant 4 : i32
      %add3A_219 = vector.broadcast %add3A_218 : i32 to vector<16xi32>
      %add3A_220 = arith.addi %mul3A_194, %add3A_219 : vector<16xi32>
      %gather3A_221 = tpu.vector_load_idx %arg7[%add3A_220] : memref<1024xf32, #tpu.memory_space<vmem>>[vector<16xi32>], vector<16xf32>,
      %add3A_222 = arith.constant 5 : i32
      %add3A_223 = vector.broadcast %add3A_222 : i32 to vector<16xi32>
      %add3A_224 = arith.addi %mul3A_194, %add3A_223 : vector<16xi32>
      %gather3A_225 = tpu.vector_load_idx %arg7[%add3A_224] : memref<1024xf32, #tpu.memory_space<vmem>>[vector<16xi32>], vector<16xf32>,
      %add3A_226 = arith.constant 6 : i32
      %add3A_227 = vector.broadcast %add3A_226 : i32 to vector<16xi32>
      %add3A_228 = arith.addi %mul3A_194, %add3A_227 : vector<16xi32>
      %gather3A_229 = tpu.vector_load_idx %arg7[%add3A_228] : memref<1024xf32, #tpu.memory_space<vmem>>[vector<16xi32>], vector<16xf32>,
      %add3A_230 = arith.constant 7 : i32
      %add3A_231 = vector.broadcast %add3A_230 : i32 to vector<16xi32>
      %add3A_232 = arith.addi %mul3A_194, %add3A_231 : vector<16xi32>
      %gather3A_233 = tpu.vector_load_idx %arg7[%add3A_232] : memref<1024xf32, #tpu.memory_space<vmem>>[vector<16xi32>], vector<16xf32>,
      %add3A_234 = arith.constant 8 : i32
      %add3A_235 = vector.broadcast %add3A_234 : i32 to vector<16xi32>
      %add3A_236 = arith.addi %mul3A_194, %add3A_235 : vector<16xi32>
      %gather3A_237 = tpu.vector_load_idx %arg7[%add3A_236] : memref<1024xf32, #tpu.memory_space<vmem>>[vector<16xi32>], vector<16xf32>,
      %add3A_238 = arith.constant 9 : i32
      %add3A_239 = vector.broadcast %add3A_238 : i32 to vector<16xi32>
      %add3A_240 = arith.addi %mul3A_194, %add3A_239 : vector<16xi32>
      %gather3A_241 = tpu.vector_load_idx %arg7[%add3A_240] : memref<1024xf32, #tpu.memory_space<vmem>>[vector<16xi32>], vector<16xf32>,
      %add3A_242 = arith.constant 10 : i32
      %add3A_243 = vector.broadcast %add3A_242 : i32 to vector<16xi32>
      %add3A_244 = arith.addi %mul3A_194, %add3A_243 : vector<16xi32>
      %gather3A_245 = tpu.vector_load_idx %arg7[%add3A_244] : memref<1024xf32, #tpu.memory_space<vmem>>[vector<16xi32>], vector<16xf32>,
      %add3A_246 = arith.constant 11 : i32
      %add3A_247 = vector.broadcast %add3A_246 : i32 to vector<16xi32>
      %add3A_248 = arith.addi %mul3A_194, %add3A_247 : vector<16xi32>
      %gather3A_249 = tpu.vector_load_idx %arg7[%add3A_248] : memref<1024xf32, #tpu.memory_space<vmem>>[vector<16xi32>], vector<16xf32>,
      %add3A_250 = arith.constant 12 : i32
      %add3A_251 = vector.broadcast %add3A_250 : i32 to vector<16xi32>
      %add3A_252 = arith.addi %mul3A_194, %add3A_251 : vector<16xi32>
      %gather3A_253 = tpu.vector_load_idx %arg7[%add3A_252] : memref<1024xf32, #tpu.memory_space<vmem>>[vector<16xi32>], vector<16xf32>,
      %add3A_254 = arith.constant 13 : i32
      %add3A_255 = vector.broadcast %add3A_254 : i32 to vector<16xi32>
      %add3A_256 = arith.addi %mul3A_194, %add3A_255 : vector<16xi32>
      %gather3A_257 = tpu.vector_load_idx %arg7[%add3A_256] : memref<1024xf32, #tpu.memory_space<vmem>>[vector<16xi32>], vector<16xf32>,
      %add3A_258 = arith.constant 14 : i32
      %add3A_259 = vector.broadcast %add3A_258 : i32 to vector<16xi32>
      %add3A_260 = arith.addi %mul3A_194, %add3A_259 : vector<16xi32>
      %gather3A_261 = tpu.vector_load_idx %arg7[%add3A_260] : memref<1024xf32, #tpu.memory_space<vmem>>[vector<16xi32>], vector<16xf32>,
      %add3A_262 = arith.constant 15 : i32
      %add3A_263 = vector.broadcast %add3A_262 : i32 to vector<16xi32>
      %add3A_264 = arith.addi %mul3A_194, %add3A_263 : vector<16xi32>
      %gather3A_265 = tpu.vector_load_idx %arg7[%add3A_264] : memref<1024xf32, #tpu.memory_space<vmem>>[vector<16xi32>], vector<16xf32>,
      %add3A_266 = arith.constant 0 : i32
      %add3A_267 = vector.broadcast %add3A_266 : i32 to vector<16xi32>
      %add3A_268 = arith.addi %get3A_202, %add3A_267 : vector<16xi32>
      tpu.vector_store_idx %arg12[%get3A_198, %add3A_268], %gather3A : memref<64x416xf32, #tpu.memory_space<vmem>>[vector<16xi32>, vector<16xi32>], vector<16xf32>,
      %add3A_269 = arith.constant 1 : i32
      %add3A_270 = vector.broadcast %add3A_269 : i32 to vector<16xi32>
      %add3A_271 = arith.addi %get3A_202, %add3A_270 : vector<16xi32>
      tpu.vector_store_idx %arg12[%get3A_198, %add3A_271], %gather3A_209 : memref<64x416xf32, #tpu.memory_space<vmem>>[vector<16xi32>, vector<16xi32>], vector<16xf32>,
      %add3A_272 = arith.constant 2 : i32
      %add3A_273 = vector.broadcast %add3A_272 : i32 to vector<16xi32>
      %add3A_274 = arith.addi %get3A_202, %add3A_273 : vector<16xi32>
      tpu.vector_store_idx %arg12[%get3A_198, %add3A_274], %gather3A_213 : memref<64x416xf32, #tpu.memory_space<vmem>>[vector<16xi32>, vector<16xi32>], vector<16xf32>,
      %add3A_275 = arith.constant 3 : i32
      %add3A_276 = vector.broadcast %add3A_275 : i32 to vector<16xi32>
      %add3A_277 = arith.addi %get3A_202, %add3A_276 : vector<16xi32>
      tpu.vector_store_idx %arg12[%get3A_198, %add3A_277], %gather3A_217 : memref<64x416xf32, #tpu.memory_space<vmem>>[vector<16xi32>, vector<16xi32>], vector<16xf32>,
      %add3A_278 = arith.constant 4 : i32
      %add3A_279 = vector.broadcast %add3A_278 : i32 to vector<16xi32>
      %add3A_280 = arith.addi %get3A_202, %add3A_279 : vector<16xi32>
      tpu.vector_store_idx %arg12[%get3A_198, %add3A_280], %gather3A_221 : memref<64x416xf32, #tpu.memory_space<vmem>>[vector<16xi32>, vector<16xi32>], vector<16xf32>,
      %add3A_281 = arith.constant 5 : i32
      %add3A_282 = vector.broadcast %add3A_281 : i32 to vector<16xi32>
      %add3A_283 = arith.addi %get3A_202, %add3A_282 : vector<16xi32>
      tpu.vector_store_idx %arg12[%get3A_198, %add3A_283], %gather3A_225 : memref<64x416xf32, #tpu.memory_space<vmem>>[vector<16xi32>, vector<16xi32>], vector<16xf32>,
      %add3A_284 = arith.constant 6 : i32
      %add3A_285 = vector.broadcast %add3A_284 : i32 to vector<16xi32>
      %add3A_286 = arith.addi %get3A_202, %add3A_285 : vector<16xi32>
      tpu.vector_store_idx %arg12[%get3A_198, %add3A_286], %gather3A_229 : memref<64x416xf32, #tpu.memory_space<vmem>>[vector<16xi32>, vector<16xi32>], vector<16xf32>,
      %add3A_287 = arith.constant 7 : i32
      %add3A_288 = vector.broadcast %add3A_287 : i32 to vector<16xi32>
      %add3A_289 = arith.addi %get3A_202, %add3A_288 : vector<16xi32>
      tpu.vector_store_idx %arg12[%get3A_198, %add3A_289], %gather3A_233 : memref<64x416xf32, #tpu.memory_space<vmem>>[vector<16xi32>, vector<16xi32>], vector<16xf32>,
      %add3A_290 = arith.constant 8 : i32
      %add3A_291 = vector.broadcast %add3A_290 : i32 to vector<16xi32>
      %add3A_292 = arith.addi %get3A_202, %add3A_291 : vector<16xi32>
      tpu.vector_store_idx %arg12[%get3A_198, %add3A_292], %gather3A_237 : memref<64x416xf32, #tpu.memory_space<vmem>>[vector<16xi32>, vector<16xi32>], vector<16xf32>,
      %add3A_293 = arith.constant 9 : i32
      %add3A_294 = vector.broadcast %add3A_293 : i32 to vector<16xi32>
      %add3A_295 = arith.addi %get3A_202, %add3A_294 : vector<16xi32>
      tpu.vector_store_idx %arg12[%get3A_198, %add3A_295], %gather3A_241 : memref<64x416xf32, #tpu.memory_space<vmem>>[vector<16xi32>, vector<16xi32>], vector<16xf32>,
      %add3A_296 = arith.constant 10 : i32
      %add3A_297 = vector.broadcast %add3A_296 : i32 to vector<16xi32>
      %add3A_298 = arith.addi %get3A_202, %add3A_297 : vector<16xi32>
      tpu.vector_store_idx %arg12[%get3A_198, %add3A_298], %gather3A_245 : memref<64x416xf32, #tpu.memory_space<vmem>>[vector<16xi32>, vector<16xi32>], vector<16xf32>,
      %add3A_299 = arith.constant 11 : i32
      %add3A_300 = vector.broadcast %add3A_299 : i32 to vector<16xi32>
      %add3A_301 = arith.addi %get3A_202, %add3A_300 : vector<16xi32>
      tpu.vector_store_idx %arg12[%get3A_198, %add3A_301], %gather3A_249 : memref<64x416xf32, #tpu.memory_space<vmem>>[vector<16xi32>, vector<16xi32>], vector<16xf32>,
      %add3A_302 = arith.constant 12 : i32
      %add3A_303 = vector.broadcast %add3A_302 : i32 to vector<16xi32>
      %add3A_304 = arith.addi %get3A_202, %add3A_303 : vector<16xi32>
      tpu.vector_store_idx %arg12[%get3A_198, %add3A_304], %gather3A_253 : memref<64x416xf32, #tpu.memory_space<vmem>>[vector<16xi32>, vector<16xi32>], vector<16xf32>,
      %add3A_305 = arith.constant 13 : i32
      %add3A_306 = vector.broadcast %add3A_305 : i32 to vector<16xi32>
      %add3A_307 = arith.addi %get3A_202, %add3A_306 : vector<16xi32>
      tpu.vector_store_idx %arg12[%get3A_198, %add3A_307], %gather3A_257 : memref<64x416xf32, #tpu.memory_space<vmem>>[vector<16xi32>, vector<16xi32>], vector<16xf32>,
      %add3A_308 = arith.constant 14 : i32
      %add3A_309 = vector.broadcast %add3A_308 : i32 to vector<16xi32>
      %add3A_310 = arith.addi %get3A_202, %add3A_309 : vector<16xi32>
      tpu.vector_store_idx %arg12[%get3A_198, %add3A_310], %gather3A_261 : memref<64x416xf32, #tpu.memory_space<vmem>>[vector<16xi32>, vector<16xi32>], vector<16xf32>,
      %add3A_311 = arith.constant 15 : i32
      %add3A_312 = vector.broadcast %add3A_311 : i32 to vector<16xi32>
      %add3A_313 = arith.addi %get3A_202, %add3A_312 : vector<16xi32>
      tpu.vector_store_idx %arg12[%get3A_198, %add3A_313], %gather3A_265 : memref<64x416xf32, #tpu.memory_space<vmem>>[vector<16xi32>, vector<16xi32>], vector<16xf32>,
    }
    %scan3A_151 = arith.constant 104 : i32
    %mul3A_152 = arith.constant 512 : i32
    %mul3A_153 = arith.muli %add3A, %mul3A_152 : i32
    %add3A_154 = arith.constant 384 : i32
    %add3A_155 = arith.addi %mul3A_153, %add3A_154 : i32
    %dma_start3A_156 = arith.constant 0 : i32
    %dma_start3A_157 = tpu.memref_slice %arg6[%add3A_155, %dma_start3A_156] : memref<16384x416xf32, #tpu.memory_space<hbm>> -> memref<64x416xf32, #tpu.memory_space<hbm>>
    %dma_start3A_158 = arith.constant 0 : i32
    %dma_start3A_159 = tpu.memref_slice %arg6[%add3A_155, %dma_start3A_158] : memref<16384x416xf32, #tpu.memory_space<hbm>> -> memref<64x416xf32, #tpu.memory_space<hbm>>
    tpu.enqueue_dma source(%arg12 : memref<64x416xf32, #tpu.memory_space<vmem>>) target(%dma_start3A_159 : memref<64x416xf32, #tpu.memory_space<hbm>>) target_semaphore(%arg16 : memref<!tpu.dma_semaphore, #tpu.memory_space<semaphore_mem>>)
    %dma_wait3A_160 = tpu.memref_slice %arg3[%add3A_139] : memref<425984xi32, #tpu.memory_space<hbm>> -> memref<1664xi32, #tpu.memory_space<hbm>>
    %dma_wait3A_161 = tpu.memref_slice %arg3[%add3A_139] : memref<425984xi32, #tpu.memory_space<hbm>> -> memref<1664xi32, #tpu.memory_space<hbm>>
    tpu.wait_dma2 semaphore(%arg15 : memref<!tpu.dma_semaphore, #tpu.memory_space<semaphore_mem>>) src(%dma_wait3A_161 : memref<1664xi32, #tpu.memory_space<hbm>>) dst(%arg11 : memref<1664xi32, #tpu.memory_space<vmem>>)
    %dma_wait3A_162 = arith.constant 0 : i32
    %dma_wait3A_163 = tpu.memref_slice %arg6[%add3A_131, %dma_wait3A_162] : memref<16384x416xf32, #tpu.memory_space<hbm>> -> memref<64x416xf32, #tpu.memory_space<hbm>>
    %dma_wait3A_164 = arith.constant 0 : i32
    %dma_wait3A_165 = tpu.memref_slice %arg6[%add3A_131, %dma_wait3A_164] : memref<16384x416xf32, #tpu.memory_space<hbm>> -> memref<64x416xf32, #tpu.memory_space<hbm>>
    tpu.wait_dma2 semaphore(%arg17 : memref<!tpu.dma_semaphore, #tpu.memory_space<semaphore_mem>>) src(%arg13 : memref<64x416xf32, #tpu.memory_space<vmem>>) dst(%dma_wait3A_165 : memref<64x416xf32, #tpu.memory_space<hbm>>)
    %scan3A_166 = arith.constant 0 : i32
    %scan3A_167 = arith.constant 0 : i32
    %scan3A_168 = arith.constant 104 : i32
    %scan3A_169 = arith.addi %scan3A_167, %scan3A_168 : i32
    %scan3A_170 = arith.constant 1 : i32
    scf.for %scan3A_188 = %scan3A_167 to %scan3A_169 step %scan3A_170  : i32 {
      %mul3A_189 = arith.constant 16 : i32
      %mul3A_190 = arith.muli %scan3A_188, %mul3A_189 : i32
      %get3A = arith.index_cast %mul3A_190 : i32 to index
      %get3A_191 = tpu.vector_load %arg11[%get3A] {strides = array<i32>} : memref<1664xi32, #tpu.memory_space<vmem>>, vector<16xi32>,
      %mul3A_192 = arith.constant 16 : i32
      %mul3A_193 = vector.broadcast %mul3A_192 : i32 to vector<16xi32>
      %mul3A_194 = arith.muli %get3A_191, %mul3A_193 : vector<16xi32>
      %mul3A_195 = arith.constant 16 : i32
      %mul3A_196 = arith.muli %scan3A_188, %mul3A_195 : i32
      %get3A_197 = arith.index_cast %mul3A_196 : i32 to index
      %get3A_198 = tpu.vector_load %arg8[%get3A_197] {strides = array<i32>} : memref<1664xi32, #tpu.memory_space<vmem>>, vector<16xi32>,
      %mul3A_199 = arith.constant 16 : i32
      %mul3A_200 = arith.muli %scan3A_188, %mul3A_199 : i32
      %get3A_201 = arith.index_cast %mul3A_200 : i32 to index
      %get3A_202 = tpu.vector_load %arg9[%get3A_201] {strides = array<i32>} : memref<1664xi32, #tpu.memory_space<vmem>>, vector<16xi32>,
      %add3A_203 = arith.constant 0 : i32
      %add3A_204 = vector.broadcast %add3A_203 : i32 to vector<16xi32>
      %add3A_205 = arith.addi %mul3A_194, %add3A_204 : vector<16xi32>
      %gather3A = tpu.vector_load_idx %arg7[%add3A_205] : memref<1024xf32, #tpu.memory_space<vmem>>[vector<16xi32>], vector<16xf32>,
      %add3A_206 = arith.constant 1 : i32
      %add3A_207 = vector.broadcast %add3A_206 : i32 to vector<16xi32>
      %add3A_208 = arith.addi %mul3A_194, %add3A_207 : vector<16xi32>
      %gather3A_209 = tpu.vector_load_idx %arg7[%add3A_208] : memref<1024xf32, #tpu.memory_space<vmem>>[vector<16xi32>], vector<16xf32>,
      %add3A_210 = arith.constant 2 : i32
      %add3A_211 = vector.broadcast %add3A_210 : i32 to vector<16xi32>
      %add3A_212 = arith.addi %mul3A_194, %add3A_211 : vector<16xi32>
      %gather3A_213 = tpu.vector_load_idx %arg7[%add3A_212] : memref<1024xf32, #tpu.memory_space<vmem>>[vector<16xi32>], vector<16xf32>,
      %add3A_214 = arith.constant 3 : i32
      %add3A_215 = vector.broadcast %add3A_214 : i32 to vector<16xi32>
      %add3A_216 = arith.addi %mul3A_194, %add3A_215 : vector<16xi32>
      %gather3A_217 = tpu.vector_load_idx %arg7[%add3A_216] : memref<1024xf32, #tpu.memory_space<vmem>>[vector<16xi32>], vector<16xf32>,
      %add3A_218 = arith.constant 4 : i32
      %add3A_219 = vector.broadcast %add3A_218 : i32 to vector<16xi32>
      %add3A_220 = arith.addi %mul3A_194, %add3A_219 : vector<16xi32>
      %gather3A_221 = tpu.vector_load_idx %arg7[%add3A_220] : memref<1024xf32, #tpu.memory_space<vmem>>[vector<16xi32>], vector<16xf32>,
      %add3A_222 = arith.constant 5 : i32
      %add3A_223 = vector.broadcast %add3A_222 : i32 to vector<16xi32>
      %add3A_224 = arith.addi %mul3A_194, %add3A_223 : vector<16xi32>
      %gather3A_225 = tpu.vector_load_idx %arg7[%add3A_224] : memref<1024xf32, #tpu.memory_space<vmem>>[vector<16xi32>], vector<16xf32>,
      %add3A_226 = arith.constant 6 : i32
      %add3A_227 = vector.broadcast %add3A_226 : i32 to vector<16xi32>
      %add3A_228 = arith.addi %mul3A_194, %add3A_227 : vector<16xi32>
      %gather3A_229 = tpu.vector_load_idx %arg7[%add3A_228] : memref<1024xf32, #tpu.memory_space<vmem>>[vector<16xi32>], vector<16xf32>,
      %add3A_230 = arith.constant 7 : i32
      %add3A_231 = vector.broadcast %add3A_230 : i32 to vector<16xi32>
      %add3A_232 = arith.addi %mul3A_194, %add3A_231 : vector<16xi32>
      %gather3A_233 = tpu.vector_load_idx %arg7[%add3A_232] : memref<1024xf32, #tpu.memory_space<vmem>>[vector<16xi32>], vector<16xf32>,
      %add3A_234 = arith.constant 8 : i32
      %add3A_235 = vector.broadcast %add3A_234 : i32 to vector<16xi32>
      %add3A_236 = arith.addi %mul3A_194, %add3A_235 : vector<16xi32>
      %gather3A_237 = tpu.vector_load_idx %arg7[%add3A_236] : memref<1024xf32, #tpu.memory_space<vmem>>[vector<16xi32>], vector<16xf32>,
      %add3A_238 = arith.constant 9 : i32
      %add3A_239 = vector.broadcast %add3A_238 : i32 to vector<16xi32>
      %add3A_240 = arith.addi %mul3A_194, %add3A_239 : vector<16xi32>
      %gather3A_241 = tpu.vector_load_idx %arg7[%add3A_240] : memref<1024xf32, #tpu.memory_space<vmem>>[vector<16xi32>], vector<16xf32>,
      %add3A_242 = arith.constant 10 : i32
      %add3A_243 = vector.broadcast %add3A_242 : i32 to vector<16xi32>
      %add3A_244 = arith.addi %mul3A_194, %add3A_243 : vector<16xi32>
      %gather3A_245 = tpu.vector_load_idx %arg7[%add3A_244] : memref<1024xf32, #tpu.memory_space<vmem>>[vector<16xi32>], vector<16xf32>,
      %add3A_246 = arith.constant 11 : i32
      %add3A_247 = vector.broadcast %add3A_246 : i32 to vector<16xi32>
      %add3A_248 = arith.addi %mul3A_194, %add3A_247 : vector<16xi32>
      %gather3A_249 = tpu.vector_load_idx %arg7[%add3A_248] : memref<1024xf32, #tpu.memory_space<vmem>>[vector<16xi32>], vector<16xf32>,
      %add3A_250 = arith.constant 12 : i32
      %add3A_251 = vector.broadcast %add3A_250 : i32 to vector<16xi32>
      %add3A_252 = arith.addi %mul3A_194, %add3A_251 : vector<16xi32>
      %gather3A_253 = tpu.vector_load_idx %arg7[%add3A_252] : memref<1024xf32, #tpu.memory_space<vmem>>[vector<16xi32>], vector<16xf32>,
      %add3A_254 = arith.constant 13 : i32
      %add3A_255 = vector.broadcast %add3A_254 : i32 to vector<16xi32>
      %add3A_256 = arith.addi %mul3A_194, %add3A_255 : vector<16xi32>
      %gather3A_257 = tpu.vector_load_idx %arg7[%add3A_256] : memref<1024xf32, #tpu.memory_space<vmem>>[vector<16xi32>], vector<16xf32>,
      %add3A_258 = arith.constant 14 : i32
      %add3A_259 = vector.broadcast %add3A_258 : i32 to vector<16xi32>
      %add3A_260 = arith.addi %mul3A_194, %add3A_259 : vector<16xi32>
      %gather3A_261 = tpu.vector_load_idx %arg7[%add3A_260] : memref<1024xf32, #tpu.memory_space<vmem>>[vector<16xi32>], vector<16xf32>,
      %add3A_262 = arith.constant 15 : i32
      %add3A_263 = vector.broadcast %add3A_262 : i32 to vector<16xi32>
      %add3A_264 = arith.addi %mul3A_194, %add3A_263 : vector<16xi32>
      %gather3A_265 = tpu.vector_load_idx %arg7[%add3A_264] : memref<1024xf32, #tpu.memory_space<vmem>>[vector<16xi32>], vector<16xf32>,
      %add3A_266 = arith.constant 0 : i32
      %add3A_267 = vector.broadcast %add3A_266 : i32 to vector<16xi32>
      %add3A_268 = arith.addi %get3A_202, %add3A_267 : vector<16xi32>
      tpu.vector_store_idx %arg13[%get3A_198, %add3A_268], %gather3A : memref<64x416xf32, #tpu.memory_space<vmem>>[vector<16xi32>, vector<16xi32>], vector<16xf32>,
      %add3A_269 = arith.constant 1 : i32
      %add3A_270 = vector.broadcast %add3A_269 : i32 to vector<16xi32>
      %add3A_271 = arith.addi %get3A_202, %add3A_270 : vector<16xi32>
      tpu.vector_store_idx %arg13[%get3A_198, %add3A_271], %gather3A_209 : memref<64x416xf32, #tpu.memory_space<vmem>>[vector<16xi32>, vector<16xi32>], vector<16xf32>,
      %add3A_272 = arith.constant 2 : i32
      %add3A_273 = vector.broadcast %add3A_272 : i32 to vector<16xi32>
      %add3A_274 = arith.addi %get3A_202, %add3A_273 : vector<16xi32>
      tpu.vector_store_idx %arg13[%get3A_198, %add3A_274], %gather3A_213 : memref<64x416xf32, #tpu.memory_space<vmem>>[vector<16xi32>, vector<16xi32>], vector<16xf32>,
      %add3A_275 = arith.constant 3 : i32
      %add3A_276 = vector.broadcast %add3A_275 : i32 to vector<16xi32>
      %add3A_277 = arith.addi %get3A_202, %add3A_276 : vector<16xi32>
      tpu.vector_store_idx %arg13[%get3A_198, %add3A_277], %gather3A_217 : memref<64x416xf32, #tpu.memory_space<vmem>>[vector<16xi32>, vector<16xi32>], vector<16xf32>,
      %add3A_278 = arith.constant 4 : i32
      %add3A_279 = vector.broadcast %add3A_278 : i32 to vector<16xi32>
      %add3A_280 = arith.addi %get3A_202, %add3A_279 : vector<16xi32>
      tpu.vector_store_idx %arg13[%get3A_198, %add3A_280], %gather3A_221 : memref<64x416xf32, #tpu.memory_space<vmem>>[vector<16xi32>, vector<16xi32>], vector<16xf32>,
      %add3A_281 = arith.constant 5 : i32
      %add3A_282 = vector.broadcast %add3A_281 : i32 to vector<16xi32>
      %add3A_283 = arith.addi %get3A_202, %add3A_282 : vector<16xi32>
      tpu.vector_store_idx %arg13[%get3A_198, %add3A_283], %gather3A_225 : memref<64x416xf32, #tpu.memory_space<vmem>>[vector<16xi32>, vector<16xi32>], vector<16xf32>,
      %add3A_284 = arith.constant 6 : i32
      %add3A_285 = vector.broadcast %add3A_284 : i32 to vector<16xi32>
      %add3A_286 = arith.addi %get3A_202, %add3A_285 : vector<16xi32>
      tpu.vector_store_idx %arg13[%get3A_198, %add3A_286], %gather3A_229 : memref<64x416xf32, #tpu.memory_space<vmem>>[vector<16xi32>, vector<16xi32>], vector<16xf32>,
      %add3A_287 = arith.constant 7 : i32
      %add3A_288 = vector.broadcast %add3A_287 : i32 to vector<16xi32>
      %add3A_289 = arith.addi %get3A_202, %add3A_288 : vector<16xi32>
      tpu.vector_store_idx %arg13[%get3A_198, %add3A_289], %gather3A_233 : memref<64x416xf32, #tpu.memory_space<vmem>>[vector<16xi32>, vector<16xi32>], vector<16xf32>,
      %add3A_290 = arith.constant 8 : i32
      %add3A_291 = vector.broadcast %add3A_290 : i32 to vector<16xi32>
      %add3A_292 = arith.addi %get3A_202, %add3A_291 : vector<16xi32>
      tpu.vector_store_idx %arg13[%get3A_198, %add3A_292], %gather3A_237 : memref<64x416xf32, #tpu.memory_space<vmem>>[vector<16xi32>, vector<16xi32>], vector<16xf32>,
      %add3A_293 = arith.constant 9 : i32
      %add3A_294 = vector.broadcast %add3A_293 : i32 to vector<16xi32>
      %add3A_295 = arith.addi %get3A_202, %add3A_294 : vector<16xi32>
      tpu.vector_store_idx %arg13[%get3A_198, %add3A_295], %gather3A_241 : memref<64x416xf32, #tpu.memory_space<vmem>>[vector<16xi32>, vector<16xi32>], vector<16xf32>,
      %add3A_296 = arith.constant 10 : i32
      %add3A_297 = vector.broadcast %add3A_296 : i32 to vector<16xi32>
      %add3A_298 = arith.addi %get3A_202, %add3A_297 : vector<16xi32>
      tpu.vector_store_idx %arg13[%get3A_198, %add3A_298], %gather3A_245 : memref<64x416xf32, #tpu.memory_space<vmem>>[vector<16xi32>, vector<16xi32>], vector<16xf32>,
      %add3A_299 = arith.constant 11 : i32
      %add3A_300 = vector.broadcast %add3A_299 : i32 to vector<16xi32>
      %add3A_301 = arith.addi %get3A_202, %add3A_300 : vector<16xi32>
      tpu.vector_store_idx %arg13[%get3A_198, %add3A_301], %gather3A_249 : memref<64x416xf32, #tpu.memory_space<vmem>>[vector<16xi32>, vector<16xi32>], vector<16xf32>,
      %add3A_302 = arith.constant 12 : i32
      %add3A_303 = vector.broadcast %add3A_302 : i32 to vector<16xi32>
      %add3A_304 = arith.addi %get3A_202, %add3A_303 : vector<16xi32>
      tpu.vector_store_idx %arg13[%get3A_198, %add3A_304], %gather3A_253 : memref<64x416xf32, #tpu.memory_space<vmem>>[vector<16xi32>, vector<16xi32>], vector<16xf32>,
      %add3A_305 = arith.constant 13 : i32
      %add3A_306 = vector.broadcast %add3A_305 : i32 to vector<16xi32>
      %add3A_307 = arith.addi %get3A_202, %add3A_306 : vector<16xi32>
      tpu.vector_store_idx %arg13[%get3A_198, %add3A_307], %gather3A_257 : memref<64x416xf32, #tpu.memory_space<vmem>>[vector<16xi32>, vector<16xi32>], vector<16xf32>,
      %add3A_308 = arith.constant 14 : i32
      %add3A_309 = vector.broadcast %add3A_308 : i32 to vector<16xi32>
      %add3A_310 = arith.addi %get3A_202, %add3A_309 : vector<16xi32>
      tpu.vector_store_idx %arg13[%get3A_198, %add3A_310], %gather3A_261 : memref<64x416xf32, #tpu.memory_space<vmem>>[vector<16xi32>, vector<16xi32>], vector<16xf32>,
      %add3A_311 = arith.constant 15 : i32
      %add3A_312 = vector.broadcast %add3A_311 : i32 to vector<16xi32>
      %add3A_313 = arith.addi %get3A_202, %add3A_312 : vector<16xi32>
      tpu.vector_store_idx %arg13[%get3A_198, %add3A_313], %gather3A_265 : memref<64x416xf32, #tpu.memory_space<vmem>>[vector<16xi32>, vector<16xi32>], vector<16xf32>,
    }
    %scan3A_171 = arith.constant 104 : i32
    %mul3A_172 = arith.constant 512 : i32
    %mul3A_173 = arith.muli %add3A, %mul3A_172 : i32
    %add3A_174 = arith.constant 448 : i32
    %add3A_175 = arith.addi %mul3A_173, %add3A_174 : i32
    %dma_start3A_176 = arith.constant 0 : i32
    %dma_start3A_177 = tpu.memref_slice %arg6[%add3A_175, %dma_start3A_176] : memref<16384x416xf32, #tpu.memory_space<hbm>> -> memref<64x416xf32, #tpu.memory_space<hbm>>
    %dma_start3A_178 = arith.constant 0 : i32
    %dma_start3A_179 = tpu.memref_slice %arg6[%add3A_175, %dma_start3A_178] : memref<16384x416xf32, #tpu.memory_space<hbm>> -> memref<64x416xf32, #tpu.memory_space<hbm>>
    tpu.enqueue_dma source(%arg13 : memref<64x416xf32, #tpu.memory_space<vmem>>) target(%dma_start3A_179 : memref<64x416xf32, #tpu.memory_space<hbm>>) target_semaphore(%arg17 : memref<!tpu.dma_semaphore, #tpu.memory_space<semaphore_mem>>)
    %dma_wait3A_180 = arith.constant 0 : i32
    %dma_wait3A_181 = tpu.memref_slice %arg6[%add3A_155, %dma_wait3A_180] : memref<16384x416xf32, #tpu.memory_space<hbm>> -> memref<64x416xf32, #tpu.memory_space<hbm>>
    %dma_wait3A_182 = arith.constant 0 : i32
    %dma_wait3A_183 = tpu.memref_slice %arg6[%add3A_155, %dma_wait3A_182] : memref<16384x416xf32, #tpu.memory_space<hbm>> -> memref<64x416xf32, #tpu.memory_space<hbm>>
    tpu.wait_dma2 semaphore(%arg16 : memref<!tpu.dma_semaphore, #tpu.memory_space<semaphore_mem>>) src(%arg12 : memref<64x416xf32, #tpu.memory_space<vmem>>) dst(%dma_wait3A_183 : memref<64x416xf32, #tpu.memory_space<hbm>>)
    %dma_wait3A_184 = arith.constant 0 : i32
    %dma_wait3A_185 = tpu.memref_slice %arg6[%add3A_175, %dma_wait3A_184] : memref<16384x416xf32, #tpu.memory_space<hbm>> -> memref<64x416xf32, #tpu.memory_space<hbm>>
    %dma_wait3A_186 = arith.constant 0 : i32
    %dma_wait3A_187 = tpu.memref_slice %arg6[%add3A_175, %dma_wait3A_186] : memref<16384x416xf32, #tpu.memory_space<hbm>> -> memref<64x416xf32, #tpu.memory_space<hbm>>
    tpu.wait_dma2 semaphore(%arg17 : memref<!tpu.dma_semaphore, #tpu.memory_space<semaphore_mem>>) src(%arg13 : memref<64x416xf32, #tpu.memory_space<vmem>>) dst(%dma_wait3A_187 : memref<64x416xf32, #tpu.memory_space<hbm>>)
    return
  }
}

module attributes {stable_mosaic.version = 14 : i64} {
  func.func @_table_body(%arg0: memref<50x300xf32, #tpu.memory_space<vmem>>, %arg1: memref<16x300xf32, #tpu.memory_space<vmem>>, %arg2: memref<50x16xf32, #tpu.memory_space<vmem>>) attributes {dimension_semantics = [], scalar_prefetch = 0 : i64, scratch_operands = 0 : i64, tpu.core_type = #tpu.core_type<tc>} {
    %get3A = arith.constant 0 : index
    %get3A_0 = arith.constant 0 : index
    %get3A_1 = vector.load %arg0[%get3A, %get3A_0] : memref<50x300xf32, #tpu.memory_space<vmem>>, vector<50x300xf32>
    %get3A_2 = arith.constant 0 : index
    %get3A_3 = arith.constant 0 : index
    %get3A_4 = vector.load %arg1[%get3A_2, %get3A_3] : memref<16x300xf32, #tpu.memory_space<vmem>>, vector<16x300xf32>
    %dot_general3A = arith.constant dense<0.000000e+00> : vector<50x16xf32>
    %dot_general3A_5 = tpu.matmul %get3A_1, %get3A_4, %dot_general3A {dimension_numbers = #tpu.dot_dimension_numbers<[1], [1], [0], [0], [0, 0, 1, 0], [], []>, transpose_lhs_hint = false} : vector<50x300xf32>, vector<16x300xf32>, vector<50x16xf32> -> vector<50x16xf32>
    %swap3A = arith.constant 0 : index
    %swap3A_6 = arith.constant 0 : index
    %swap3A_7 = vector.load %arg2[%swap3A, %swap3A_6] : memref<50x16xf32, #tpu.memory_space<vmem>>, vector<50x16xf32>
    tpu.vector_store %arg2[%swap3A, %swap3A_6], %dot_general3A_5 {strides = array<i32>} : memref<50x16xf32, #tpu.memory_space<vmem>>, vector<50x16xf32>,
    return
  }
}

</mosaic_0001>

<sc_bundles>
// kernel: kernel.4.cloned.1.call-start
scs
__scs_entry_jumppad:
0x0: {  	(pc) =	sbr.rel $0x88, $3  }
0x1: {  	(tag) =	ssettag $0x0;
	lr =	simm.s32 $0x1  }
0x2: {  	[smem:$0x3F9F] =	sst lr;
	_ =	strace $0xD0000000  }
0x3: {  	_ = 	snop  }
0x4: {  	_ = 	snop  }
0x5: {  	_ = 	snop  }
0x6: {  	_ = 	snop  }
0x7: {  	_ = 	snop  }
__scs_overlays_trampoline_lowered:
0x8: {  	[smem:$0x3FAE] =	sst s0  }
0x9: {  	[smem:$0x3FAF] =	sst s1  }
0xa: {  	[smem:$0x3FB0] =	sst s2  }
0xb: {  	[smem:$0x3FB1] =	sst s3  }
0xc: {  	[smem:$0x3FB2] =	sst s4  }
0xd: {  	[smem:$0x3FB3] =	sst s5  }
0xe: {  	[smem:$0x3FB4] =	sst s6  }
0xf: {  	[smem:$0x3FB5] =	sst s7  }
0x10: {  	[smem:$0x3FB6] =	sst s8  }
0x11: {  	[smem:$0x3FB7] =	sst s9;
	s0 =	simm.s32 @!p0 $0x0  }
0x12: {  	s1 =	sld [smem:$0x3F9D];
	s0 =	simm.s32 @p0 $0x1  }
0x13: {  	[smem:$0x3FB8] =	sst s0;
	s0 =	simm.s32 @!p1 $0x0  }
0x14: {  	s2 =	sld [smem:$0x3F9C];
	s0 =	simm.s32 @p1 $0x1  }
0x15: {  	[smem:$0x3FB9] =	sst s0;
	s0 =	simm.s32 @!p2 $0x0  }
0x16: {  	s3 =	sld [smem:$0x3FDB];
	s0 =	simm.s32 @p2 $0x1  }
0x17: {  	s4 =	simm.s32 $0x1BF5;
	[smem:$0x3FBB] =	sst s0  }
0x18: {  	s0 =	sld [smem:$0x3F9E];
	_ =	swait.ge [sflag:s4], $0x0  }
0x19: {  	s7 =	sld [smem:$0x3F9F]  }
0x1a: {  	s8 =	sadd.s32 $0xFFFFE003, lr  }
0x1b: {  	s9 =	sadd.s32 $0xFFFFFEF7, lr;
	s5 =	simm.s32 $0xFFFFFFFF;
	p2 =	slt.u32 s8, $0xFFFFF086  }
0x1c: {  	p1 =	slt.u32 s9, $0xF7A;
	s5 =	simm.s32 @!p2 $0x0  }
0x1d: {  	s5 =	simm.s32 @p1 $0x1;
	p0 =	seq.s32 s7, s2  }
0x1e: {  	s7 =	smul.u32 @!p0 $0xF7A, s2;
	p2 =	seq.s32 @!p0 s5, $0x0  }
0x1f: {  	s9 =	smul.u32 $0xF7A, s1;
	s8 =	simm.s32 @!p0 $0x1BF5;
	p2 =	por !p2, p0  }
0x20: {  	[sflag:s8] =	ssyncset.s32 @!p0 $0xFFFFF086;
	s6 =	sadd.s32 @!p0 s3, s7;
	s7 =	simm.s32 @!p0 $0x108  }
0x21: {  	s3 =	sadd.s32 s3, s9;
	s6 =	sadd.s32 @!p0 $0x88, s6;
	s7 =	simm.s32 @p2 $0x1082  }
0x22: {  	[simem:s7], [sflag:s8] =	dma.local @!p0 [hbm:s6], $0xF7A  }
0x23: {  	s9 =	sor.u32 $0xD0000000, s2;
	s6 =	simm.s32 $0x108;
	_ =	swait.ge @!p0 [sflag:s8], $0x0  }
0x24: {  	s3 =	sadd.s32 $0x88, s3;
	s6 =	simm.s32 @!p1 $0x1082;
	[sflag:s4] =	ssyncset.s32 $0xFFFFF086  }
0x25: {  	[simem:s6], [sflag:s4] =	dma.local [hbm:s3], $0xF7A  }
0x26: {  	[smem:$0x3F9F] =	sst s1;
	(tag) =	ssettag s2;
	_ =	strace s9  }
0x27: {  	s1 =	sld [smem:$0x3FAF]  }
0x28: {  	s2 =	sld [smem:$0x3FB0]  }
0x29: {  	s4 =	sld [smem:$0x3FB2]  }
0x2a: {  	p0 =	seq.s32 s5, $0x0;
	s5 =	sld [smem:$0x3FB3]  }
0x2b: {  	s6 =	sld [smem:$0x3FB4]  }
0x2c: {  	s7 =	sld [smem:$0x3FB5]  }
0x2d: {  	s3 =	simm.s32 $0x108;
	s8 =	sld [smem:$0x3FB6]  }
0x2e: {  	s3 =	simm.s32 @!p0 $0x1082;
	s9 =	sld [smem:$0x3FB7]  }
0x2f: {  	lr =	sadd.s32 s0, s3;
	s0 =	sld [smem:$0x3FAE]  }
0x30: {  	s3 =	sld [smem:$0x3FB1]  }
0x31: {  	[smem:$0x3FBA] =	sst s10  }
0x32: {  	s10 =	sld [smem:$0x3FB8];
	_ =	sdelay $0x3  }
0x33: {  	p0 =	seq.s32 s10, $0x1;
	s10 =	sld [smem:$0x3FBA];
	_ =	sdelay $0x3  }
0x34: {  	[smem:$0x3FBA] =	sst s10  }
0x35: {  	s10 =	sld [smem:$0x3FB9];
	_ =	sdelay $0x3  }
0x36: {  	p1 =	seq.s32 s10, $0x1;
	s10 =	sld [smem:$0x3FBA];
	_ =	sdelay $0x3  }
0x37: {  	[smem:$0x3FBA] =	sst s10  }
0x38: {  	s10 =	sld [smem:$0x3FBB]  }
0x39: {  	_ = 	snop;
	(pc) =	sbr.ind lr, $3  }
0x3a: {  	_ = 	snop  }
0x3b: {  	_ = 	snop  }
0x3c: {  	p2 =	seq.s32 s10, $0x1;
	s10 =	sld [smem:$0x3FBA]  }
0x3d: {  	_ =	shalt  }
0x3e: {  	_ =	shalt  }
0x3f: {  	_ =	shalt  }
0x40: {  	_ =	shalt  }
0x41: {  	_ =	shalt  }
0x42: {  	_ =	shalt  }
0x43: {  	_ =	shalt  }
0x44: {  	_ =	shalt  }
0x45: {  	_ =	shalt  }
0x46: {  	_ =	shalt  }
0x47: {  	_ =	shalt  }
0x48: {  	_ =	shalt  }
0x49: {  	_ =	shalt  }
0x4a: {  	_ =	shalt  }
0x4b: {  	_ =	shalt  }
0x4c: {  	_ =	shalt  }
0x4d: {  	_ =	shalt  }
0x4e: {  	_ =	shalt  }
0x4f: {  	_ =	shalt  }
0x50: {  	_ =	shalt  }
0x51: {  	_ =	shalt  }
0x52: {  	_ =	shalt  }
0x53: {  	_ =	shalt  }
0x54: {  	_ =	shalt  }
0x55: {  	_ =	shalt  }
0x56: {  	_ =	shalt  }
0x57: {  	_ =	shalt  }
0x58: {  	_ =	shalt  }
0x59: {  	_ =	shalt  }
0x5a: {  	_ =	shalt  }
0x5b: {  	_ =	shalt  }
0x5c: {  	_ =	shalt  }
0x5d: {  	_ =	shalt  }
0x5e: {  	_ =	shalt  }
0x5f: {  	_ =	shalt  }
0x60: {  	_ =	shalt  }
0x61: {  	_ =	shalt  }
0x62: {  	_ =	shalt  }
0x63: {  	_ =	shalt  }
0x64: {  	_ =	shalt  }
0x65: {  	_ =	shalt  }
0x66: {  	_ =	shalt  }
0x67: {  	_ =	shalt  }
0x68: {  	_ =	shalt  }
0x69: {  	_ =	shalt  }
0x6a: {  	_ =	shalt  }
0x6b: {  	_ =	shalt  }
0x6c: {  	_ =	shalt  }
0x6d: {  	_ =	shalt  }
0x6e: {  	_ =	shalt  }
0x6f: {  	_ =	shalt  }
0x70: {  	_ =	shalt  }
0x71: {  	_ =	shalt  }
0x72: {  	_ =	shalt  }
0x73: {  	_ =	shalt  }
0x74: {  	_ =	shalt  }
0x75: {  	_ =	shalt  }
0x76: {  	_ =	shalt  }
0x77: {  	_ =	shalt  }
0x78: {  	_ =	shalt  }
0x79: {  	_ =	shalt  }
0x7a: {  	_ =	shalt  }
0x7b: {  	_ =	shalt  }
0x7c: {  	_ =	shalt  }
0x7d: {  	_ =	shalt  }
0x7e: {  	_ =	shalt  }
0x7f: {  	_ =	shalt  }
0x80: {  	_ =	shalt  }
0x81: {  	_ =	shalt  }
0x82: {  	_ =	shalt  }
0x83: {  	_ =	shalt  }
0x84: {  	_ =	shalt  }
0x85: {  	_ =	shalt  }
0x86: {  	_ =	shalt  }
0x87: {  	_ =	shalt  }
.Lfunc_end0:
.L_simem_size_0:
called_computation_lowered:
.L_overlay_start_0:
0x88: {  	s2 =	sld [smem:$0x3FD9]  }
0x89: {  	s3 =	sld [smem:$0x3FFE];
	_ =	sdelay $0x1  }
0x8a: {  	s1 =	srdreg.scid  }
0x8b: {  	s0 =	sand.u32 $0x1, s1  }
0x8c: {  	s17 =	sshll.u32 s0, $0xA;
	s2 =	sadd.s32 s3, s2  }
0x8d: {  	s2 =	sadd.s32 s2, s17  }
0x8e: {  	[smem:$0x3FC6] =	sst s2  }
0x8f: {  	_ = 	snop  }
0x90: {  	s2 =	sld [smem:$0x3FD0];
	(tm) =	ssettm $0x1  }
0x91: {  	s18 =	sld [smem:$0x3FFB];
	_ =	sdelay $0x3  }
0x92: {  	_ =	strace s18  }
0x93: {  	s3 =	sld [smem:$0x3FFC];
	_ =	sdelay $0x3  }
0x94: {  	_ =	strace s3  }
0x95: {  	s3 =	sld [smem:$0x3FFD];
	_ =	sdelay $0x3  }
0x96: {  	_ =	strace s3  }
0x97: {  	_ =	strace $0x8FFFFFFF  }
0x98: {  	s19 =	sld [smem:$0x3FDB];
	_ =	sdelay $0x1  }
0x99: {  	s4 =	simm.s32 $_scs_section_size  }
0x9a: {  	s5 =	simm.s32 $_size__tile_overlayer_lowered;
	s6 =	simm.s32 $_tile_overlayer_lowered  }
0x9b: {  	s22 =	simm.s32 $0x1BFF;
	s21 =	sshll.u32 s6, $0x1;
	s3 =	sadd.s32 s4, s19  }
0x9c: {  	s7 =	simm.s32 $0x0;
	s20 =	sshll.u32 s5, $0x1;
	s5 =	sadd.s32 s21, s3  }
0x9d: {  	[timem:s7], [sflag:s22] =	dma.local [hbm:s5], s20  }
0x9e: {  	_ =	swait.ge [sflag:s22], s20  }
0x9f: {  	s4 =	ssub.s32 $0x0, s20;
	[sflag:s22] =	ssyncset.done $0x0  }
0xa0: {  	[sflag:s22] =	ssyncadd.s32 s4;
	_ =	sdelay $0x1  }
0xa1: {  	s23 =	simm.s32 $0x1B8B  }
0xa2: {  	_ =	swait.ge [sflag:s23], $0x1  }
0xa3: {  	[sflag:s23] =	ssyncset.done $0x0  }
0xa4: {  	s25 =	simm.s32 $0x1B8E;
	s24 =	sld [smem:$0x3FFE];
	[sflag:s23] =	ssyncadd.s32 $0xFFFFFFFF  }
0xa5: {  	s26 =	simm.s32 $execute0_lowered;
	[smem:$0x3FD2] =	sst s25  }
0xa6: {  	s5 =	sshll.u32 s26, $0x1;
	_ =	strace $0x80000046;
	[dreg:$0x1] =	wrdreg $0xFFFFFFFF  }
0xa7: {  	s28 =	simm.s32 $_size_execute0_lowered;
	s3 =	sadd.s32 s3, s5;
	[dreg:$0x0] =	wrdreg $0x0  }
0xa8: {  	s5 =	sshll.u32 s28, $0x1;
	[dreg:$0x2] =	wrdreg s3  }
0xa9: {  	[dreg:$0x3] =	wrdreg s5  }
0xaa: {  	[dreg:$0x4] =	wrdreg $0xC0  }
0xab: {  	_ =	task [dreg:s7], $0x5FFFF  }
0xac: {  	[dreg:$0x1] =	wrdreg $0xFFFFFFFF  }
0xad: {  	[dreg:$0x0] =	wrdreg $0x60  }
0xae: {  	[dreg:$0x2] =	wrdreg s24  }
0xaf: {  	[dreg:$0x3] =	wrdreg s2  }
0xb0: {  	[dreg:$0x4] =	wrdreg $0x9  }
0xb1: {  	_ =	task.clear_ibuf [dreg:s7], $0x5FFFF;
	_ =	strace $0x90000046  }
0xb2: {  	s29 =	simm.s32 $0x9;
	_ =	strace $0x80000048  }
0xb3: {  	_ =	swait.ge [sflag:s29], $0x1  }
0xb4: {  	[sflag:s29] =	ssyncadd.s32 $0xFFFFFFFF  }
0xb5: {  	_ =	strace $0x90000048  }
0xb6: {  	_ =	sfence  }
0xb7: {  	s30 =	sld [smem:$0x0];
	_ =	sdelay $0x2  }
0xb8: {  	s31 =	sshll.u32 s1, $0xD;
	s1 =	sshrl.u32 s1, $0x2  }
0xb9: {  	s3 =	sand.u32 $0x4000, s31;
	s1 =	sadd.s32 s1, s30  }
0xba: {  	s0 =	sor.u32 s3, s0;
	s1 =	sshll.u32 s1, $0x11  }
0xbb: {  	s0 =	sor.u32 s1, s0  }
0xbc: {  	s0 =	sadd.s32 $0x8F2B, s0  }
0xbd: {  	[sflag:s0] =	ssyncadd.remote.s32 $0x1  }
0xbe: {  	_ =	sfence.sel $0xFFFF  }
0xbf: {  	[dreg:$0x0] =	wrdreg $0xFFFFFFFF;
	(pc) =	sbr.abs _section_cstart, $3  }
0xc0: {  	[dreg:$0x1] =	wrdreg $0xFFFFFFFF  }
0xc1: {  	_ =	task.clear_ibuf [dreg:s7], $0x2FFFF;
	_ =	strace $0x9FFFFFFF  }
0xc2: {  	(tm) =	ssettm $0x7FFFFFFF  }
0xc3: {  	_ =	shalt  }
tec
execute0_lowered:
.L_overlay_start_1:
0x0: {  	(tag) =	ssettag $0x1  }
0x1: {  	s0 =	rddreg [dreg:$0x0];
	s1 =	srdreg.scid  }
0x2: {  	s2 =	stileid.u32;
	s3 =	rddreg [dreg:$0x1]  }
0x3: {  	s23 =	simm.s32 $0x5;
	s28 =	simm.s32 $0x1780;
	s29 =	simm.s32 $0x1E00  }
0x4: {  	s30 =	simm.s32 $0x2;
	s31 =	simm.s32 $0x9E00;
	s24 =	simm.s32 $0x4  }
0x5: {  	s25 =	simm.s32 $0x0;
	s1 =	sand.u32 $0x1, s1;
	s4 =	sshll.u32 s2, $0x1  }
0x6: {  	s2 =	simm.s32 $0x0;
	s5 =	sadd.s32 $0xC00, s0;
	s26 =	sadd.s32 $0x1000, s0  }
0x7: {  	s4 =	sor.u32 s1, s4;
	[smem:$0x7FF] =	sst s2;
	s1 =	ssub.s32 $0x2, s1  }
0x8: {  	s6 =	smul.u32 $0x3400, s4;
	_ =	strace $0x80000047;
	[dreg:$0x3] =	wrdreg s5  }
0x9: {  	[dreg:$0x4] =	wrdreg s26;
	s5 =	sadd.s32 $0xE00, s0;
	s4 =	sshll.u32 s4, $0xF  }
0xa: {  	s7 =	sshrl.u32 s1, $0x1;
	s26 =	simm.s32 $0x1100;
	s0 =	sadd.s32 s4, s0  }
0xb: {  	s1 =	ssub.s32 s1, s7;
	s6 =	sshrl.u32 s6, $0x3;
	s8 =	sadd.s32 $0x1200, s0  }
0xc: {  	s10 =	sadd.s32 $0x2200, s0;
	s12 =	sadd.s32 $0x3200, s0;
	s14 =	sadd.s32 $0x4200, s0  }
0xd: {  	s16 =	sadd.s32 $0x5200, s0;
	s18 =	sadd.s32 $0x6200, s0;
	s20 =	sadd.s32 $0x7200, s0  }
0xe: {  	s21 =	sadd.s32 $0x8200, s0;
	s22 =	smax.u32 s1, $0x1;
	s6 =	sadd.s32 s3, s6  }
0xf: {  	s1 =	simm.s32 $0x1;
	s0 =	simm.s32 $0x3;
	s7 =	sadd.s32 $0xD0, s6  }
0x10: {  	s9 =	sadd.s32 $0x1A0, s6;
	s11 =	sadd.s32 $0x270, s6;
	s13 =	sadd.s32 $0x340, s6  }
0x11: {  	s15 =	sadd.s32 $0x410, s6;
	s17 =	sadd.s32 $0x4E0, s6;
	s19 =	sadd.s32 $0x5B0, s6  }
.LBB2_1:
0x12: {  	s3 =	rddreg [dreg:$0x3]  }
0x13: {  	[tilespmem:s2], [sflag:$0x5] =	stream.linear.gather [hbm4b:s3+s2], $0x400, $0x38;
	[tilespmem:$0x11E00] =	vst v63  }
0x14: {  	_ =	swait.ge [sflag:s23], $0x400  }
0x15: {  	[sflag:s23] =	ssyncset.done $0x0  }
0x16: {  	s4 =	simm.s32 $0x400;
	s3 =	rddreg [dreg:$0x4];
	[sflag:s23] =	ssyncadd.s32 $0xFFFFFC00  }
0x17: {  	[tilespmem:s4], [sflag:$0x5] =	stream.linear.gather [hbm4b:s3+s2], $0x680, $0x38;
	[tilespmem:$0x11E00] =	vst v63  }
0x18: {  	_ =	swait.ge [sflag:s23], $0x680  }
0x19: {  	[sflag:s23] =	ssyncset.done $0x0  }
0x1a: {  	s4 =	simm.s32 $0xA80;
	[sflag:s23] =	ssyncadd.s32 $0xFFFFF980  }
0x1b: {  	[tilespmem:s4], [sflag:$0x5] =	stream.linear.gather [hbm4b:s5+s2], $0x680, $0x38;
	[tilespmem:$0x11E00] =	vst v63  }
0x1c: {  	_ =	swait.ge [sflag:s23], $0x680  }
0x1d: {  	[sflag:s23] =	ssyncset.done $0x0  }
0x1e: {  	[sflag:s23] =	ssyncadd.s32 $0xFFFFF980  }
0x1f: {  	[tilespmem:s26], [sflag:$0x5] =	stream.linear.gather [hbm4b:s6+s2], $0x680, $0x38;
	[tilespmem:$0x11E00] =	vst v63  }
0x20: {  	_ =	swait.ge [sflag:s23], $0x680  }
0x21: {  	[sflag:s23] =	ssyncset.done $0x0  }
0x22: {  	s4 =	simm.s32 $0x0;
	[sflag:s23] =	ssyncadd.s32 $0xFFFFF980  }
0x23: {  	[tilespmem:s28], [sflag:$0x2] =	stream.linear.gather [hbm4b:s7+s2], $0x680, $0x38;
	[tilespmem:$0x11E00] =	vst v63  }
0x24: {  	v0 =	vld [tilespmem:s4+$0x400]  }
0x25: {  	v6 =	vld [tilespmem:s4+$0xA80]  }
0x26: {  	v2 =	vld [tilespmem:s4+$0x1100];
	_ =	sdelay $0x2  }
0x27: {  	v1 =	vshll.u32 v0, $0x9  }
0x28: {  	v3 =	vshll.u32 v6, $0x3;
	v13 =	vadd.s32 $0x1, v6;
	v17 =	vadd.s32 $0x2, v6  }
0x29: {  	v14 =	vshll.u32 v2, $0x4;
	v0 =	vshll.u32 v0, $0x7;
	v12 =	vadd.s32 $0x3, v6  }
0x2a: {  	v40 =	vadd.s32 $0x4, v6;
	v19 =	vadd.s32 $0x5, v6;
	v15 =	vadd.s32 $0x6, v6  }
0x2b: {  	v24 =	vadd.s32 $0x7, v6;
	v42 =	vadd.s32 $0x8, v6;
	v38 =	vadd.s32 $0xC, v6  }
0x2c: {  	v1 =	vand.u32 $0xFFFFF000, v1;
	v3 =	vand.u32 $0xFFFFFC00, v3;
	v4 =	vshll.u32 v13, $0x3  }
0x2d: {  	v22 =	vor.u32 $0x2, v14;
	v20 =	vor.u32 $0x9, v14;
	v39 =	vor.u32 $0x1, v14  }
0x2e: {  	v21 =	vor.u32 $0xB, v14;
	v33 =	vor.u32 $0x3, v14;
	v5 =	vor.u32 $0x8, v14  }
0x2f: {  	v0 =	vand.u32 $0x380, v0;
	v27 =	vor.u32 $0x6, v14;
	v28 =	vor.u32 $0x7, v14  }
0x30: {  	v8 =	vadd.s32 v1, v3;
	v3 =	vand.u32 $0xFFFFFC00, v4;
	v4 =	vshll.u32 v17, $0x3  }
0x31: {  	v7 =	vor.u32 $0xD, v14;
	v9 =	vadd.s32 v1, v3;
	v2 =	vand.u32 $0xFFFFFC00, v4  }
0x32: {  	v3 =	vor.u32 $0xA, v14;
	v10 =	vadd.s32 v1, v2;
	v2 =	vshll.u32 v12, $0x3  }
0x33: {  	v23 =	vor.u32 $0xE, v14;
	v4 =	vor.u32 $0x4, v14;
	v2 =	vand.u32 $0xFFFFFC00, v2  }
0x34: {  	v11 =	vshll.u32 v19, $0x3;
	v18 =	vadd.s32 v1, v2;
	v2 =	vshll.u32 v40, $0x3  }
0x35: {  	v29 =	vor.u32 $0xF, v14;
	v25 =	vshll.u32 v42, $0x3;
	v2 =	vand.u32 $0xFFFFFC00, v2  }
0x36: {  	v11 =	vand.u32 $0xFFFFFC00, v11;
	v16 =	vld.idx.msk [tilespmem:v14+s2+$0x0], $0xffff;
	v30 =	vadd.s32 v1, v2;
	v2 =	vshll.u32 v15, $0x3  }
0x37: {  	v44 =	vor.u32 $0x5, v14;
	v31 =	vadd.s32 v1, v11;
	v11 =	vand.u32 $0xFFFFFC00, v2;
	v2 =	vld.idx.msk [tilespmem:v3+s2+$0x0], $0xffff  }
0x38: {  	v26 =	vand.u32 $0xFFFFFC00, v25;
	v3 =	vshll.u32 v24, $0x3;
	v32 =	vadd.s32 v1, v11;
	v11 =	vld.idx.msk [tilespmem:v4+s2+$0x0], $0xffff  }
0x39: {  	v25 =	vadd.s32 $0x9, v6;
	v43 =	vadd.s32 v1, v26;
	v3 =	vand.u32 $0xFFFFFC00, v3;
	v4 =	vld.idx.msk [tilespmem:v5+s2+$0x0], $0xffff  }
0x3a: {  	v26 =	vadd.s32 $0xA, v6;
	v5 =	vshll.u32 v25, $0x3;
	v36 =	vadd.s32 v1, v3;
	v3 =	vld.idx.msk [tilespmem:v23+s2+$0x0], $0xffff  }
0x3b: {  	v35 =	vshll.u32 v26, $0x3;
	v34 =	vand.u32 $0xFFFFFC00, v5;
	v23 =	vadd.s32 $0xB, v6;
	v5 =	vld.idx.msk [tilespmem:v7+s2+$0x0], $0xffff  }
0x3c: {  	v45 =	vshll.u32 v38, $0x3;
	v7 =	vld.idx.msk [tilespmem:v29+s2+$0x0], $0xffff;
	v29 =	vand.u32 $0xFFFFFC00, v35;
	v37 =	vshll.u32 v23, $0x3  }
0x3d: {  	v27 =	vld.idx.msk [tilespmem:v27+s2+$0x0], $0xffff;
	v35 =	vadd.s32 $0xD, v6;
	v34 =	vadd.s32 v1, v34;
	v63 =	vand.u32 $0xFFFFFC00, v37  }
0x3e: {  	s3 =	simm.s32 $0x40;
	v41 =	vadd.s32 v1, v29;
	v29 =	vld.idx.msk [tilespmem:v28+s2+$0x0], $0xffff;
	v28 =	vadd.s32 $0xE, v6;
	v37 =	vadd.s32 v1, v63  }
.LBB2_2:
0x3f: {  	p0 =	sne.s32 s3, $0x19C0;
	v45 =	vand.u32 $0xFFFFFC00, v45;
	v46 =	vadd.s32 $0xF, v6;
	s4 =	smov.u32 s3;
	s3 =	sadd.s32 $0x40, s3  }
0x40: {  	v39 =	vld.idx.msk [tilespmem:v39+s2+$0x0], $0xffff;
	v45 =	vadd.s32 v1, v45;
	v47 =	vshll.u32 v46, $0x3  }
0x41: {  	v22 =	vld.idx.msk [tilespmem:v22+s2+$0x0], $0xffff;
	v47 =	vand.u32 $0xFFFFFC00, v47  }
0x42: {  	v33 =	vld.idx.msk [tilespmem:v33+s2+$0x0], $0xffff;
	v47 =	vadd.s32 v1, v47  }
0x43: {  	v17 =	vand.u32 $0x7F, v17;
	v20 =	vld.idx.msk [tilespmem:v20+s2+$0x0], $0xffff  }
0x44: {  	v13 =	vand.u32 $0x7F, v13;
	v42 =	vand.u32 $0x7F, v42;
	v48 =	vshll.u32 v28, $0x3;
	v21 =	vld.idx.msk [tilespmem:v21+s2+$0x0], $0xffff  }
0x45: {  	v6 =	vand.u32 $0x7F, v6;
	v40 =	vand.u32 $0x7F, v40;
	v42 =	vor.u32 v42, v43  }
0x46: {  	v14 =	vor.u32 $0xC, v14;
	v6 =	vor.u32 v6, v8;
	v8 =	vand.u32 $0xFFFFFC00, v48;
	v43 =	vld.idx.msk [tilespmem:v44+s2+$0x0], $0xffff  }
0x47: {  	v9 =	vor.u32 v13, v9;
	v6 =	vor.u32 v0, v6;
	v8 =	vadd.s32 v1, v8  }
0x48: {  	v12 =	vand.u32 $0x7F, v12;
	v10 =	vor.u32 v17, v10;
	v9 =	vor.u32 v0, v9  }
0x49: {  	v12 =	vor.u32 v12, v18;
	v13 =	vand.u32 $0x7F, v19;
	v10 =	vor.u32 v0, v10  }
0x4a: {  	v17 =	vor.u32 v40, v30;
	v12 =	vor.u32 v0, v12;
	v13 =	vor.u32 v13, v31  }
0x4b: {  	v15 =	vand.u32 $0x7F, v15;
	v17 =	vor.u32 v0, v17;
	v13 =	vor.u32 v0, v13;
	v14 =	vld.idx.msk [tilespmem:v14+s2+$0x0], $0xffff  }
0x4c: {  	[tilespmem:v6+s29+$0x0] =	vst.idx.msk $0xffff, v16;
	v6 =	vor.u32 v15, v32;
	v15 =	vand.u32 $0x7F, v24;
	v16 =	vshll.u32 v35, $0x3  }
0x4d: {  	[tilespmem:v9+s29+$0x0] =	vst.idx.msk $0xffff, v39;
	v6 =	vor.u32 v0, v6;
	v9 =	vor.u32 v15, v36;
	v15 =	vand.u32 $0xFFFFFC00, v16  }
0x4e: {  	[tilespmem:v10+s29+$0x0] =	vst.idx.msk $0xffff, v22;
	v9 =	vor.u32 v0, v9;
	v10 =	vand.u32 $0x7F, v25;
	v1 =	vadd.s32 v1, v15  }
0x4f: {  	v15 =	vand.u32 $0x7F, v26;
	[tilespmem:v12+s29+$0x0] =	vst.idx.msk $0xffff, v33;
	v12 =	vor.u32 v0, v42;
	v10 =	vor.u32 v10, v34  }
0x50: {  	[tilespmem:v17+s29+$0x0] =	vst.idx.msk $0xffff, v11;
	v10 =	vor.u32 v0, v10;
	v11 =	vor.u32 v15, v41;
	v15 =	vand.u32 $0x7F, v23  }
0x51: {  	[tilespmem:v13+s29+$0x0] =	vst.idx.msk $0xffff, v43;
	v11 =	vor.u32 v0, v11;
	v13 =	vor.u32 v15, v37;
	v15 =	vand.u32 $0x7F, v38  }
0x52: {  	[tilespmem:v6+s29+$0x0] =	vst.idx.msk $0xffff, v27;
	v6 =	vor.u32 v0, v13;
	v13 =	vor.u32 v15, v45;
	v15 =	vand.u32 $0x7F, v35  }
0x53: {  	[tilespmem:v9+s29+$0x0] =	vst.idx.msk $0xffff, v29;
	v9 =	vor.u32 v0, v13;
	v1 =	vor.u32 v15, v1;
	v13 =	vand.u32 $0x7F, v28  }
0x54: {  	[tilespmem:v12+s29+$0x0] =	vst.idx.msk $0xffff, v4;
	v1 =	vor.u32 v0, v1;
	v4 =	vor.u32 v13, v8;
	v8 =	vand.u32 $0x7F, v46  }
0x55: {  	[tilespmem:v10+s29+$0x0] =	vst.idx.msk $0xffff, v20;
	v4 =	vor.u32 v0, v4;
	v8 =	vor.u32 v8, v47  }
0x56: {  	[tilespmem:v11+s29+$0x0] =	vst.idx.msk $0xffff, v2;
	v0 =	vor.u32 v0, v8  }
0x57: {  	[tilespmem:v6+s29+$0x0] =	vst.idx.msk $0xffff, v21  }
0x58: {  	[tilespmem:v9+s29+$0x0] =	vst.idx.msk $0xffff, v14  }
0x59: {  	s4 =	sshra.s32 s4, $0x2;
	[tilespmem:v1+s29+$0x0] =	vst.idx.msk $0xffff, v5  }
0x5a: {  	[tilespmem:v4+s29+$0x0] =	vst.idx.msk $0xffff, v3  }
0x5b: {  	[tilespmem:v0+s29+$0x0] =	vst.idx.msk $0xffff, v7  }
0x5c: {  	v0 =	vld [tilespmem:s4+$0x400]  }
0x5d: {  	v6 =	vld [tilespmem:s4+$0xA80];
	_ =	sdelay $0x2  }
0x5e: {  	v2 =	vld [tilespmem:s4+$0x1100]  }
0x5f: {  	v1 =	vshll.u32 v0, $0x9  }
0x60: {  	v1 =	vand.u32 $0xFFFFF000, v1;
	v3 =	vshll.u32 v6, $0x3;
	v13 =	vadd.s32 $0x1, v6  }
0x61: {  	v17 =	vadd.s32 $0x2, v6;
	v3 =	vand.u32 $0xFFFFFC00, v3;
	v4 =	vshll.u32 v13, $0x3  }
0x62: {  	v8 =	vadd.s32 v1, v3;
	v3 =	vand.u32 $0xFFFFFC00, v4;
	v4 =	vshll.u32 v17, $0x3  }
0x63: {  	v14 =	vshll.u32 v2, $0x4;
	v9 =	vadd.s32 v1, v3;
	v2 =	vand.u32 $0xFFFFFC00, v4  }
0x64: {  	v22 =	vor.u32 $0x2, v14;
	v3 =	vor.u32 $0xA, v14;
	v10 =	vadd.s32 v1, v2  }
0x65: {  	v0 =	vshll.u32 v0, $0x7;
	v12 =	vadd.s32 $0x3, v6;
	v20 =	vor.u32 $0x9, v14  }
0x66: {  	v39 =	vor.u32 $0x1, v14;
	v21 =	vor.u32 $0xB, v14;
	v2 =	vshll.u32 v12, $0x3  }
0x67: {  	v33 =	vor.u32 $0x3, v14;
	v4 =	vor.u32 $0x4, v14;
	v2 =	vand.u32 $0xFFFFFC00, v2  }
0x68: {  	v0 =	vand.u32 $0x380, v0;
	v5 =	vor.u32 $0x8, v14;
	v18 =	vadd.s32 v1, v2;
	v16 =	vld.idx.msk [tilespmem:v14+s2+$0x0], $0xffff  }
0x69: {  	v40 =	vadd.s32 $0x4, v6;
	v19 =	vadd.s32 $0x5, v6;
	v15 =	vadd.s32 $0x6, v6  }
0x6a: {  	v7 =	vshll.u32 v40, $0x3;
	v27 =	vor.u32 $0x6, v14;
	v28 =	vor.u32 $0x7, v14  }
0x6b: {  	v24 =	vshll.u32 v19, $0x3;
	v23 =	vor.u32 $0xD, v14;
	v2 =	vld.idx.msk [tilespmem:v3+s2+$0x0], $0xffff;
	v3 =	vor.u32 $0xE, v14  }
0x6c: {  	v7 =	vand.u32 $0xFFFFFC00, v7;
	v24 =	vand.u32 $0xFFFFFC00, v24;
	v29 =	vor.u32 $0xF, v14;
	v11 =	vld.idx.msk [tilespmem:v4+s2+$0x0], $0xffff  }
0x6d: {  	v30 =	vadd.s32 v1, v7;
	v31 =	vadd.s32 v1, v24;
	v4 =	vld.idx.msk [tilespmem:v5+s2+$0x0], $0xffff;
	v5 =	vshll.u32 v15, $0x3  }
0x6e: {  	v42 =	vadd.s32 $0x8, v6;
	v24 =	vadd.s32 $0x7, v6;
	v5 =	vand.u32 $0xFFFFFC00, v5  }
0x6f: {  	v7 =	vshll.u32 v42, $0x3;
	v32 =	vadd.s32 v1, v5;
	v5 =	vshll.u32 v24, $0x3  }
0x70: {  	v25 =	vadd.s32 $0x9, v6;
	v7 =	vand.u32 $0xFFFFFC00, v7;
	v5 =	vand.u32 $0xFFFFFC00, v5  }
0x71: {  	v43 =	vadd.s32 v1, v7;
	v7 =	vshll.u32 v25, $0x3;
	v3 =	vld.idx.msk [tilespmem:v3+s2+$0x0], $0xffff;
	v36 =	vadd.s32 v1, v5  }
.Ltmp0:
0x72: {  	v26 =	vadd.s32 $0xA, v6;
	v7 =	vand.u32 $0xFFFFFC00, v7;
	v5 =	vld.idx.msk [tilespmem:v23+s2+$0x0], $0xffff;
	v23 =	vadd.s32 $0xB, v6;
	(pc) =	sbr.rel @p0 .LBB2_2-.Ltmp0, $4  }
0x73: {  	v35 =	vshll.u32 v26, $0x3;
	v34 =	vadd.s32 v1, v7;
	v37 =	vshll.u32 v23, $0x3  }
0x74: {  	v44 =	vor.u32 $0x5, v14;
	v7 =	vld.idx.msk [tilespmem:v29+s2+$0x0], $0xffff;
	v29 =	vand.u32 $0xFFFFFC00, v35;
	v35 =	vand.u32 $0xFFFFFC00, v37  }
0x75: {  	v38 =	vadd.s32 $0xC, v6;
	v27 =	vld.idx.msk [tilespmem:v27+s2+$0x0], $0xffff;
	v41 =	vadd.s32 v1, v29;
	v37 =	vadd.s32 v1, v35  }
0x76: {  	v45 =	vshll.u32 v38, $0x3;
	v35 =	vadd.s32 $0xD, v6;
	v29 =	vld.idx.msk [tilespmem:v28+s2+$0x0], $0xffff;
	v28 =	vadd.s32 $0xE, v6  }
0x77: {  	v46 =	vadd.s32 $0xF, v6  }
0x78: {  	v45 =	vand.u32 $0xFFFFFC00, v45;
	v17 =	vand.u32 $0x7F, v17;
	v13 =	vand.u32 $0x7F, v13  }
0x79: {  	v42 =	vand.u32 $0x7F, v42;
	v48 =	vshll.u32 v28, $0x3;
	v6 =	vand.u32 $0x7F, v6  }
0x7a: {  	v40 =	vand.u32 $0x7F, v40;
	v14 =	vor.u32 $0xC, v14;
	v12 =	vand.u32 $0x7F, v12  }
0x7b: {  	v15 =	vand.u32 $0x7F, v15;
	v47 =	vshll.u32 v46, $0x3;
	v45 =	vadd.s32 v1, v45  }
0x7c: {  	v39 =	vld.idx.msk [tilespmem:v39+s2+$0x0], $0xffff;
	v42 =	vor.u32 v42, v43;
	v6 =	vor.u32 v6, v8;
	v8 =	vand.u32 $0xFFFFFC00, v48  }
0x7d: {  	v22 =	vld.idx.msk [tilespmem:v22+s2+$0x0], $0xffff;
	v9 =	vor.u32 v13, v9;
	v10 =	vor.u32 v17, v10;
	v6 =	vor.u32 v0, v6  }
0x7e: {  	v33 =	vld.idx.msk [tilespmem:v33+s2+$0x0], $0xffff;
	v12 =	vor.u32 v12, v18;
	v18 =	vand.u32 $0x7F, v19;
	v9 =	vor.u32 v0, v9  }
0x7f: {  	v13 =	vld.idx.msk [tilespmem:v20+s2+$0x0], $0xffff;
	v20 =	vor.u32 v40, v30;
	v47 =	vand.u32 $0xFFFFFC00, v47;
	v10 =	vor.u32 v0, v10  }
0x80: {  	v17 =	vld.idx.msk [tilespmem:v21+s2+$0x0], $0xffff;
	v8 =	vadd.s32 v1, v8;
	v12 =	vor.u32 v0, v12;
	v18 =	vor.u32 v18, v31  }
0x81: {  	v19 =	vld.idx.msk [tilespmem:v44+s2+$0x0], $0xffff;
	v20 =	vor.u32 v0, v20;
	v47 =	vadd.s32 v1, v47;
	v18 =	vor.u32 v0, v18  }
0x82: {  	v14 =	vld.idx.msk [tilespmem:v14+s2+$0x0], $0xffff;
	[tilespmem:v6+s29+$0x0] =	vst.idx.msk $0xffff, v16;
	v6 =	vor.u32 v15, v32;
	v15 =	vand.u32 $0x7F, v24;
	v16 =	vshll.u32 v35, $0x3  }
0x83: {  	[tilespmem:v9+s29+$0x0] =	vst.idx.msk $0xffff, v39;
	v6 =	vor.u32 v0, v6;
	v9 =	vor.u32 v15, v36;
	v15 =	vand.u32 $0xFFFFFC00, v16  }
0x84: {  	[tilespmem:v10+s29+$0x0] =	vst.idx.msk $0xffff, v22;
	v9 =	vor.u32 v0, v9;
	v10 =	vand.u32 $0x7F, v25;
	v1 =	vadd.s32 v1, v15  }
0x85: {  	v15 =	vand.u32 $0x7F, v26;
	[tilespmem:v12+s29+$0x0] =	vst.idx.msk $0xffff, v33;
	v12 =	vor.u32 v0, v42;
	v10 =	vor.u32 v10, v34  }
0x86: {  	[tilespmem:v20+s29+$0x0] =	vst.idx.msk $0xffff, v11;
	v10 =	vor.u32 v0, v10;
	v11 =	vor.u32 v15, v41;
	v15 =	vand.u32 $0x7F, v23  }
0x87: {  	v16 =	vand.u32 $0x7F, v38;
	[tilespmem:v18+s29+$0x0] =	vst.idx.msk $0xffff, v19;
	v11 =	vor.u32 v0, v11;
	v15 =	vor.u32 v15, v37  }
0x88: {  	[tilespmem:v6+s29+$0x0] =	vst.idx.msk $0xffff, v27;
	v6 =	vor.u32 v0, v15;
	v15 =	vor.u32 v16, v45;
	v16 =	vand.u32 $0x7F, v35  }
0x89: {  	[tilespmem:v9+s29+$0x0] =	vst.idx.msk $0xffff, v29;
	v9 =	vor.u32 v0, v15;
	v1 =	vor.u32 v16, v1;
	v15 =	vand.u32 $0x7F, v28  }
0x8a: {  	[tilespmem:v12+s29+$0x0] =	vst.idx.msk $0xffff, v4;
	v1 =	vor.u32 v0, v1;
	v4 =	vor.u32 v15, v8;
	v8 =	vand.u32 $0x7F, v46  }
0x8b: {  	[tilespmem:v10+s29+$0x0] =	vst.idx.msk $0xffff, v13;
	v4 =	vor.u32 v0, v4;
	v8 =	vor.u32 v8, v47  }
0x8c: {  	[tilespmem:v11+s29+$0x0] =	vst.idx.msk $0xffff, v2;
	v0 =	vor.u32 v0, v8  }
0x8d: {  	[tilespmem:v6+s29+$0x0] =	vst.idx.msk $0xffff, v17  }
0x8e: {  	[tilespmem:v9+s29+$0x0] =	vst.idx.msk $0xffff, v14  }
0x8f: {  	[tilespmem:v1+s29+$0x0] =	vst.idx.msk $0xffff, v5  }
0x90: {  	[tilespmem:v4+s29+$0x0] =	vst.idx.msk $0xffff, v3  }
0x91: {  	s3 =	simm.s32 $0x0;
	[tilespmem:v0+s29+$0x0] =	vst.idx.msk $0xffff, v7  }
0x92: {  	[hbm4b:s8+s3] =	stream.linear.scatter [tilespmem:s29], [sflag:$0x3], $0x8000, $0x38;
	[tilespmem:$0x11E00] =	vst v63  }
0x93: {  	_ =	swait.ge [sflag:s30], $0x680  }
0x94: {  	[sflag:s30] =	ssyncset.done $0x0  }
0x95: {  	s4 =	simm.s32 $0x0;
	[sflag:s30] =	ssyncadd.s32 $0xFFFFF980  }
0x96: {  	[tilespmem:s26], [sflag:$0x1] =	stream.linear.gather [hbm4b:s9+s3], $0x680, $0x38;
	[tilespmem:$0x11E00] =	vst v63  }
0x97: {  	v0 =	vld [tilespmem:s4+$0x400]  }
0x98: {  	v6 =	vld [tilespmem:s4+$0xA80]  }
0x99: {  	v2 =	vld [tilespmem:s4+$0x1780];
	_ =	sdelay $0x2  }
0x9a: {  	v1 =	vshll.u32 v0, $0x9  }
0x9b: {  	v3 =	vshll.u32 v6, $0x3;
	v13 =	vadd.s32 $0x1, v6;
	v17 =	vadd.s32 $0x2, v6  }
0x9c: {  	v14 =	vshll.u32 v2, $0x4;
	v0 =	vshll.u32 v0, $0x7;
	v12 =	vadd.s32 $0x3, v6  }
0x9d: {  	v40 =	vadd.s32 $0x4, v6;
	v19 =	vadd.s32 $0x5, v6;
	v15 =	vadd.s32 $0x6, v6  }
0x9e: {  	v24 =	vadd.s32 $0x7, v6;
	v42 =	vadd.s32 $0x8, v6;
	v38 =	vadd.s32 $0xC, v6  }
0x9f: {  	v35 =	vadd.s32 $0xD, v6;
	v1 =	vand.u32 $0xFFFFF000, v1;
	v3 =	vand.u32 $0xFFFFFC00, v3  }
0xa0: {  	v4 =	vshll.u32 v13, $0x3;
	v22 =	vor.u32 $0x2, v14;
	v20 =	vor.u32 $0x9, v14  }
0xa1: {  	v39 =	vor.u32 $0x1, v14;
	v21 =	vor.u32 $0xB, v14;
	v33 =	vor.u32 $0x3, v14  }
0xa2: {  	v5 =	vor.u32 $0x8, v14;
	v0 =	vand.u32 $0x380, v0;
	v27 =	vor.u32 $0x6, v14  }
0xa3: {  	v28 =	vor.u32 $0x7, v14;
	v7 =	vor.u32 $0xD, v14;
	v23 =	vor.u32 $0xE, v14  }
0xa4: {  	v8 =	vadd.s32 v1, v3;
	v3 =	vand.u32 $0xFFFFFC00, v4;
	v4 =	vshll.u32 v17, $0x3  }
0xa5: {  	v11 =	vshll.u32 v19, $0x3;
	v9 =	vadd.s32 v1, v3;
	v2 =	vand.u32 $0xFFFFFC00, v4  }
0xa6: {  	v3 =	vor.u32 $0xA, v14;
	v10 =	vadd.s32 v1, v2;
	v2 =	vshll.u32 v12, $0x3  }
0xa7: {  	v29 =	vor.u32 $0xF, v14;
	v4 =	vor.u32 $0x4, v14;
	v2 =	vand.u32 $0xFFFFFC00, v2  }
0xa8: {  	v25 =	vshll.u32 v42, $0x3;
	v18 =	vadd.s32 v1, v2;
	v2 =	vshll.u32 v40, $0x3  }
0xa9: {  	v44 =	vor.u32 $0x5, v14;
	v45 =	vshll.u32 v38, $0x3;
	v16 =	vld.idx.msk [tilespmem:v14+s2+$0x0], $0xffff;
	v2 =	vand.u32 $0xFFFFFC00, v2  }
0xaa: {  	v11 =	vand.u32 $0xFFFFFC00, v11;
	v27 =	vld.idx.msk [tilespmem:v27+s2+$0x0], $0xffff;
	v30 =	vadd.s32 v1, v2;
	v2 =	vshll.u32 v15, $0x3  }
0xab: {  	v26 =	vand.u32 $0xFFFFFC00, v25;
	v31 =	vadd.s32 v1, v11;
	v11 =	vand.u32 $0xFFFFFC00, v2;
	v2 =	vld.idx.msk [tilespmem:v3+s2+$0x0], $0xffff  }
0xac: {  	v25 =	vadd.s32 $0x9, v6;
	v3 =	vshll.u32 v24, $0x3;
	v32 =	vadd.s32 v1, v11;
	v11 =	vld.idx.msk [tilespmem:v4+s2+$0x0], $0xffff  }
0xad: {  	v43 =	vadd.s32 v1, v26;
	v26 =	vadd.s32 $0xA, v6;
	v3 =	vand.u32 $0xFFFFFC00, v3;
	v4 =	vld.idx.msk [tilespmem:v5+s2+$0x0], $0xffff  }
0xae: {  	v5 =	vshll.u32 v25, $0x3;
	v36 =	vadd.s32 v1, v3;
	v3 =	vld.idx.msk [tilespmem:v23+s2+$0x0], $0xffff;
	v23 =	vadd.s32 $0xB, v6  }
0xaf: {  	v61 =	vshll.u32 v26, $0x3;
	v60 =	vand.u32 $0xFFFFFC00, v5;
	v5 =	vld.idx.msk [tilespmem:v7+s2+$0x0], $0xffff;
	v62 =	vshll.u32 v23, $0x3  }
0xb0: {  	v7 =	vld.idx.msk [tilespmem:v29+s2+$0x0], $0xffff;
	v29 =	vand.u32 $0xFFFFFC00, v61;
	v34 =	vadd.s32 v1, v60;
	v63 =	vand.u32 $0xFFFFFC00, v62  }
0xb1: {  	s3 =	simm.s32 $0x40;
	v41 =	vadd.s32 v1, v29;
	v29 =	vld.idx.msk [tilespmem:v28+s2+$0x0], $0xffff;
	v28 =	vadd.s32 $0xE, v6;
	v37 =	vadd.s32 v1, v63  }
.LBB2_4:
0xb2: {  	p0 =	sne.s32 s3, $0x19C0;
	v45 =	vand.u32 $0xFFFFFC00, v45;
	v46 =	vadd.s32 $0xF, v6;
	s4 =	smov.u32 s3;
	s3 =	sadd.s32 $0x40, s3  }
0xb3: {  	v39 =	vld.idx.msk [tilespmem:v39+s2+$0x0], $0xffff;
	v45 =	vadd.s32 v1, v45;
	v47 =	vshll.u32 v46, $0x3  }
0xb4: {  	v22 =	vld.idx.msk [tilespmem:v22+s2+$0x0], $0xffff;
	v47 =	vand.u32 $0xFFFFFC00, v47  }
0xb5: {  	v33 =	vld.idx.msk [tilespmem:v33+s2+$0x0], $0xffff;
	v47 =	vadd.s32 v1, v47  }
0xb6: {  	v17 =	vand.u32 $0x7F, v17;
	v20 =	vld.idx.msk [tilespmem:v20+s2+$0x0], $0xffff  }
0xb7: {  	v13 =	vand.u32 $0x7F, v13;
	v42 =	vand.u32 $0x7F, v42;
	v48 =	vshll.u32 v28, $0x3;
	v21 =	vld.idx.msk [tilespmem:v21+s2+$0x0], $0xffff  }
0xb8: {  	v6 =	vand.u32 $0x7F, v6;
	v40 =	vand.u32 $0x7F, v40;
	v42 =	vor.u32 v42, v43  }
0xb9: {  	v14 =	vor.u32 $0xC, v14;
	v6 =	vor.u32 v6, v8;
	v8 =	vand.u32 $0xFFFFFC00, v48;
	v43 =	vld.idx.msk [tilespmem:v44+s2+$0x0], $0xffff  }
0xba: {  	v9 =	vor.u32 v13, v9;
	v6 =	vor.u32 v0, v6;
	v8 =	vadd.s32 v1, v8  }
0xbb: {  	v12 =	vand.u32 $0x7F, v12;
	v10 =	vor.u32 v17, v10;
	v9 =	vor.u32 v0, v9  }
0xbc: {  	v12 =	vor.u32 v12, v18;
	v13 =	vand.u32 $0x7F, v19;
	v10 =	vor.u32 v0, v10  }
0xbd: {  	v17 =	vor.u32 v40, v30;
	v12 =	vor.u32 v0, v12;
	v13 =	vor.u32 v13, v31  }
0xbe: {  	v15 =	vand.u32 $0x7F, v15;
	v17 =	vor.u32 v0, v17;
	v13 =	vor.u32 v0, v13;
	v14 =	vld.idx.msk [tilespmem:v14+s2+$0x0], $0xffff  }
0xbf: {  	[tilespmem:v6+s31+$0x0] =	vst.idx.msk $0xffff, v16;
	v6 =	vor.u32 v15, v32;
	v15 =	vand.u32 $0x7F, v24;
	v16 =	vshll.u32 v35, $0x3  }
0xc0: {  	[tilespmem:v9+s31+$0x0] =	vst.idx.msk $0xffff, v39;
	v6 =	vor.u32 v0, v6;
	v9 =	vor.u32 v15, v36;
	v15 =	vand.u32 $0xFFFFFC00, v16  }
0xc1: {  	[tilespmem:v10+s31+$0x0] =	vst.idx.msk $0xffff, v22;
	v9 =	vor.u32 v0, v9;
	v10 =	vand.u32 $0x7F, v25;
	v1 =	vadd.s32 v1, v15  }
0xc2: {  	v15 =	vand.u32 $0x7F, v26;
	[tilespmem:v12+s31+$0x0] =	vst.idx.msk $0xffff, v33;
	v12 =	vor.u32 v0, v42;
	v10 =	vor.u32 v10, v34  }
0xc3: {  	[tilespmem:v17+s31+$0x0] =	vst.idx.msk $0xffff, v11;
	v10 =	vor.u32 v0, v10;
	v11 =	vor.u32 v15, v41;
	v15 =	vand.u32 $0x7F, v23  }
0xc4: {  	[tilespmem:v13+s31+$0x0] =	vst.idx.msk $0xffff, v43;
	v11 =	vor.u32 v0, v11;
	v13 =	vor.u32 v15, v37;
	v15 =	vand.u32 $0x7F, v38  }
0xc5: {  	[tilespmem:v6+s31+$0x0] =	vst.idx.msk $0xffff, v27;
	v6 =	vor.u32 v0, v13;
	v13 =	vor.u32 v15, v45;
	v15 =	vand.u32 $0x7F, v35  }
0xc6: {  	[tilespmem:v9+s31+$0x0] =	vst.idx.msk $0xffff, v29;
	v9 =	vor.u32 v0, v13;
	v1 =	vor.u32 v15, v1;
	v13 =	vand.u32 $0x7F, v28  }
0xc7: {  	[tilespmem:v12+s31+$0x0] =	vst.idx.msk $0xffff, v4;
	v1 =	vor.u32 v0, v1;
	v4 =	vor.u32 v13, v8;
	v8 =	vand.u32 $0x7F, v46  }
0xc8: {  	[tilespmem:v10+s31+$0x0] =	vst.idx.msk $0xffff, v20;
	v4 =	vor.u32 v0, v4;
	v8 =	vor.u32 v8, v47  }
0xc9: {  	[tilespmem:v11+s31+$0x0] =	vst.idx.msk $0xffff, v2;
	v0 =	vor.u32 v0, v8  }
0xca: {  	[tilespmem:v6+s31+$0x0] =	vst.idx.msk $0xffff, v21  }
0xcb: {  	[tilespmem:v9+s31+$0x0] =	vst.idx.msk $0xffff, v14  }
0xcc: {  	s4 =	sshra.s32 s4, $0x2;
	[tilespmem:v1+s31+$0x0] =	vst.idx.msk $0xffff, v5  }
0xcd: {  	[tilespmem:v4+s31+$0x0] =	vst.idx.msk $0xffff, v3  }
0xce: {  	[tilespmem:v0+s31+$0x0] =	vst.idx.msk $0xffff, v7  }
0xcf: {  	v0 =	vld [tilespmem:s4+$0x400]  }
0xd0: {  	v6 =	vld [tilespmem:s4+$0xA80];
	_ =	sdelay $0x2  }
0xd1: {  	v2 =	vld [tilespmem:s4+$0x1780]  }
0xd2: {  	v1 =	vshll.u32 v0, $0x9  }
0xd3: {  	v1 =	vand.u32 $0xFFFFF000, v1;
	v3 =	vshll.u32 v6, $0x3;
	v13 =	vadd.s32 $0x1, v6  }
0xd4: {  	v17 =	vadd.s32 $0x2, v6;
	v3 =	vand.u32 $0xFFFFFC00, v3;
	v4 =	vshll.u32 v13, $0x3  }
0xd5: {  	v8 =	vadd.s32 v1, v3;
	v3 =	vand.u32 $0xFFFFFC00, v4;
	v4 =	vshll.u32 v17, $0x3  }
0xd6: {  	v14 =	vshll.u32 v2, $0x4;
	v9 =	vadd.s32 v1, v3;
	v2 =	vand.u32 $0xFFFFFC00, v4  }
0xd7: {  	v22 =	vor.u32 $0x2, v14;
	v3 =	vor.u32 $0xA, v14;
	v10 =	vadd.s32 v1, v2  }
0xd8: {  	v0 =	vshll.u32 v0, $0x7;
	v12 =	vadd.s32 $0x3, v6;
	v20 =	vor.u32 $0x9, v14  }
0xd9: {  	v39 =	vor.u32 $0x1, v14;
	v21 =	vor.u32 $0xB, v14;
	v2 =	vshll.u32 v12, $0x3  }
0xda: {  	v33 =	vor.u32 $0x3, v14;
	v4 =	vor.u32 $0x4, v14;
	v2 =	vand.u32 $0xFFFFFC00, v2  }
0xdb: {  	v0 =	vand.u32 $0x380, v0;
	v5 =	vor.u32 $0x8, v14;
	v18 =	vadd.s32 v1, v2;
	v16 =	vld.idx.msk [tilespmem:v14+s2+$0x0], $0xffff  }
0xdc: {  	v40 =	vadd.s32 $0x4, v6;
	v19 =	vadd.s32 $0x5, v6;
	v15 =	vadd.s32 $0x6, v6  }
0xdd: {  	v7 =	vshll.u32 v40, $0x3;
	v27 =	vor.u32 $0x6, v14;
	v28 =	vor.u32 $0x7, v14  }
0xde: {  	v24 =	vshll.u32 v19, $0x3;
	v23 =	vor.u32 $0xD, v14;
	v2 =	vld.idx.msk [tilespmem:v3+s2+$0x0], $0xffff;
	v3 =	vor.u32 $0xE, v14  }
0xdf: {  	v7 =	vand.u32 $0xFFFFFC00, v7;
	v24 =	vand.u32 $0xFFFFFC00, v24;
	v29 =	vor.u32 $0xF, v14;
	v11 =	vld.idx.msk [tilespmem:v4+s2+$0x0], $0xffff  }
0xe0: {  	v30 =	vadd.s32 v1, v7;
	v31 =	vadd.s32 v1, v24;
	v4 =	vld.idx.msk [tilespmem:v5+s2+$0x0], $0xffff;
	v5 =	vshll.u32 v15, $0x3  }
0xe1: {  	v42 =	vadd.s32 $0x8, v6;
	v24 =	vadd.s32 $0x7, v6;
	v5 =	vand.u32 $0xFFFFFC00, v5  }
0xe2: {  	v7 =	vshll.u32 v42, $0x3;
	v32 =	vadd.s32 v1, v5;
	v5 =	vshll.u32 v24, $0x3  }
0xe3: {  	v25 =	vadd.s32 $0x9, v6;
	v7 =	vand.u32 $0xFFFFFC00, v7;
	v5 =	vand.u32 $0xFFFFFC00, v5  }
0xe4: {  	v43 =	vadd.s32 v1, v7;
	v7 =	vshll.u32 v25, $0x3;
	v3 =	vld.idx.msk [tilespmem:v3+s2+$0x0], $0xffff;
	v36 =	vadd.s32 v1, v5  }
.Ltmp1:
0xe5: {  	v26 =	vadd.s32 $0xA, v6;
	v7 =	vand.u32 $0xFFFFFC00, v7;
	v5 =	vld.idx.msk [tilespmem:v23+s2+$0x0], $0xffff;
	v23 =	vadd.s32 $0xB, v6;
	(pc) =	sbr.rel @p0 .LBB2_4-.Ltmp1, $4  }
0xe6: {  	v35 =	vshll.u32 v26, $0x3;
	v34 =	vadd.s32 v1, v7;
	v37 =	vshll.u32 v23, $0x3  }
0xe7: {  	v44 =	vor.u32 $0x5, v14;
	v7 =	vld.idx.msk [tilespmem:v29+s2+$0x0], $0xffff;
	v29 =	vand.u32 $0xFFFFFC00, v35;
	v35 =	vand.u32 $0xFFFFFC00, v37  }
0xe8: {  	v38 =	vadd.s32 $0xC, v6;
	v27 =	vld.idx.msk [tilespmem:v27+s2+$0x0], $0xffff;
	v41 =	vadd.s32 v1, v29;
	v37 =	vadd.s32 v1, v35  }
0xe9: {  	v45 =	vshll.u32 v38, $0x3;
	v35 =	vadd.s32 $0xD, v6;
	v29 =	vld.idx.msk [tilespmem:v28+s2+$0x0], $0xffff;
	v28 =	vadd.s32 $0xE, v6  }
0xea: {  	v46 =	vadd.s32 $0xF, v6  }
0xeb: {  	v45 =	vand.u32 $0xFFFFFC00, v45;
	v17 =	vand.u32 $0x7F, v17;
	v13 =	vand.u32 $0x7F, v13  }
0xec: {  	v42 =	vand.u32 $0x7F, v42;
	v48 =	vshll.u32 v28, $0x3;
	v6 =	vand.u32 $0x7F, v6  }
0xed: {  	v40 =	vand.u32 $0x7F, v40;
	v14 =	vor.u32 $0xC, v14;
	v12 =	vand.u32 $0x7F, v12  }
0xee: {  	v15 =	vand.u32 $0x7F, v15;
	v47 =	vshll.u32 v46, $0x3;
	v45 =	vadd.s32 v1, v45  }
0xef: {  	v39 =	vld.idx.msk [tilespmem:v39+s2+$0x0], $0xffff;
	v42 =	vor.u32 v42, v43;
	v6 =	vor.u32 v6, v8;
	v8 =	vand.u32 $0xFFFFFC00, v48  }
0xf0: {  	v22 =	vld.idx.msk [tilespmem:v22+s2+$0x0], $0xffff;
	v9 =	vor.u32 v13, v9;
	v10 =	vor.u32 v17, v10;
	v6 =	vor.u32 v0, v6  }
0xf1: {  	v33 =	vld.idx.msk [tilespmem:v33+s2+$0x0], $0xffff;
	v12 =	vor.u32 v12, v18;
	v18 =	vand.u32 $0x7F, v19;
	v9 =	vor.u32 v0, v9  }
0xf2: {  	v13 =	vld.idx.msk [tilespmem:v20+s2+$0x0], $0xffff;
	v20 =	vor.u32 v40, v30;
	v47 =	vand.u32 $0xFFFFFC00, v47;
	v10 =	vor.u32 v0, v10  }
0xf3: {  	v17 =	vld.idx.msk [tilespmem:v21+s2+$0x0], $0xffff;
	v8 =	vadd.s32 v1, v8;
	v12 =	vor.u32 v0, v12;
	v18 =	vor.u32 v18, v31  }
0xf4: {  	v19 =	vld.idx.msk [tilespmem:v44+s2+$0x0], $0xffff;
	v20 =	vor.u32 v0, v20;
	v47 =	vadd.s32 v1, v47;
	v18 =	vor.u32 v0, v18  }
0xf5: {  	v14 =	vld.idx.msk [tilespmem:v14+s2+$0x0], $0xffff;
	[tilespmem:v6+s31+$0x0] =	vst.idx.msk $0xffff, v16;
	v6 =	vor.u32 v15, v32;
	v15 =	vand.u32 $0x7F, v24;
	v16 =	vshll.u32 v35, $0x3  }
0xf6: {  	[tilespmem:v9+s31+$0x0] =	vst.idx.msk $0xffff, v39;
	v6 =	vor.u32 v0, v6;
	v9 =	vor.u32 v15, v36;
	v15 =	vand.u32 $0xFFFFFC00, v16  }
0xf7: {  	[tilespmem:v10+s31+$0x0] =	vst.idx.msk $0xffff, v22;
	v9 =	vor.u32 v0, v9;
	v10 =	vand.u32 $0x7F, v25;
	v1 =	vadd.s32 v1, v15  }
0xf8: {  	v15 =	vand.u32 $0x7F, v26;
	[tilespmem:v12+s31+$0x0] =	vst.idx.msk $0xffff, v33;
	v12 =	vor.u32 v0, v42;
	v10 =	vor.u32 v10, v34  }
0xf9: {  	[tilespmem:v20+s31+$0x0] =	vst.idx.msk $0xffff, v11;
	v10 =	vor.u32 v0, v10;
	v11 =	vor.u32 v15, v41;
	v15 =	vand.u32 $0x7F, v23  }
0xfa: {  	v16 =	vand.u32 $0x7F, v38;
	[tilespmem:v18+s31+$0x0] =	vst.idx.msk $0xffff, v19;
	v11 =	vor.u32 v0, v11;
	v15 =	vor.u32 v15, v37  }
0xfb: {  	[tilespmem:v6+s31+$0x0] =	vst.idx.msk $0xffff, v27;
	v6 =	vor.u32 v0, v15;
	v15 =	vor.u32 v16, v45;
	v16 =	vand.u32 $0x7F, v35  }
0xfc: {  	[tilespmem:v9+s31+$0x0] =	vst.idx.msk $0xffff, v29;
	v9 =	vor.u32 v0, v15;
	v1 =	vor.u32 v16, v1;
	v15 =	vand.u32 $0x7F, v28  }
0xfd: {  	[tilespmem:v12+s31+$0x0] =	vst.idx.msk $0xffff, v4;
	v1 =	vor.u32 v0, v1;
	v4 =	vor.u32 v15, v8;
	v8 =	vand.u32 $0x7F, v46  }
0xfe: {  	[tilespmem:v10+s31+$0x0] =	vst.idx.msk $0xffff, v13;
	v4 =	vor.u32 v0, v4;
	v8 =	vor.u32 v8, v47  }
0xff: {  	[tilespmem:v11+s31+$0x0] =	vst.idx.msk $0xffff, v2;
	v0 =	vor.u32 v0, v8  }
0x100: {  	[tilespmem:v6+s31+$0x0] =	vst.idx.msk $0xffff, v17  }
0x101: {  	[tilespmem:v9+s31+$0x0] =	vst.idx.msk $0xffff, v14  }
0x102: {  	[tilespmem:v1+s31+$0x0] =	vst.idx.msk $0xffff, v5  }
0x103: {  	[tilespmem:v4+s31+$0x0] =	vst.idx.msk $0xffff, v3  }
0x104: {  	s3 =	simm.s32 $0x0;
	[tilespmem:v0+s31+$0x0] =	vst.idx.msk $0xffff, v7  }
0x105: {  	[hbm4b:s10+s3] =	stream.linear.scatter [tilespmem:s31], [sflag:$0x4], $0x8000, $0x38;
	[tilespmem:$0x11E00] =	vst v63  }
0x106: {  	_ =	swait.ge [sflag:s1], $0x680  }
0x107: {  	[sflag:s1] =	ssyncset.done $0x0  }
0x108: {  	[sflag:s1] =	ssyncadd.s32 $0xFFFFF980  }
0x109: {  	[tilespmem:s28], [sflag:$0x2] =	stream.linear.gather [hbm4b:s11+s3], $0x680, $0x38;
	[tilespmem:$0x11E00] =	vst v63  }
0x10a: {  	_ =	swait.ge [sflag:s0], $0x8000  }
0x10b: {  	[sflag:s0] =	ssyncset.done $0x0  }
0x10c: {  	s4 =	simm.s32 $0x0;
	[sflag:s0] =	ssyncadd.s32 $0xFFFF8000  }
0x10d: {  	v0 =	vld [tilespmem:s4+$0x400]  }
0x10e: {  	v6 =	vld [tilespmem:s4+$0xA80]  }
0x10f: {  	v2 =	vld [tilespmem:s4+$0x1100];
	_ =	sdelay $0x2  }
0x110: {  	v1 =	vshll.u32 v0, $0x9  }
0x111: {  	v3 =	vshll.u32 v6, $0x3;
	v13 =	vadd.s32 $0x1, v6;
	v17 =	vadd.s32 $0x2, v6  }
0x112: {  	v14 =	vshll.u32 v2, $0x4;
	v0 =	vshll.u32 v0, $0x7;
	v12 =	vadd.s32 $0x3, v6  }
0x113: {  	v40 =	vadd.s32 $0x4, v6;
	v19 =	vadd.s32 $0x5, v6;
	v15 =	vadd.s32 $0x6, v6  }
0x114: {  	v24 =	vadd.s32 $0x7, v6;
	v42 =	vadd.s32 $0x8, v6;
	v38 =	vadd.s32 $0xC, v6  }
0x115: {  	v35 =	vadd.s32 $0xD, v6;
	v1 =	vand.u32 $0xFFFFF000, v1;
	v3 =	vand.u32 $0xFFFFFC00, v3  }
0x116: {  	v4 =	vshll.u32 v13, $0x3;
	v22 =	vor.u32 $0x2, v14;
	v20 =	vor.u32 $0x9, v14  }
0x117: {  	v39 =	vor.u32 $0x1, v14;
	v21 =	vor.u32 $0xB, v14;
	v33 =	vor.u32 $0x3, v14  }
0x118: {  	v5 =	vor.u32 $0x8, v14;
	v0 =	vand.u32 $0x380, v0;
	v27 =	vor.u32 $0x6, v14  }
0x119: {  	v28 =	vor.u32 $0x7, v14;
	v7 =	vor.u32 $0xD, v14;
	v23 =	vor.u32 $0xE, v14  }
0x11a: {  	v8 =	vadd.s32 v1, v3;
	v3 =	vand.u32 $0xFFFFFC00, v4;
	v4 =	vshll.u32 v17, $0x3  }
0x11b: {  	v11 =	vshll.u32 v19, $0x3;
	v9 =	vadd.s32 v1, v3;
	v2 =	vand.u32 $0xFFFFFC00, v4  }
0x11c: {  	v3 =	vor.u32 $0xA, v14;
	v10 =	vadd.s32 v1, v2;
	v2 =	vshll.u32 v12, $0x3  }
0x11d: {  	v29 =	vor.u32 $0xF, v14;
	v4 =	vor.u32 $0x4, v14;
	v2 =	vand.u32 $0xFFFFFC00, v2  }
0x11e: {  	v25 =	vshll.u32 v42, $0x3;
	v18 =	vadd.s32 v1, v2;
	v2 =	vshll.u32 v40, $0x3  }
0x11f: {  	v44 =	vor.u32 $0x5, v14;
	v45 =	vshll.u32 v38, $0x3;
	v16 =	vld.idx.msk [tilespmem:v14+s2+$0x0], $0xffff;
	v2 =	vand.u32 $0xFFFFFC00, v2  }
0x120: {  	v11 =	vand.u32 $0xFFFFFC00, v11;
	v27 =	vld.idx.msk [tilespmem:v27+s2+$0x0], $0xffff;
	v30 =	vadd.s32 v1, v2;
	v2 =	vshll.u32 v15, $0x3  }
0x121: {  	v26 =	vand.u32 $0xFFFFFC00, v25;
	v31 =	vadd.s32 v1, v11;
	v11 =	vand.u32 $0xFFFFFC00, v2;
	v2 =	vld.idx.msk [tilespmem:v3+s2+$0x0], $0xffff  }
0x122: {  	v25 =	vadd.s32 $0x9, v6;
	v3 =	vshll.u32 v24, $0x3;
	v32 =	vadd.s32 v1, v11;
	v11 =	vld.idx.msk [tilespmem:v4+s2+$0x0], $0xffff  }
0x123: {  	v43 =	vadd.s32 v1, v26;
	v26 =	vadd.s32 $0xA, v6;
	v3 =	vand.u32 $0xFFFFFC00, v3;
	v4 =	vld.idx.msk [tilespmem:v5+s2+$0x0], $0xffff  }
0x124: {  	v5 =	vshll.u32 v25, $0x3;
	v36 =	vadd.s32 v1, v3;
	v3 =	vld.idx.msk [tilespmem:v23+s2+$0x0], $0xffff;
	v23 =	vadd.s32 $0xB, v6  }
0x125: {  	v61 =	vshll.u32 v26, $0x3;
	v60 =	vand.u32 $0xFFFFFC00, v5;
	v5 =	vld.idx.msk [tilespmem:v7+s2+$0x0], $0xffff;
	v62 =	vshll.u32 v23, $0x3  }
0x126: {  	v7 =	vld.idx.msk [tilespmem:v29+s2+$0x0], $0xffff;
	v29 =	vand.u32 $0xFFFFFC00, v61;
	v34 =	vadd.s32 v1, v60;
	v63 =	vand.u32 $0xFFFFFC00, v62  }
0x127: {  	s3 =	simm.s32 $0x40;
	v41 =	vadd.s32 v1, v29;
	v29 =	vld.idx.msk [tilespmem:v28+s2+$0x0], $0xffff;
	v28 =	vadd.s32 $0xE, v6;
	v37 =	vadd.s32 v1, v63  }
.LBB2_6:
0x128: {  	p0 =	sne.s32 s3, $0x19C0;
	v45 =	vand.u32 $0xFFFFFC00, v45;
	v46 =	vadd.s32 $0xF, v6;
	s4 =	smov.u32 s3;
	s3 =	sadd.s32 $0x40, s3  }
0x129: {  	v39 =	vld.idx.msk [tilespmem:v39+s2+$0x0], $0xffff;
	v45 =	vadd.s32 v1, v45;
	v47 =	vshll.u32 v46, $0x3  }
0x12a: {  	v22 =	vld.idx.msk [tilespmem:v22+s2+$0x0], $0xffff;
	v47 =	vand.u32 $0xFFFFFC00, v47  }
0x12b: {  	v33 =	vld.idx.msk [tilespmem:v33+s2+$0x0], $0xffff;
	v47 =	vadd.s32 v1, v47  }
0x12c: {  	v17 =	vand.u32 $0x7F, v17;
	v20 =	vld.idx.msk [tilespmem:v20+s2+$0x0], $0xffff  }
0x12d: {  	v13 =	vand.u32 $0x7F, v13;
	v42 =	vand.u32 $0x7F, v42;
	v48 =	vshll.u32 v28, $0x3;
	v21 =	vld.idx.msk [tilespmem:v21+s2+$0x0], $0xffff  }
0x12e: {  	v6 =	vand.u32 $0x7F, v6;
	v40 =	vand.u32 $0x7F, v40;
	v42 =	vor.u32 v42, v43  }
0x12f: {  	v14 =	vor.u32 $0xC, v14;
	v6 =	vor.u32 v6, v8;
	v8 =	vand.u32 $0xFFFFFC00, v48;
	v43 =	vld.idx.msk [tilespmem:v44+s2+$0x0], $0xffff  }
0x130: {  	v9 =	vor.u32 v13, v9;
	v6 =	vor.u32 v0, v6;
	v8 =	vadd.s32 v1, v8  }
0x131: {  	v12 =	vand.u32 $0x7F, v12;
	v10 =	vor.u32 v17, v10;
	v9 =	vor.u32 v0, v9  }
0x132: {  	v12 =	vor.u32 v12, v18;
	v13 =	vand.u32 $0x7F, v19;
	v10 =	vor.u32 v0, v10  }
0x133: {  	v17 =	vor.u32 v40, v30;
	v12 =	vor.u32 v0, v12;
	v13 =	vor.u32 v13, v31  }
0x134: {  	v15 =	vand.u32 $0x7F, v15;
	v17 =	vor.u32 v0, v17;
	v13 =	vor.u32 v0, v13;
	v14 =	vld.idx.msk [tilespmem:v14+s2+$0x0], $0xffff  }
0x135: {  	[tilespmem:v6+s29+$0x0] =	vst.idx.msk $0xffff, v16;
	v6 =	vor.u32 v15, v32;
	v15 =	vand.u32 $0x7F, v24;
	v16 =	vshll.u32 v35, $0x3  }
0x136: {  	[tilespmem:v9+s29+$0x0] =	vst.idx.msk $0xffff, v39;
	v6 =	vor.u32 v0, v6;
	v9 =	vor.u32 v15, v36;
	v15 =	vand.u32 $0xFFFFFC00, v16  }
0x137: {  	[tilespmem:v10+s29+$0x0] =	vst.idx.msk $0xffff, v22;
	v9 =	vor.u32 v0, v9;
	v10 =	vand.u32 $0x7F, v25;
	v1 =	vadd.s32 v1, v15  }
0x138: {  	v15 =	vand.u32 $0x7F, v26;
	[tilespmem:v12+s29+$0x0] =	vst.idx.msk $0xffff, v33;
	v12 =	vor.u32 v0, v42;
	v10 =	vor.u32 v10, v34  }
0x139: {  	[tilespmem:v17+s29+$0x0] =	vst.idx.msk $0xffff, v11;
	v10 =	vor.u32 v0, v10;
	v11 =	vor.u32 v15, v41;
	v15 =	vand.u32 $0x7F, v23  }
0x13a: {  	[tilespmem:v13+s29+$0x0] =	vst.idx.msk $0xffff, v43;
	v11 =	vor.u32 v0, v11;
	v13 =	vor.u32 v15, v37;
	v15 =	vand.u32 $0x7F, v38  }
0x13b: {  	[tilespmem:v6+s29+$0x0] =	vst.idx.msk $0xffff, v27;
	v6 =	vor.u32 v0, v13;
	v13 =	vor.u32 v15, v45;
	v15 =	vand.u32 $0x7F, v35  }
0x13c: {  	[tilespmem:v9+s29+$0x0] =	vst.idx.msk $0xffff, v29;
	v9 =	vor.u32 v0, v13;
	v1 =	vor.u32 v15, v1;
	v13 =	vand.u32 $0x7F, v28  }
0x13d: {  	[tilespmem:v12+s29+$0x0] =	vst.idx.msk $0xffff, v4;
	v1 =	vor.u32 v0, v1;
	v4 =	vor.u32 v13, v8;
	v8 =	vand.u32 $0x7F, v46  }
0x13e: {  	[tilespmem:v10+s29+$0x0] =	vst.idx.msk $0xffff, v20;
	v4 =	vor.u32 v0, v4;
	v8 =	vor.u32 v8, v47  }
0x13f: {  	[tilespmem:v11+s29+$0x0] =	vst.idx.msk $0xffff, v2;
	v0 =	vor.u32 v0, v8  }
0x140: {  	[tilespmem:v6+s29+$0x0] =	vst.idx.msk $0xffff, v21  }
0x141: {  	[tilespmem:v9+s29+$0x0] =	vst.idx.msk $0xffff, v14  }
0x142: {  	s4 =	sshra.s32 s4, $0x2;
	[tilespmem:v1+s29+$0x0] =	vst.idx.msk $0xffff, v5  }
0x143: {  	[tilespmem:v4+s29+$0x0] =	vst.idx.msk $0xffff, v3  }
0x144: {  	[tilespmem:v0+s29+$0x0] =	vst.idx.msk $0xffff, v7  }
0x145: {  	v0 =	vld [tilespmem:s4+$0x400]  }
0x146: {  	v6 =	vld [tilespmem:s4+$0xA80];
	_ =	sdelay $0x2  }
0x147: {  	v2 =	vld [tilespmem:s4+$0x1100]  }
0x148: {  	v1 =	vshll.u32 v0, $0x9  }
0x149: {  	v1 =	vand.u32 $0xFFFFF000, v1;
	v3 =	vshll.u32 v6, $0x3;
	v13 =	vadd.s32 $0x1, v6  }
0x14a: {  	v17 =	vadd.s32 $0x2, v6;
	v3 =	vand.u32 $0xFFFFFC00, v3;
	v4 =	vshll.u32 v13, $0x3  }
0x14b: {  	v8 =	vadd.s32 v1, v3;
	v3 =	vand.u32 $0xFFFFFC00, v4;
	v4 =	vshll.u32 v17, $0x3  }
0x14c: {  	v14 =	vshll.u32 v2, $0x4;
	v9 =	vadd.s32 v1, v3;
	v2 =	vand.u32 $0xFFFFFC00, v4  }
0x14d: {  	v22 =	vor.u32 $0x2, v14;
	v3 =	vor.u32 $0xA, v14;
	v10 =	vadd.s32 v1, v2  }
0x14e: {  	v0 =	vshll.u32 v0, $0x7;
	v12 =	vadd.s32 $0x3, v6;
	v20 =	vor.u32 $0x9, v14  }
0x14f: {  	v39 =	vor.u32 $0x1, v14;
	v21 =	vor.u32 $0xB, v14;
	v2 =	vshll.u32 v12, $0x3  }
0x150: {  	v33 =	vor.u32 $0x3, v14;
	v4 =	vor.u32 $0x4, v14;
	v2 =	vand.u32 $0xFFFFFC00, v2  }
0x151: {  	v0 =	vand.u32 $0x380, v0;
	v5 =	vor.u32 $0x8, v14;
	v18 =	vadd.s32 v1, v2;
	v16 =	vld.idx.msk [tilespmem:v14+s2+$0x0], $0xffff  }
0x152: {  	v40 =	vadd.s32 $0x4, v6;
	v19 =	vadd.s32 $0x5, v6;
	v15 =	vadd.s32 $0x6, v6  }
0x153: {  	v7 =	vshll.u32 v40, $0x3;
	v27 =	vor.u32 $0x6, v14;
	v28 =	vor.u32 $0x7, v14  }
0x154: {  	v24 =	vshll.u32 v19, $0x3;
	v23 =	vor.u32 $0xD, v14;
	v2 =	vld.idx.msk [tilespmem:v3+s2+$0x0], $0xffff;
	v3 =	vor.u32 $0xE, v14  }
0x155: {  	v7 =	vand.u32 $0xFFFFFC00, v7;
	v24 =	vand.u32 $0xFFFFFC00, v24;
	v29 =	vor.u32 $0xF, v14;
	v11 =	vld.idx.msk [tilespmem:v4+s2+$0x0], $0xffff  }
0x156: {  	v30 =	vadd.s32 v1, v7;
	v31 =	vadd.s32 v1, v24;
	v4 =	vld.idx.msk [tilespmem:v5+s2+$0x0], $0xffff;
	v5 =	vshll.u32 v15, $0x3  }
0x157: {  	v42 =	vadd.s32 $0x8, v6;
	v24 =	vadd.s32 $0x7, v6;
	v5 =	vand.u32 $0xFFFFFC00, v5  }
0x158: {  	v7 =	vshll.u32 v42, $0x3;
	v32 =	vadd.s32 v1, v5;
	v5 =	vshll.u32 v24, $0x3  }
0x159: {  	v25 =	vadd.s32 $0x9, v6;
	v7 =	vand.u32 $0xFFFFFC00, v7;
	v5 =	vand.u32 $0xFFFFFC00, v5  }
0x15a: {  	v43 =	vadd.s32 v1, v7;
	v7 =	vshll.u32 v25, $0x3;
	v3 =	vld.idx.msk [tilespmem:v3+s2+$0x0], $0xffff;
	v36 =	vadd.s32 v1, v5  }
.Ltmp2:
0x15b: {  	v26 =	vadd.s32 $0xA, v6;
	v7 =	vand.u32 $0xFFFFFC00, v7;
	v5 =	vld.idx.msk [tilespmem:v23+s2+$0x0], $0xffff;
	v23 =	vadd.s32 $0xB, v6;
	(pc) =	sbr.rel @p0 .LBB2_6-.Ltmp2, $4  }
0x15c: {  	v35 =	vshll.u32 v26, $0x3;
	v34 =	vadd.s32 v1, v7;
	v37 =	vshll.u32 v23, $0x3  }
0x15d: {  	v44 =	vor.u32 $0x5, v14;
	v7 =	vld.idx.msk [tilespmem:v29+s2+$0x0], $0xffff;
	v29 =	vand.u32 $0xFFFFFC00, v35;
	v35 =	vand.u32 $0xFFFFFC00, v37  }
0x15e: {  	v38 =	vadd.s32 $0xC, v6;
	v27 =	vld.idx.msk [tilespmem:v27+s2+$0x0], $0xffff;
	v41 =	vadd.s32 v1, v29;
	v37 =	vadd.s32 v1, v35  }
0x15f: {  	v45 =	vshll.u32 v38, $0x3;
	v35 =	vadd.s32 $0xD, v6;
	v29 =	vld.idx.msk [tilespmem:v28+s2+$0x0], $0xffff;
	v28 =	vadd.s32 $0xE, v6  }
0x160: {  	v46 =	vadd.s32 $0xF, v6  }
0x161: {  	v45 =	vand.u32 $0xFFFFFC00, v45;
	v17 =	vand.u32 $0x7F, v17;
	v13 =	vand.u32 $0x7F, v13  }
0x162: {  	v42 =	vand.u32 $0x7F, v42;
	v48 =	vshll.u32 v28, $0x3;
	v6 =	vand.u32 $0x7F, v6  }
0x163: {  	v40 =	vand.u32 $0x7F, v40;
	v14 =	vor.u32 $0xC, v14;
	v12 =	vand.u32 $0x7F, v12  }
0x164: {  	v15 =	vand.u32 $0x7F, v15;
	v47 =	vshll.u32 v46, $0x3;
	v45 =	vadd.s32 v1, v45  }
0x165: {  	v39 =	vld.idx.msk [tilespmem:v39+s2+$0x0], $0xffff;
	v42 =	vor.u32 v42, v43;
	v6 =	vor.u32 v6, v8;
	v8 =	vand.u32 $0xFFFFFC00, v48  }
0x166: {  	v22 =	vld.idx.msk [tilespmem:v22+s2+$0x0], $0xffff;
	v9 =	vor.u32 v13, v9;
	v10 =	vor.u32 v17, v10;
	v6 =	vor.u32 v0, v6  }
0x167: {  	v33 =	vld.idx.msk [tilespmem:v33+s2+$0x0], $0xffff;
	v12 =	vor.u32 v12, v18;
	v18 =	vand.u32 $0x7F, v19;
	v9 =	vor.u32 v0, v9  }
0x168: {  	v13 =	vld.idx.msk [tilespmem:v20+s2+$0x0], $0xffff;
	v20 =	vor.u32 v40, v30;
	v47 =	vand.u32 $0xFFFFFC00, v47;
	v10 =	vor.u32 v0, v10  }
0x169: {  	v17 =	vld.idx.msk [tilespmem:v21+s2+$0x0], $0xffff;
	v8 =	vadd.s32 v1, v8;
	v12 =	vor.u32 v0, v12;
	v18 =	vor.u32 v18, v31  }
0x16a: {  	v19 =	vld.idx.msk [tilespmem:v44+s2+$0x0], $0xffff;
	v20 =	vor.u32 v0, v20;
	v47 =	vadd.s32 v1, v47;
	v18 =	vor.u32 v0, v18  }
0x16b: {  	v14 =	vld.idx.msk [tilespmem:v14+s2+$0x0], $0xffff;
	[tilespmem:v6+s29+$0x0] =	vst.idx.msk $0xffff, v16;
	v6 =	vor.u32 v15, v32;
	v15 =	vand.u32 $0x7F, v24;
	v16 =	vshll.u32 v35, $0x3  }
0x16c: {  	[tilespmem:v9+s29+$0x0] =	vst.idx.msk $0xffff, v39;
	v6 =	vor.u32 v0, v6;
	v9 =	vor.u32 v15, v36;
	v15 =	vand.u32 $0xFFFFFC00, v16  }
0x16d: {  	[tilespmem:v10+s29+$0x0] =	vst.idx.msk $0xffff, v22;
	v9 =	vor.u32 v0, v9;
	v10 =	vand.u32 $0x7F, v25;
	v1 =	vadd.s32 v1, v15  }
0x16e: {  	v15 =	vand.u32 $0x7F, v26;
	[tilespmem:v12+s29+$0x0] =	vst.idx.msk $0xffff, v33;
	v12 =	vor.u32 v0, v42;
	v10 =	vor.u32 v10, v34  }
0x16f: {  	[tilespmem:v20+s29+$0x0] =	vst.idx.msk $0xffff, v11;
	v10 =	vor.u32 v0, v10;
	v11 =	vor.u32 v15, v41;
	v15 =	vand.u32 $0x7F, v23  }
0x170: {  	v16 =	vand.u32 $0x7F, v38;
	[tilespmem:v18+s29+$0x0] =	vst.idx.msk $0xffff, v19;
	v11 =	vor.u32 v0, v11;
	v15 =	vor.u32 v15, v37  }
0x171: {  	[tilespmem:v6+s29+$0x0] =	vst.idx.msk $0xffff, v27;
	v6 =	vor.u32 v0, v15;
	v15 =	vor.u32 v16, v45;
	v16 =	vand.u32 $0x7F, v35  }
0x172: {  	[tilespmem:v9+s29+$0x0] =	vst.idx.msk $0xffff, v29;
	v9 =	vor.u32 v0, v15;
	v1 =	vor.u32 v16, v1;
	v15 =	vand.u32 $0x7F, v28  }
0x173: {  	[tilespmem:v12+s29+$0x0] =	vst.idx.msk $0xffff, v4;
	v1 =	vor.u32 v0, v1;
	v4 =	vor.u32 v15, v8;
	v8 =	vand.u32 $0x7F, v46  }
0x174: {  	[tilespmem:v10+s29+$0x0] =	vst.idx.msk $0xffff, v13;
	v4 =	vor.u32 v0, v4;
	v8 =	vor.u32 v8, v47  }
0x175: {  	[tilespmem:v11+s29+$0x0] =	vst.idx.msk $0xffff, v2;
	v0 =	vor.u32 v0, v8  }
0x176: {  	[tilespmem:v6+s29+$0x0] =	vst.idx.msk $0xffff, v17  }
0x177: {  	[tilespmem:v9+s29+$0x0] =	vst.idx.msk $0xffff, v14  }
0x178: {  	[tilespmem:v1+s29+$0x0] =	vst.idx.msk $0xffff, v5  }
0x179: {  	[tilespmem:v4+s29+$0x0] =	vst.idx.msk $0xffff, v3  }
0x17a: {  	s3 =	simm.s32 $0x0;
	[tilespmem:v0+s29+$0x0] =	vst.idx.msk $0xffff, v7  }
0x17b: {  	[hbm4b:s12+s3] =	stream.linear.scatter [tilespmem:s29], [sflag:$0x3], $0x8000, $0x38;
	[tilespmem:$0x11E00] =	vst v63  }
0x17c: {  	_ =	swait.ge [sflag:s30], $0x680  }
0x17d: {  	[sflag:s30] =	ssyncset.done $0x0  }
0x17e: {  	[sflag:s30] =	ssyncadd.s32 $0xFFFFF980  }
0x17f: {  	[tilespmem:s26], [sflag:$0x1] =	stream.linear.gather [hbm4b:s13+s3], $0x680, $0x38;
	[tilespmem:$0x11E00] =	vst v63  }
0x180: {  	_ =	swait.ge [sflag:s24], $0x8000  }
0x181: {  	[sflag:s24] =	ssyncset.done $0x0  }
0x182: {  	s4 =	simm.s32 $0x0;
	[sflag:s24] =	ssyncadd.s32 $0xFFFF8000  }
0x183: {  	v0 =	vld [tilespmem:s4+$0x400]  }
0x184: {  	v6 =	vld [tilespmem:s4+$0xA80]  }
0x185: {  	v2 =	vld [tilespmem:s4+$0x1780];
	_ =	sdelay $0x2  }
0x186: {  	v1 =	vshll.u32 v0, $0x9  }
0x187: {  	v3 =	vshll.u32 v6, $0x3;
	v13 =	vadd.s32 $0x1, v6;
	v17 =	vadd.s32 $0x2, v6  }
0x188: {  	v14 =	vshll.u32 v2, $0x4;
	v0 =	vshll.u32 v0, $0x7;
	v12 =	vadd.s32 $0x3, v6  }
0x189: {  	v40 =	vadd.s32 $0x4, v6;
	v19 =	vadd.s32 $0x5, v6;
	v15 =	vadd.s32 $0x6, v6  }
0x18a: {  	v24 =	vadd.s32 $0x7, v6;
	v42 =	vadd.s32 $0x8, v6;
	v38 =	vadd.s32 $0xC, v6  }
0x18b: {  	v35 =	vadd.s32 $0xD, v6;
	v1 =	vand.u32 $0xFFFFF000, v1;
	v3 =	vand.u32 $0xFFFFFC00, v3  }
0x18c: {  	v4 =	vshll.u32 v13, $0x3;
	v22 =	vor.u32 $0x2, v14;
	v20 =	vor.u32 $0x9, v14  }
0x18d: {  	v39 =	vor.u32 $0x1, v14;
	v21 =	vor.u32 $0xB, v14;
	v33 =	vor.u32 $0x3, v14  }
0x18e: {  	v5 =	vor.u32 $0x8, v14;
	v0 =	vand.u32 $0x380, v0;
	v27 =	vor.u32 $0x6, v14  }
0x18f: {  	v28 =	vor.u32 $0x7, v14;
	v7 =	vor.u32 $0xD, v14;
	v23 =	vor.u32 $0xE, v14  }
0x190: {  	v8 =	vadd.s32 v1, v3;
	v3 =	vand.u32 $0xFFFFFC00, v4;
	v4 =	vshll.u32 v17, $0x3  }
0x191: {  	v11 =	vshll.u32 v19, $0x3;
	v9 =	vadd.s32 v1, v3;
	v2 =	vand.u32 $0xFFFFFC00, v4  }
0x192: {  	v3 =	vor.u32 $0xA, v14;
	v10 =	vadd.s32 v1, v2;
	v2 =	vshll.u32 v12, $0x3  }
0x193: {  	v29 =	vor.u32 $0xF, v14;
	v4 =	vor.u32 $0x4, v14;
	v2 =	vand.u32 $0xFFFFFC00, v2  }
0x194: {  	v25 =	vshll.u32 v42, $0x3;
	v18 =	vadd.s32 v1, v2;
	v2 =	vshll.u32 v40, $0x3  }
0x195: {  	v44 =	vor.u32 $0x5, v14;
	v45 =	vshll.u32 v38, $0x3;
	v16 =	vld.idx.msk [tilespmem:v14+s2+$0x0], $0xffff;
	v2 =	vand.u32 $0xFFFFFC00, v2  }
0x196: {  	v11 =	vand.u32 $0xFFFFFC00, v11;
	v27 =	vld.idx.msk [tilespmem:v27+s2+$0x0], $0xffff;
	v30 =	vadd.s32 v1, v2;
	v2 =	vshll.u32 v15, $0x3  }
0x197: {  	v26 =	vand.u32 $0xFFFFFC00, v25;
	v31 =	vadd.s32 v1, v11;
	v11 =	vand.u32 $0xFFFFFC00, v2;
	v2 =	vld.idx.msk [tilespmem:v3+s2+$0x0], $0xffff  }
0x198: {  	v25 =	vadd.s32 $0x9, v6;
	v3 =	vshll.u32 v24, $0x3;
	v32 =	vadd.s32 v1, v11;
	v11 =	vld.idx.msk [tilespmem:v4+s2+$0x0], $0xffff  }
0x199: {  	v43 =	vadd.s32 v1, v26;
	v26 =	vadd.s32 $0xA, v6;
	v3 =	vand.u32 $0xFFFFFC00, v3;
	v4 =	vld.idx.msk [tilespmem:v5+s2+$0x0], $0xffff  }
0x19a: {  	v5 =	vshll.u32 v25, $0x3;
	v36 =	vadd.s32 v1, v3;
	v3 =	vld.idx.msk [tilespmem:v23+s2+$0x0], $0xffff;
	v23 =	vadd.s32 $0xB, v6  }
0x19b: {  	v61 =	vshll.u32 v26, $0x3;
	v60 =	vand.u32 $0xFFFFFC00, v5;
	v5 =	vld.idx.msk [tilespmem:v7+s2+$0x0], $0xffff;
	v62 =	vshll.u32 v23, $0x3  }
0x19c: {  	v7 =	vld.idx.msk [tilespmem:v29+s2+$0x0], $0xffff;
	v29 =	vand.u32 $0xFFFFFC00, v61;
	v34 =	vadd.s32 v1, v60;
	v63 =	vand.u32 $0xFFFFFC00, v62  }
0x19d: {  	s3 =	simm.s32 $0x40;
	v41 =	vadd.s32 v1, v29;
	v29 =	vld.idx.msk [tilespmem:v28+s2+$0x0], $0xffff;
	v28 =	vadd.s32 $0xE, v6;
	v37 =	vadd.s32 v1, v63  }
.LBB2_8:
0x19e: {  	p0 =	sne.s32 s3, $0x19C0;
	v45 =	vand.u32 $0xFFFFFC00, v45;
	v46 =	vadd.s32 $0xF, v6;
	s4 =	smov.u32 s3;
	s3 =	sadd.s32 $0x40, s3  }
0x19f: {  	v39 =	vld.idx.msk [tilespmem:v39+s2+$0x0], $0xffff;
	v45 =	vadd.s32 v1, v45;
	v47 =	vshll.u32 v46, $0x3  }
0x1a0: {  	v22 =	vld.idx.msk [tilespmem:v22+s2+$0x0], $0xffff;
	v47 =	vand.u32 $0xFFFFFC00, v47  }
0x1a1: {  	v33 =	vld.idx.msk [tilespmem:v33+s2+$0x0], $0xffff;
	v47 =	vadd.s32 v1, v47  }
0x1a2: {  	v17 =	vand.u32 $0x7F, v17;
	v20 =	vld.idx.msk [tilespmem:v20+s2+$0x0], $0xffff  }
0x1a3: {  	v13 =	vand.u32 $0x7F, v13;
	v42 =	vand.u32 $0x7F, v42;
	v48 =	vshll.u32 v28, $0x3;
	v21 =	vld.idx.msk [tilespmem:v21+s2+$0x0], $0xffff  }
0x1a4: {  	v6 =	vand.u32 $0x7F, v6;
	v40 =	vand.u32 $0x7F, v40;
	v42 =	vor.u32 v42, v43  }
0x1a5: {  	v14 =	vor.u32 $0xC, v14;
	v6 =	vor.u32 v6, v8;
	v8 =	vand.u32 $0xFFFFFC00, v48;
	v43 =	vld.idx.msk [tilespmem:v44+s2+$0x0], $0xffff  }
0x1a6: {  	v9 =	vor.u32 v13, v9;
	v6 =	vor.u32 v0, v6;
	v8 =	vadd.s32 v1, v8  }
0x1a7: {  	v12 =	vand.u32 $0x7F, v12;
	v10 =	vor.u32 v17, v10;
	v9 =	vor.u32 v0, v9  }
0x1a8: {  	v12 =	vor.u32 v12, v18;
	v13 =	vand.u32 $0x7F, v19;
	v10 =	vor.u32 v0, v10  }
0x1a9: {  	v17 =	vor.u32 v40, v30;
	v12 =	vor.u32 v0, v12;
	v13 =	vor.u32 v13, v31  }
0x1aa: {  	v15 =	vand.u32 $0x7F, v15;
	v17 =	vor.u32 v0, v17;
	v13 =	vor.u32 v0, v13;
	v14 =	vld.idx.msk [tilespmem:v14+s2+$0x0], $0xffff  }
0x1ab: {  	[tilespmem:v6+s31+$0x0] =	vst.idx.msk $0xffff, v16;
	v6 =	vor.u32 v15, v32;
	v15 =	vand.u32 $0x7F, v24;
	v16 =	vshll.u32 v35, $0x3  }
0x1ac: {  	[tilespmem:v9+s31+$0x0] =	vst.idx.msk $0xffff, v39;
	v6 =	vor.u32 v0, v6;
	v9 =	vor.u32 v15, v36;
	v15 =	vand.u32 $0xFFFFFC00, v16  }
0x1ad: {  	[tilespmem:v10+s31+$0x0] =	vst.idx.msk $0xffff, v22;
	v9 =	vor.u32 v0, v9;
	v10 =	vand.u32 $0x7F, v25;
	v1 =	vadd.s32 v1, v15  }
0x1ae: {  	v15 =	vand.u32 $0x7F, v26;
	[tilespmem:v12+s31+$0x0] =	vst.idx.msk $0xffff, v33;
	v12 =	vor.u32 v0, v42;
	v10 =	vor.u32 v10, v34  }
0x1af: {  	[tilespmem:v17+s31+$0x0] =	vst.idx.msk $0xffff, v11;
	v10 =	vor.u32 v0, v10;
	v11 =	vor.u32 v15, v41;
	v15 =	vand.u32 $0x7F, v23  }
0x1b0: {  	[tilespmem:v13+s31+$0x0] =	vst.idx.msk $0xffff, v43;
	v11 =	vor.u32 v0, v11;
	v13 =	vor.u32 v15, v37;
	v15 =	vand.u32 $0x7F, v38  }
0x1b1: {  	[tilespmem:v6+s31+$0x0] =	vst.idx.msk $0xffff, v27;
	v6 =	vor.u32 v0, v13;
	v13 =	vor.u32 v15, v45;
	v15 =	vand.u32 $0x7F, v35  }
0x1b2: {  	[tilespmem:v9+s31+$0x0] =	vst.idx.msk $0xffff, v29;
	v9 =	vor.u32 v0, v13;
	v1 =	vor.u32 v15, v1;
	v13 =	vand.u32 $0x7F, v28  }
0x1b3: {  	[tilespmem:v12+s31+$0x0] =	vst.idx.msk $0xffff, v4;
	v1 =	vor.u32 v0, v1;
	v4 =	vor.u32 v13, v8;
	v8 =	vand.u32 $0x7F, v46  }
0x1b4: {  	[tilespmem:v10+s31+$0x0] =	vst.idx.msk $0xffff, v20;
	v4 =	vor.u32 v0, v4;
	v8 =	vor.u32 v8, v47  }
0x1b5: {  	[tilespmem:v11+s31+$0x0] =	vst.idx.msk $0xffff, v2;
	v0 =	vor.u32 v0, v8  }
0x1b6: {  	[tilespmem:v6+s31+$0x0] =	vst.idx.msk $0xffff, v21  }
0x1b7: {  	[tilespmem:v9+s31+$0x0] =	vst.idx.msk $0xffff, v14  }
0x1b8: {  	s4 =	sshra.s32 s4, $0x2;
	[tilespmem:v1+s31+$0x0] =	vst.idx.msk $0xffff, v5  }
0x1b9: {  	[tilespmem:v4+s31+$0x0] =	vst.idx.msk $0xffff, v3  }
0x1ba: {  	[tilespmem:v0+s31+$0x0] =	vst.idx.msk $0xffff, v7  }
0x1bb: {  	v0 =	vld [tilespmem:s4+$0x400]  }
0x1bc: {  	v6 =	vld [tilespmem:s4+$0xA80];
	_ =	sdelay $0x2  }
0x1bd: {  	v2 =	vld [tilespmem:s4+$0x1780]  }
0x1be: {  	v1 =	vshll.u32 v0, $0x9  }
0x1bf: {  	v1 =	vand.u32 $0xFFFFF000, v1;
	v3 =	vshll.u32 v6, $0x3;
	v13 =	vadd.s32 $0x1, v6  }
0x1c0: {  	v17 =	vadd.s32 $0x2, v6;
	v3 =	vand.u32 $0xFFFFFC00, v3;
	v4 =	vshll.u32 v13, $0x3  }
0x1c1: {  	v8 =	vadd.s32 v1, v3;
	v3 =	vand.u32 $0xFFFFFC00, v4;
	v4 =	vshll.u32 v17, $0x3  }
0x1c2: {  	v14 =	vshll.u32 v2, $0x4;
	v9 =	vadd.s32 v1, v3;
	v2 =	vand.u32 $0xFFFFFC00, v4  }
0x1c3: {  	v22 =	vor.u32 $0x2, v14;
	v3 =	vor.u32 $0xA, v14;
	v10 =	vadd.s32 v1, v2  }
0x1c4: {  	v0 =	vshll.u32 v0, $0x7;
	v12 =	vadd.s32 $0x3, v6;
	v20 =	vor.u32 $0x9, v14  }
0x1c5: {  	v39 =	vor.u32 $0x1, v14;
	v21 =	vor.u32 $0xB, v14;
	v2 =	vshll.u32 v12, $0x3  }
0x1c6: {  	v33 =	vor.u32 $0x3, v14;
	v4 =	vor.u32 $0x4, v14;
	v2 =	vand.u32 $0xFFFFFC00, v2  }
0x1c7: {  	v0 =	vand.u32 $0x380, v0;
	v5 =	vor.u32 $0x8, v14;
	v18 =	vadd.s32 v1, v2;
	v16 =	vld.idx.msk [tilespmem:v14+s2+$0x0], $0xffff  }
0x1c8: {  	v40 =	vadd.s32 $0x4, v6;
	v19 =	vadd.s32 $0x5, v6;
	v15 =	vadd.s32 $0x6, v6  }
0x1c9: {  	v7 =	vshll.u32 v40, $0x3;
	v27 =	vor.u32 $0x6, v14;
	v28 =	vor.u32 $0x7, v14  }
0x1ca: {  	v24 =	vshll.u32 v19, $0x3;
	v23 =	vor.u32 $0xD, v14;
	v2 =	vld.idx.msk [tilespmem:v3+s2+$0x0], $0xffff;
	v3 =	vor.u32 $0xE, v14  }
0x1cb: {  	v7 =	vand.u32 $0xFFFFFC00, v7;
	v24 =	vand.u32 $0xFFFFFC00, v24;
	v29 =	vor.u32 $0xF, v14;
	v11 =	vld.idx.msk [tilespmem:v4+s2+$0x0], $0xffff  }
0x1cc: {  	v30 =	vadd.s32 v1, v7;
	v31 =	vadd.s32 v1, v24;
	v4 =	vld.idx.msk [tilespmem:v5+s2+$0x0], $0xffff;
	v5 =	vshll.u32 v15, $0x3  }
0x1cd: {  	v42 =	vadd.s32 $0x8, v6;
	v24 =	vadd.s32 $0x7, v6;
	v5 =	vand.u32 $0xFFFFFC00, v5  }
0x1ce: {  	v7 =	vshll.u32 v42, $0x3;
	v32 =	vadd.s32 v1, v5;
	v5 =	vshll.u32 v24, $0x3  }
0x1cf: {  	v25 =	vadd.s32 $0x9, v6;
	v7 =	vand.u32 $0xFFFFFC00, v7;
	v5 =	vand.u32 $0xFFFFFC00, v5  }
0x1d0: {  	v43 =	vadd.s32 v1, v7;
	v7 =	vshll.u32 v25, $0x3;
	v3 =	vld.idx.msk [tilespmem:v3+s2+$0x0], $0xffff;
	v36 =	vadd.s32 v1, v5  }
.Ltmp3:
0x1d1: {  	v26 =	vadd.s32 $0xA, v6;
	v7 =	vand.u32 $0xFFFFFC00, v7;
	v5 =	vld.idx.msk [tilespmem:v23+s2+$0x0], $0xffff;
	v23 =	vadd.s32 $0xB, v6;
	(pc) =	sbr.rel @p0 .LBB2_8-.Ltmp3, $4  }
0x1d2: {  	v35 =	vshll.u32 v26, $0x3;
	v34 =	vadd.s32 v1, v7;
	v37 =	vshll.u32 v23, $0x3  }
0x1d3: {  	v44 =	vor.u32 $0x5, v14;
	v7 =	vld.idx.msk [tilespmem:v29+s2+$0x0], $0xffff;
	v29 =	vand.u32 $0xFFFFFC00, v35;
	v35 =	vand.u32 $0xFFFFFC00, v37  }
0x1d4: {  	v38 =	vadd.s32 $0xC, v6;
	v27 =	vld.idx.msk [tilespmem:v27+s2+$0x0], $0xffff;
	v41 =	vadd.s32 v1, v29;
	v37 =	vadd.s32 v1, v35  }
0x1d5: {  	v45 =	vshll.u32 v38, $0x3;
	v35 =	vadd.s32 $0xD, v6;
	v29 =	vld.idx.msk [tilespmem:v28+s2+$0x0], $0xffff;
	v28 =	vadd.s32 $0xE, v6  }
0x1d6: {  	v46 =	vadd.s32 $0xF, v6  }
0x1d7: {  	v45 =	vand.u32 $0xFFFFFC00, v45;
	v17 =	vand.u32 $0x7F, v17;
	v13 =	vand.u32 $0x7F, v13  }
0x1d8: {  	v42 =	vand.u32 $0x7F, v42;
	v48 =	vshll.u32 v28, $0x3;
	v6 =	vand.u32 $0x7F, v6  }
0x1d9: {  	v40 =	vand.u32 $0x7F, v40;
	v14 =	vor.u32 $0xC, v14;
	v12 =	vand.u32 $0x7F, v12  }
0x1da: {  	v15 =	vand.u32 $0x7F, v15;
	v47 =	vshll.u32 v46, $0x3;
	v45 =	vadd.s32 v1, v45  }
0x1db: {  	v39 =	vld.idx.msk [tilespmem:v39+s2+$0x0], $0xffff;
	v42 =	vor.u32 v42, v43;
	v6 =	vor.u32 v6, v8;
	v8 =	vand.u32 $0xFFFFFC00, v48  }
0x1dc: {  	v22 =	vld.idx.msk [tilespmem:v22+s2+$0x0], $0xffff;
	v9 =	vor.u32 v13, v9;
	v10 =	vor.u32 v17, v10;
	v6 =	vor.u32 v0, v6  }
0x1dd: {  	v33 =	vld.idx.msk [tilespmem:v33+s2+$0x0], $0xffff;
	v12 =	vor.u32 v12, v18;
	v18 =	vand.u32 $0x7F, v19;
	v9 =	vor.u32 v0, v9  }
0x1de: {  	v13 =	vld.idx.msk [tilespmem:v20+s2+$0x0], $0xffff;
	v20 =	vor.u32 v40, v30;
	v47 =	vand.u32 $0xFFFFFC00, v47;
	v10 =	vor.u32 v0, v10  }
0x1df: {  	v17 =	vld.idx.msk [tilespmem:v21+s2+$0x0], $0xffff;
	v8 =	vadd.s32 v1, v8;
	v12 =	vor.u32 v0, v12;
	v18 =	vor.u32 v18, v31  }
0x1e0: {  	v19 =	vld.idx.msk [tilespmem:v44+s2+$0x0], $0xffff;
	v20 =	vor.u32 v0, v20;
	v47 =	vadd.s32 v1, v47;
	v18 =	vor.u32 v0, v18  }
0x1e1: {  	v14 =	vld.idx.msk [tilespmem:v14+s2+$0x0], $0xffff;
	[tilespmem:v6+s31+$0x0] =	vst.idx.msk $0xffff, v16;
	v6 =	vor.u32 v15, v32;
	v15 =	vand.u32 $0x7F, v24;
	v16 =	vshll.u32 v35, $0x3  }
0x1e2: {  	[tilespmem:v9+s31+$0x0] =	vst.idx.msk $0xffff, v39;
	v6 =	vor.u32 v0, v6;
	v9 =	vor.u32 v15, v36;
	v15 =	vand.u32 $0xFFFFFC00, v16  }
0x1e3: {  	[tilespmem:v10+s31+$0x0] =	vst.idx.msk $0xffff, v22;
	v9 =	vor.u32 v0, v9;
	v10 =	vand.u32 $0x7F, v25;
	v1 =	vadd.s32 v1, v15  }
0x1e4: {  	v15 =	vand.u32 $0x7F, v26;
	[tilespmem:v12+s31+$0x0] =	vst.idx.msk $0xffff, v33;
	v12 =	vor.u32 v0, v42;
	v10 =	vor.u32 v10, v34  }
0x1e5: {  	[tilespmem:v20+s31+$0x0] =	vst.idx.msk $0xffff, v11;
	v10 =	vor.u32 v0, v10;
	v11 =	vor.u32 v15, v41;
	v15 =	vand.u32 $0x7F, v23  }
0x1e6: {  	v16 =	vand.u32 $0x7F, v38;
	[tilespmem:v18+s31+$0x0] =	vst.idx.msk $0xffff, v19;
	v11 =	vor.u32 v0, v11;
	v15 =	vor.u32 v15, v37  }
0x1e7: {  	[tilespmem:v6+s31+$0x0] =	vst.idx.msk $0xffff, v27;
	v6 =	vor.u32 v0, v15;
	v15 =	vor.u32 v16, v45;
	v16 =	vand.u32 $0x7F, v35  }
0x1e8: {  	[tilespmem:v9+s31+$0x0] =	vst.idx.msk $0xffff, v29;
	v9 =	vor.u32 v0, v15;
	v1 =	vor.u32 v16, v1;
	v15 =	vand.u32 $0x7F, v28  }
0x1e9: {  	[tilespmem:v12+s31+$0x0] =	vst.idx.msk $0xffff, v4;
	v1 =	vor.u32 v0, v1;
	v4 =	vor.u32 v15, v8;
	v8 =	vand.u32 $0x7F, v46  }
0x1ea: {  	[tilespmem:v10+s31+$0x0] =	vst.idx.msk $0xffff, v13;
	v4 =	vor.u32 v0, v4;
	v8 =	vor.u32 v8, v47  }
0x1eb: {  	[tilespmem:v11+s31+$0x0] =	vst.idx.msk $0xffff, v2;
	v0 =	vor.u32 v0, v8  }
0x1ec: {  	[tilespmem:v6+s31+$0x0] =	vst.idx.msk $0xffff, v17  }
0x1ed: {  	[tilespmem:v9+s31+$0x0] =	vst.idx.msk $0xffff, v14  }
0x1ee: {  	[tilespmem:v1+s31+$0x0] =	vst.idx.msk $0xffff, v5  }
0x1ef: {  	[tilespmem:v4+s31+$0x0] =	vst.idx.msk $0xffff, v3  }
0x1f0: {  	s3 =	simm.s32 $0x0;
	[tilespmem:v0+s31+$0x0] =	vst.idx.msk $0xffff, v7  }
0x1f1: {  	[hbm4b:s14+s3] =	stream.linear.scatter [tilespmem:s31], [sflag:$0x4], $0x8000, $0x38;
	[tilespmem:$0x11E00] =	vst v63  }
0x1f2: {  	_ =	swait.ge [sflag:s1], $0x680  }
0x1f3: {  	[sflag:s1] =	ssyncset.done $0x0  }
0x1f4: {  	[sflag:s1] =	ssyncadd.s32 $0xFFFFF980  }
0x1f5: {  	[tilespmem:s28], [sflag:$0x2] =	stream.linear.gather [hbm4b:s15+s3], $0x680, $0x38;
	[tilespmem:$0x11E00] =	vst v63  }
0x1f6: {  	_ =	swait.ge [sflag:s0], $0x8000  }
0x1f7: {  	[sflag:s0] =	ssyncset.done $0x0  }
0x1f8: {  	s4 =	simm.s32 $0x0;
	[sflag:s0] =	ssyncadd.s32 $0xFFFF8000  }
0x1f9: {  	v0 =	vld [tilespmem:s4+$0x400]  }
0x1fa: {  	v6 =	vld [tilespmem:s4+$0xA80]  }
0x1fb: {  	v2 =	vld [tilespmem:s4+$0x1100];
	_ =	sdelay $0x2  }
0x1fc: {  	v1 =	vshll.u32 v0, $0x9  }
0x1fd: {  	v3 =	vshll.u32 v6, $0x3;
	v13 =	vadd.s32 $0x1, v6;
	v17 =	vadd.s32 $0x2, v6  }
0x1fe: {  	v14 =	vshll.u32 v2, $0x4;
	v0 =	vshll.u32 v0, $0x7;
	v12 =	vadd.s32 $0x3, v6  }
0x1ff: {  	v40 =	vadd.s32 $0x4, v6;
	v19 =	vadd.s32 $0x5, v6;
	v15 =	vadd.s32 $0x6, v6  }
0x200: {  	v24 =	vadd.s32 $0x7, v6;
	v42 =	vadd.s32 $0x8, v6;
	v38 =	vadd.s32 $0xC, v6  }
0x201: {  	v35 =	vadd.s32 $0xD, v6;
	v1 =	vand.u32 $0xFFFFF000, v1;
	v3 =	vand.u32 $0xFFFFFC00, v3  }
0x202: {  	v4 =	vshll.u32 v13, $0x3;
	v22 =	vor.u32 $0x2, v14;
	v20 =	vor.u32 $0x9, v14  }
0x203: {  	v39 =	vor.u32 $0x1, v14;
	v21 =	vor.u32 $0xB, v14;
	v33 =	vor.u32 $0x3, v14  }
0x204: {  	v5 =	vor.u32 $0x8, v14;
	v0 =	vand.u32 $0x380, v0;
	v27 =	vor.u32 $0x6, v14  }
0x205: {  	v28 =	vor.u32 $0x7, v14;
	v7 =	vor.u32 $0xD, v14;
	v23 =	vor.u32 $0xE, v14  }
0x206: {  	v8 =	vadd.s32 v1, v3;
	v3 =	vand.u32 $0xFFFFFC00, v4;
	v4 =	vshll.u32 v17, $0x3  }
0x207: {  	v11 =	vshll.u32 v19, $0x3;
	v9 =	vadd.s32 v1, v3;
	v2 =	vand.u32 $0xFFFFFC00, v4  }
0x208: {  	v3 =	vor.u32 $0xA, v14;
	v10 =	vadd.s32 v1, v2;
	v2 =	vshll.u32 v12, $0x3  }
0x209: {  	v29 =	vor.u32 $0xF, v14;
	v4 =	vor.u32 $0x4, v14;
	v2 =	vand.u32 $0xFFFFFC00, v2  }
0x20a: {  	v25 =	vshll.u32 v42, $0x3;
	v18 =	vadd.s32 v1, v2;
	v2 =	vshll.u32 v40, $0x3  }
0x20b: {  	v44 =	vor.u32 $0x5, v14;
	v45 =	vshll.u32 v38, $0x3;
	v16 =	vld.idx.msk [tilespmem:v14+s2+$0x0], $0xffff;
	v2 =	vand.u32 $0xFFFFFC00, v2  }
0x20c: {  	v11 =	vand.u32 $0xFFFFFC00, v11;
	v27 =	vld.idx.msk [tilespmem:v27+s2+$0x0], $0xffff;
	v30 =	vadd.s32 v1, v2;
	v2 =	vshll.u32 v15, $0x3  }
0x20d: {  	v26 =	vand.u32 $0xFFFFFC00, v25;
	v31 =	vadd.s32 v1, v11;
	v11 =	vand.u32 $0xFFFFFC00, v2;
	v2 =	vld.idx.msk [tilespmem:v3+s2+$0x0], $0xffff  }
0x20e: {  	v25 =	vadd.s32 $0x9, v6;
	v3 =	vshll.u32 v24, $0x3;
	v32 =	vadd.s32 v1, v11;
	v11 =	vld.idx.msk [tilespmem:v4+s2+$0x0], $0xffff  }
0x20f: {  	v43 =	vadd.s32 v1, v26;
	v26 =	vadd.s32 $0xA, v6;
	v3 =	vand.u32 $0xFFFFFC00, v3;
	v4 =	vld.idx.msk [tilespmem:v5+s2+$0x0], $0xffff  }
0x210: {  	v5 =	vshll.u32 v25, $0x3;
	v36 =	vadd.s32 v1, v3;
	v3 =	vld.idx.msk [tilespmem:v23+s2+$0x0], $0xffff;
	v23 =	vadd.s32 $0xB, v6  }
0x211: {  	v61 =	vshll.u32 v26, $0x3;
	v60 =	vand.u32 $0xFFFFFC00, v5;
	v5 =	vld.idx.msk [tilespmem:v7+s2+$0x0], $0xffff;
	v62 =	vshll.u32 v23, $0x3  }
0x212: {  	v7 =	vld.idx.msk [tilespmem:v29+s2+$0x0], $0xffff;
	v29 =	vand.u32 $0xFFFFFC00, v61;
	v34 =	vadd.s32 v1, v60;
	v63 =	vand.u32 $0xFFFFFC00, v62  }
0x213: {  	s3 =	simm.s32 $0x40;
	v41 =	vadd.s32 v1, v29;
	v29 =	vld.idx.msk [tilespmem:v28+s2+$0x0], $0xffff;
	v28 =	vadd.s32 $0xE, v6;
	v37 =	vadd.s32 v1, v63  }
.LBB2_10:
0x214: {  	p0 =	sne.s32 s3, $0x19C0;
	v45 =	vand.u32 $0xFFFFFC00, v45;
	v46 =	vadd.s32 $0xF, v6;
	s4 =	smov.u32 s3;
	s3 =	sadd.s32 $0x40, s3  }
0x215: {  	v39 =	vld.idx.msk [tilespmem:v39+s2+$0x0], $0xffff;
	v45 =	vadd.s32 v1, v45;
	v47 =	vshll.u32 v46, $0x3  }
0x216: {  	v22 =	vld.idx.msk [tilespmem:v22+s2+$0x0], $0xffff;
	v47 =	vand.u32 $0xFFFFFC00, v47  }
0x217: {  	v33 =	vld.idx.msk [tilespmem:v33+s2+$0x0], $0xffff;
	v47 =	vadd.s32 v1, v47  }
0x218: {  	v17 =	vand.u32 $0x7F, v17;
	v20 =	vld.idx.msk [tilespmem:v20+s2+$0x0], $0xffff  }
0x219: {  	v13 =	vand.u32 $0x7F, v13;
	v42 =	vand.u32 $0x7F, v42;
	v48 =	vshll.u32 v28, $0x3;
	v21 =	vld.idx.msk [tilespmem:v21+s2+$0x0], $0xffff  }
0x21a: {  	v6 =	vand.u32 $0x7F, v6;
	v40 =	vand.u32 $0x7F, v40;
	v42 =	vor.u32 v42, v43  }
0x21b: {  	v14 =	vor.u32 $0xC, v14;
	v6 =	vor.u32 v6, v8;
	v8 =	vand.u32 $0xFFFFFC00, v48;
	v43 =	vld.idx.msk [tilespmem:v44+s2+$0x0], $0xffff  }
0x21c: {  	v9 =	vor.u32 v13, v9;
	v6 =	vor.u32 v0, v6;
	v8 =	vadd.s32 v1, v8  }
0x21d: {  	v12 =	vand.u32 $0x7F, v12;
	v10 =	vor.u32 v17, v10;
	v9 =	vor.u32 v0, v9  }
0x21e: {  	v12 =	vor.u32 v12, v18;
	v13 =	vand.u32 $0x7F, v19;
	v10 =	vor.u32 v0, v10  }
0x21f: {  	v17 =	vor.u32 v40, v30;
	v12 =	vor.u32 v0, v12;
	v13 =	vor.u32 v13, v31  }
0x220: {  	v15 =	vand.u32 $0x7F, v15;
	v17 =	vor.u32 v0, v17;
	v13 =	vor.u32 v0, v13;
	v14 =	vld.idx.msk [tilespmem:v14+s2+$0x0], $0xffff  }
0x221: {  	[tilespmem:v6+s29+$0x0] =	vst.idx.msk $0xffff, v16;
	v6 =	vor.u32 v15, v32;
	v15 =	vand.u32 $0x7F, v24;
	v16 =	vshll.u32 v35, $0x3  }
0x222: {  	[tilespmem:v9+s29+$0x0] =	vst.idx.msk $0xffff, v39;
	v6 =	vor.u32 v0, v6;
	v9 =	vor.u32 v15, v36;
	v15 =	vand.u32 $0xFFFFFC00, v16  }
0x223: {  	[tilespmem:v10+s29+$0x0] =	vst.idx.msk $0xffff, v22;
	v9 =	vor.u32 v0, v9;
	v10 =	vand.u32 $0x7F, v25;
	v1 =	vadd.s32 v1, v15  }
0x224: {  	v15 =	vand.u32 $0x7F, v26;
	[tilespmem:v12+s29+$0x0] =	vst.idx.msk $0xffff, v33;
	v12 =	vor.u32 v0, v42;
	v10 =	vor.u32 v10, v34  }
0x225: {  	[tilespmem:v17+s29+$0x0] =	vst.idx.msk $0xffff, v11;
	v10 =	vor.u32 v0, v10;
	v11 =	vor.u32 v15, v41;
	v15 =	vand.u32 $0x7F, v23  }
0x226: {  	[tilespmem:v13+s29+$0x0] =	vst.idx.msk $0xffff, v43;
	v11 =	vor.u32 v0, v11;
	v13 =	vor.u32 v15, v37;
	v15 =	vand.u32 $0x7F, v38  }
0x227: {  	[tilespmem:v6+s29+$0x0] =	vst.idx.msk $0xffff, v27;
	v6 =	vor.u32 v0, v13;
	v13 =	vor.u32 v15, v45;
	v15 =	vand.u32 $0x7F, v35  }
0x228: {  	[tilespmem:v9+s29+$0x0] =	vst.idx.msk $0xffff, v29;
	v9 =	vor.u32 v0, v13;
	v1 =	vor.u32 v15, v1;
	v13 =	vand.u32 $0x7F, v28  }
0x229: {  	[tilespmem:v12+s29+$0x0] =	vst.idx.msk $0xffff, v4;
	v1 =	vor.u32 v0, v1;
	v4 =	vor.u32 v13, v8;
	v8 =	vand.u32 $0x7F, v46  }
0x22a: {  	[tilespmem:v10+s29+$0x0] =	vst.idx.msk $0xffff, v20;
	v4 =	vor.u32 v0, v4;
	v8 =	vor.u32 v8, v47  }
0x22b: {  	[tilespmem:v11+s29+$0x0] =	vst.idx.msk $0xffff, v2;
	v0 =	vor.u32 v0, v8  }
0x22c: {  	[tilespmem:v6+s29+$0x0] =	vst.idx.msk $0xffff, v21  }
0x22d: {  	[tilespmem:v9+s29+$0x0] =	vst.idx.msk $0xffff, v14  }
0x22e: {  	s4 =	sshra.s32 s4, $0x2;
	[tilespmem:v1+s29+$0x0] =	vst.idx.msk $0xffff, v5  }
0x22f: {  	[tilespmem:v4+s29+$0x0] =	vst.idx.msk $0xffff, v3  }
0x230: {  	[tilespmem:v0+s29+$0x0] =	vst.idx.msk $0xffff, v7  }
0x231: {  	v0 =	vld [tilespmem:s4+$0x400]  }
0x232: {  	v6 =	vld [tilespmem:s4+$0xA80];
	_ =	sdelay $0x2  }
0x233: {  	v2 =	vld [tilespmem:s4+$0x1100]  }
0x234: {  	v1 =	vshll.u32 v0, $0x9  }
0x235: {  	v1 =	vand.u32 $0xFFFFF000, v1;
	v3 =	vshll.u32 v6, $0x3;
	v13 =	vadd.s32 $0x1, v6  }
0x236: {  	v17 =	vadd.s32 $0x2, v6;
	v3 =	vand.u32 $0xFFFFFC00, v3;
	v4 =	vshll.u32 v13, $0x3  }
0x237: {  	v8 =	vadd.s32 v1, v3;
	v3 =	vand.u32 $0xFFFFFC00, v4;
	v4 =	vshll.u32 v17, $0x3  }
0x238: {  	v14 =	vshll.u32 v2, $0x4;
	v9 =	vadd.s32 v1, v3;
	v2 =	vand.u32 $0xFFFFFC00, v4  }
0x239: {  	v22 =	vor.u32 $0x2, v14;
	v3 =	vor.u32 $0xA, v14;
	v10 =	vadd.s32 v1, v2  }
0x23a: {  	v0 =	vshll.u32 v0, $0x7;
	v12 =	vadd.s32 $0x3, v6;
	v20 =	vor.u32 $0x9, v14  }
0x23b: {  	v39 =	vor.u32 $0x1, v14;
	v21 =	vor.u32 $0xB, v14;
	v2 =	vshll.u32 v12, $0x3  }
0x23c: {  	v33 =	vor.u32 $0x3, v14;
	v4 =	vor.u32 $0x4, v14;
	v2 =	vand.u32 $0xFFFFFC00, v2  }
0x23d: {  	v0 =	vand.u32 $0x380, v0;
	v5 =	vor.u32 $0x8, v14;
	v18 =	vadd.s32 v1, v2;
	v16 =	vld.idx.msk [tilespmem:v14+s2+$0x0], $0xffff  }
0x23e: {  	v40 =	vadd.s32 $0x4, v6;
	v19 =	vadd.s32 $0x5, v6;
	v15 =	vadd.s32 $0x6, v6  }
0x23f: {  	v7 =	vshll.u32 v40, $0x3;
	v27 =	vor.u32 $0x6, v14;
	v28 =	vor.u32 $0x7, v14  }
0x240: {  	v24 =	vshll.u32 v19, $0x3;
	v23 =	vor.u32 $0xD, v14;
	v2 =	vld.idx.msk [tilespmem:v3+s2+$0x0], $0xffff;
	v3 =	vor.u32 $0xE, v14  }
0x241: {  	v7 =	vand.u32 $0xFFFFFC00, v7;
	v24 =	vand.u32 $0xFFFFFC00, v24;
	v29 =	vor.u32 $0xF, v14;
	v11 =	vld.idx.msk [tilespmem:v4+s2+$0x0], $0xffff  }
0x242: {  	v30 =	vadd.s32 v1, v7;
	v31 =	vadd.s32 v1, v24;
	v4 =	vld.idx.msk [tilespmem:v5+s2+$0x0], $0xffff;
	v5 =	vshll.u32 v15, $0x3  }
0x243: {  	v42 =	vadd.s32 $0x8, v6;
	v24 =	vadd.s32 $0x7, v6;
	v5 =	vand.u32 $0xFFFFFC00, v5  }
0x244: {  	v7 =	vshll.u32 v42, $0x3;
	v32 =	vadd.s32 v1, v5;
	v5 =	vshll.u32 v24, $0x3  }
0x245: {  	v25 =	vadd.s32 $0x9, v6;
	v7 =	vand.u32 $0xFFFFFC00, v7;
	v5 =	vand.u32 $0xFFFFFC00, v5  }
0x246: {  	v43 =	vadd.s32 v1, v7;
	v7 =	vshll.u32 v25, $0x3;
	v3 =	vld.idx.msk [tilespmem:v3+s2+$0x0], $0xffff;
	v36 =	vadd.s32 v1, v5  }
.Ltmp4:
0x247: {  	v26 =	vadd.s32 $0xA, v6;
	v7 =	vand.u32 $0xFFFFFC00, v7;
	v5 =	vld.idx.msk [tilespmem:v23+s2+$0x0], $0xffff;
	v23 =	vadd.s32 $0xB, v6;
	(pc) =	sbr.rel @p0 .LBB2_10-.Ltmp4, $4  }
0x248: {  	v35 =	vshll.u32 v26, $0x3;
	v34 =	vadd.s32 v1, v7;
	v37 =	vshll.u32 v23, $0x3  }
0x249: {  	v44 =	vor.u32 $0x5, v14;
	v7 =	vld.idx.msk [tilespmem:v29+s2+$0x0], $0xffff;
	v29 =	vand.u32 $0xFFFFFC00, v35;
	v35 =	vand.u32 $0xFFFFFC00, v37  }
0x24a: {  	v38 =	vadd.s32 $0xC, v6;
	v27 =	vld.idx.msk [tilespmem:v27+s2+$0x0], $0xffff;
	v41 =	vadd.s32 v1, v29;
	v37 =	vadd.s32 v1, v35  }
0x24b: {  	v45 =	vshll.u32 v38, $0x3;
	v35 =	vadd.s32 $0xD, v6;
	v29 =	vld.idx.msk [tilespmem:v28+s2+$0x0], $0xffff;
	v28 =	vadd.s32 $0xE, v6  }
0x24c: {  	v46 =	vadd.s32 $0xF, v6  }
0x24d: {  	v45 =	vand.u32 $0xFFFFFC00, v45;
	v17 =	vand.u32 $0x7F, v17;
	v13 =	vand.u32 $0x7F, v13  }
0x24e: {  	v42 =	vand.u32 $0x7F, v42;
	v48 =	vshll.u32 v28, $0x3;
	v6 =	vand.u32 $0x7F, v6  }
0x24f: {  	v40 =	vand.u32 $0x7F, v40;
	v14 =	vor.u32 $0xC, v14;
	v12 =	vand.u32 $0x7F, v12  }
0x250: {  	v15 =	vand.u32 $0x7F, v15;
	v47 =	vshll.u32 v46, $0x3;
	v45 =	vadd.s32 v1, v45  }
0x251: {  	v39 =	vld.idx.msk [tilespmem:v39+s2+$0x0], $0xffff;
	v42 =	vor.u32 v42, v43;
	v6 =	vor.u32 v6, v8;
	v8 =	vand.u32 $0xFFFFFC00, v48  }
0x252: {  	v22 =	vld.idx.msk [tilespmem:v22+s2+$0x0], $0xffff;
	v9 =	vor.u32 v13, v9;
	v10 =	vor.u32 v17, v10;
	v6 =	vor.u32 v0, v6  }
0x253: {  	v33 =	vld.idx.msk [tilespmem:v33+s2+$0x0], $0xffff;
	v12 =	vor.u32 v12, v18;
	v18 =	vand.u32 $0x7F, v19;
	v9 =	vor.u32 v0, v9  }
0x254: {  	v13 =	vld.idx.msk [tilespmem:v20+s2+$0x0], $0xffff;
	v20 =	vor.u32 v40, v30;
	v47 =	vand.u32 $0xFFFFFC00, v47;
	v10 =	vor.u32 v0, v10  }
0x255: {  	v17 =	vld.idx.msk [tilespmem:v21+s2+$0x0], $0xffff;
	v8 =	vadd.s32 v1, v8;
	v12 =	vor.u32 v0, v12;
	v18 =	vor.u32 v18, v31  }
0x256: {  	v19 =	vld.idx.msk [tilespmem:v44+s2+$0x0], $0xffff;
	v20 =	vor.u32 v0, v20;
	v47 =	vadd.s32 v1, v47;
	v18 =	vor.u32 v0, v18  }
0x257: {  	v14 =	vld.idx.msk [tilespmem:v14+s2+$0x0], $0xffff;
	[tilespmem:v6+s29+$0x0] =	vst.idx.msk $0xffff, v16;
	v6 =	vor.u32 v15, v32;
	v15 =	vand.u32 $0x7F, v24;
	v16 =	vshll.u32 v35, $0x3  }
0x258: {  	[tilespmem:v9+s29+$0x0] =	vst.idx.msk $0xffff, v39;
	v6 =	vor.u32 v0, v6;
	v9 =	vor.u32 v15, v36;
	v15 =	vand.u32 $0xFFFFFC00, v16  }
0x259: {  	[tilespmem:v10+s29+$0x0] =	vst.idx.msk $0xffff, v22;
	v9 =	vor.u32 v0, v9;
	v10 =	vand.u32 $0x7F, v25;
	v1 =	vadd.s32 v1, v15  }
0x25a: {  	v15 =	vand.u32 $0x7F, v26;
	[tilespmem:v12+s29+$0x0] =	vst.idx.msk $0xffff, v33;
	v12 =	vor.u32 v0, v42;
	v10 =	vor.u32 v10, v34  }
0x25b: {  	[tilespmem:v20+s29+$0x0] =	vst.idx.msk $0xffff, v11;
	v10 =	vor.u32 v0, v10;
	v11 =	vor.u32 v15, v41;
	v15 =	vand.u32 $0x7F, v23  }
0x25c: {  	v16 =	vand.u32 $0x7F, v38;
	[tilespmem:v18+s29+$0x0] =	vst.idx.msk $0xffff, v19;
	v11 =	vor.u32 v0, v11;
	v15 =	vor.u32 v15, v37  }
0x25d: {  	[tilespmem:v6+s29+$0x0] =	vst.idx.msk $0xffff, v27;
	v6 =	vor.u32 v0, v15;
	v15 =	vor.u32 v16, v45;
	v16 =	vand.u32 $0x7F, v35  }
0x25e: {  	[tilespmem:v9+s29+$0x0] =	vst.idx.msk $0xffff, v29;
	v9 =	vor.u32 v0, v15;
	v1 =	vor.u32 v16, v1;
	v15 =	vand.u32 $0x7F, v28  }
0x25f: {  	[tilespmem:v12+s29+$0x0] =	vst.idx.msk $0xffff, v4;
	v1 =	vor.u32 v0, v1;
	v4 =	vor.u32 v15, v8;
	v8 =	vand.u32 $0x7F, v46  }
0x260: {  	[tilespmem:v10+s29+$0x0] =	vst.idx.msk $0xffff, v13;
	v4 =	vor.u32 v0, v4;
	v8 =	vor.u32 v8, v47  }
0x261: {  	[tilespmem:v11+s29+$0x0] =	vst.idx.msk $0xffff, v2;
	v0 =	vor.u32 v0, v8  }
0x262: {  	[tilespmem:v6+s29+$0x0] =	vst.idx.msk $0xffff, v17  }
0x263: {  	[tilespmem:v9+s29+$0x0] =	vst.idx.msk $0xffff, v14  }
0x264: {  	[tilespmem:v1+s29+$0x0] =	vst.idx.msk $0xffff, v5  }
0x265: {  	[tilespmem:v4+s29+$0x0] =	vst.idx.msk $0xffff, v3  }
0x266: {  	s3 =	simm.s32 $0x0;
	[tilespmem:v0+s29+$0x0] =	vst.idx.msk $0xffff, v7  }
0x267: {  	[hbm4b:s16+s3] =	stream.linear.scatter [tilespmem:s29], [sflag:$0x3], $0x8000, $0x38;
	[tilespmem:$0x11E00] =	vst v63  }
0x268: {  	_ =	swait.ge [sflag:s30], $0x680  }
0x269: {  	[sflag:s30] =	ssyncset.done $0x0  }
0x26a: {  	[sflag:s30] =	ssyncadd.s32 $0xFFFFF980  }
0x26b: {  	[tilespmem:s26], [sflag:$0x1] =	stream.linear.gather [hbm4b:s17+s3], $0x680, $0x38;
	[tilespmem:$0x11E00] =	vst v63  }
0x26c: {  	_ =	swait.ge [sflag:s24], $0x8000  }
0x26d: {  	[sflag:s24] =	ssyncset.done $0x0  }
0x26e: {  	s4 =	simm.s32 $0x0;
	[sflag:s24] =	ssyncadd.s32 $0xFFFF8000  }
0x26f: {  	v0 =	vld [tilespmem:s4+$0x400]  }
0x270: {  	v6 =	vld [tilespmem:s4+$0xA80]  }
0x271: {  	v2 =	vld [tilespmem:s4+$0x1780];
	_ =	sdelay $0x2  }
0x272: {  	v1 =	vshll.u32 v0, $0x9  }
0x273: {  	v3 =	vshll.u32 v6, $0x3;
	v13 =	vadd.s32 $0x1, v6;
	v17 =	vadd.s32 $0x2, v6  }
0x274: {  	v14 =	vshll.u32 v2, $0x4;
	v0 =	vshll.u32 v0, $0x7;
	v12 =	vadd.s32 $0x3, v6  }
0x275: {  	v40 =	vadd.s32 $0x4, v6;
	v19 =	vadd.s32 $0x5, v6;
	v15 =	vadd.s32 $0x6, v6  }
0x276: {  	v24 =	vadd.s32 $0x7, v6;
	v42 =	vadd.s32 $0x8, v6;
	v38 =	vadd.s32 $0xC, v6  }
0x277: {  	v35 =	vadd.s32 $0xD, v6;
	v1 =	vand.u32 $0xFFFFF000, v1;
	v3 =	vand.u32 $0xFFFFFC00, v3  }
0x278: {  	v4 =	vshll.u32 v13, $0x3;
	v22 =	vor.u32 $0x2, v14;
	v20 =	vor.u32 $0x9, v14  }
0x279: {  	v39 =	vor.u32 $0x1, v14;
	v21 =	vor.u32 $0xB, v14;
	v33 =	vor.u32 $0x3, v14  }
0x27a: {  	v5 =	vor.u32 $0x8, v14;
	v0 =	vand.u32 $0x380, v0;
	v27 =	vor.u32 $0x6, v14  }
0x27b: {  	v28 =	vor.u32 $0x7, v14;
	v7 =	vor.u32 $0xD, v14;
	v23 =	vor.u32 $0xE, v14  }
0x27c: {  	v8 =	vadd.s32 v1, v3;
	v3 =	vand.u32 $0xFFFFFC00, v4;
	v4 =	vshll.u32 v17, $0x3  }
0x27d: {  	v11 =	vshll.u32 v19, $0x3;
	v9 =	vadd.s32 v1, v3;
	v2 =	vand.u32 $0xFFFFFC00, v4  }
0x27e: {  	v3 =	vor.u32 $0xA, v14;
	v10 =	vadd.s32 v1, v2;
	v2 =	vshll.u32 v12, $0x3  }
0x27f: {  	v29 =	vor.u32 $0xF, v14;
	v4 =	vor.u32 $0x4, v14;
	v2 =	vand.u32 $0xFFFFFC00, v2  }
0x280: {  	v25 =	vshll.u32 v42, $0x3;
	v18 =	vadd.s32 v1, v2;
	v2 =	vshll.u32 v40, $0x3  }
0x281: {  	v44 =	vor.u32 $0x5, v14;
	v45 =	vshll.u32 v38, $0x3;
	v16 =	vld.idx.msk [tilespmem:v14+s2+$0x0], $0xffff;
	v2 =	vand.u32 $0xFFFFFC00, v2  }
0x282: {  	v11 =	vand.u32 $0xFFFFFC00, v11;
	v27 =	vld.idx.msk [tilespmem:v27+s2+$0x0], $0xffff;
	v30 =	vadd.s32 v1, v2;
	v2 =	vshll.u32 v15, $0x3  }
0x283: {  	v26 =	vand.u32 $0xFFFFFC00, v25;
	v31 =	vadd.s32 v1, v11;
	v11 =	vand.u32 $0xFFFFFC00, v2;
	v2 =	vld.idx.msk [tilespmem:v3+s2+$0x0], $0xffff  }
0x284: {  	v25 =	vadd.s32 $0x9, v6;
	v3 =	vshll.u32 v24, $0x3;
	v32 =	vadd.s32 v1, v11;
	v11 =	vld.idx.msk [tilespmem:v4+s2+$0x0], $0xffff  }
0x285: {  	v43 =	vadd.s32 v1, v26;
	v26 =	vadd.s32 $0xA, v6;
	v3 =	vand.u32 $0xFFFFFC00, v3;
	v4 =	vld.idx.msk [tilespmem:v5+s2+$0x0], $0xffff  }
0x286: {  	v5 =	vshll.u32 v25, $0x3;
	v36 =	vadd.s32 v1, v3;
	v3 =	vld.idx.msk [tilespmem:v23+s2+$0x0], $0xffff;
	v23 =	vadd.s32 $0xB, v6  }
0x287: {  	v61 =	vshll.u32 v26, $0x3;
	v60 =	vand.u32 $0xFFFFFC00, v5;
	v5 =	vld.idx.msk [tilespmem:v7+s2+$0x0], $0xffff;
	v62 =	vshll.u32 v23, $0x3  }
0x288: {  	v7 =	vld.idx.msk [tilespmem:v29+s2+$0x0], $0xffff;
	v29 =	vand.u32 $0xFFFFFC00, v61;
	v34 =	vadd.s32 v1, v60;
	v63 =	vand.u32 $0xFFFFFC00, v62  }
0x289: {  	s3 =	simm.s32 $0x40;
	v41 =	vadd.s32 v1, v29;
	v29 =	vld.idx.msk [tilespmem:v28+s2+$0x0], $0xffff;
	v28 =	vadd.s32 $0xE, v6;
	v37 =	vadd.s32 v1, v63  }
.LBB2_12:
0x28a: {  	p0 =	sne.s32 s3, $0x19C0;
	v45 =	vand.u32 $0xFFFFFC00, v45;
	v46 =	vadd.s32 $0xF, v6;
	s4 =	smov.u32 s3;
	s3 =	sadd.s32 $0x40, s3  }
0x28b: {  	v39 =	vld.idx.msk [tilespmem:v39+s2+$0x0], $0xffff;
	v45 =	vadd.s32 v1, v45;
	v47 =	vshll.u32 v46, $0x3  }
0x28c: {  	v22 =	vld.idx.msk [tilespmem:v22+s2+$0x0], $0xffff;
	v47 =	vand.u32 $0xFFFFFC00, v47  }
0x28d: {  	v33 =	vld.idx.msk [tilespmem:v33+s2+$0x0], $0xffff;
	v47 =	vadd.s32 v1, v47  }
0x28e: {  	v17 =	vand.u32 $0x7F, v17;
	v20 =	vld.idx.msk [tilespmem:v20+s2+$0x0], $0xffff  }
0x28f: {  	v13 =	vand.u32 $0x7F, v13;
	v42 =	vand.u32 $0x7F, v42;
	v48 =	vshll.u32 v28, $0x3;
	v21 =	vld.idx.msk [tilespmem:v21+s2+$0x0], $0xffff  }
0x290: {  	v6 =	vand.u32 $0x7F, v6;
	v40 =	vand.u32 $0x7F, v40;
	v42 =	vor.u32 v42, v43  }
0x291: {  	v14 =	vor.u32 $0xC, v14;
	v6 =	vor.u32 v6, v8;
	v8 =	vand.u32 $0xFFFFFC00, v48;
	v43 =	vld.idx.msk [tilespmem:v44+s2+$0x0], $0xffff  }
0x292: {  	v9 =	vor.u32 v13, v9;
	v6 =	vor.u32 v0, v6;
	v8 =	vadd.s32 v1, v8  }
0x293: {  	v12 =	vand.u32 $0x7F, v12;
	v10 =	vor.u32 v17, v10;
	v9 =	vor.u32 v0, v9  }
0x294: {  	v12 =	vor.u32 v12, v18;
	v13 =	vand.u32 $0x7F, v19;
	v10 =	vor.u32 v0, v10  }
0x295: {  	v17 =	vor.u32 v40, v30;
	v12 =	vor.u32 v0, v12;
	v13 =	vor.u32 v13, v31  }
0x296: {  	v15 =	vand.u32 $0x7F, v15;
	v17 =	vor.u32 v0, v17;
	v13 =	vor.u32 v0, v13;
	v14 =	vld.idx.msk [tilespmem:v14+s2+$0x0], $0xffff  }
0x297: {  	[tilespmem:v6+s31+$0x0] =	vst.idx.msk $0xffff, v16;
	v6 =	vor.u32 v15, v32;
	v15 =	vand.u32 $0x7F, v24;
	v16 =	vshll.u32 v35, $0x3  }
0x298: {  	[tilespmem:v9+s31+$0x0] =	vst.idx.msk $0xffff, v39;
	v6 =	vor.u32 v0, v6;
	v9 =	vor.u32 v15, v36;
	v15 =	vand.u32 $0xFFFFFC00, v16  }
0x299: {  	[tilespmem:v10+s31+$0x0] =	vst.idx.msk $0xffff, v22;
	v9 =	vor.u32 v0, v9;
	v10 =	vand.u32 $0x7F, v25;
	v1 =	vadd.s32 v1, v15  }
0x29a: {  	v15 =	vand.u32 $0x7F, v26;
	[tilespmem:v12+s31+$0x0] =	vst.idx.msk $0xffff, v33;
	v12 =	vor.u32 v0, v42;
	v10 =	vor.u32 v10, v34  }
0x29b: {  	[tilespmem:v17+s31+$0x0] =	vst.idx.msk $0xffff, v11;
	v10 =	vor.u32 v0, v10;
	v11 =	vor.u32 v15, v41;
	v15 =	vand.u32 $0x7F, v23  }
0x29c: {  	[tilespmem:v13+s31+$0x0] =	vst.idx.msk $0xffff, v43;
	v11 =	vor.u32 v0, v11;
	v13 =	vor.u32 v15, v37;
	v15 =	vand.u32 $0x7F, v38  }
0x29d: {  	[tilespmem:v6+s31+$0x0] =	vst.idx.msk $0xffff, v27;
	v6 =	vor.u32 v0, v13;
	v13 =	vor.u32 v15, v45;
	v15 =	vand.u32 $0x7F, v35  }
0x29e: {  	[tilespmem:v9+s31+$0x0] =	vst.idx.msk $0xffff, v29;
	v9 =	vor.u32 v0, v13;
	v1 =	vor.u32 v15, v1;
	v13 =	vand.u32 $0x7F, v28  }
0x29f: {  	[tilespmem:v12+s31+$0x0] =	vst.idx.msk $0xffff, v4;
	v1 =	vor.u32 v0, v1;
	v4 =	vor.u32 v13, v8;
	v8 =	vand.u32 $0x7F, v46  }
0x2a0: {  	[tilespmem:v10+s31+$0x0] =	vst.idx.msk $0xffff, v20;
	v4 =	vor.u32 v0, v4;
	v8 =	vor.u32 v8, v47  }
0x2a1: {  	[tilespmem:v11+s31+$0x0] =	vst.idx.msk $0xffff, v2;
	v0 =	vor.u32 v0, v8  }
0x2a2: {  	[tilespmem:v6+s31+$0x0] =	vst.idx.msk $0xffff, v21  }
0x2a3: {  	[tilespmem:v9+s31+$0x0] =	vst.idx.msk $0xffff, v14  }
0x2a4: {  	s4 =	sshra.s32 s4, $0x2;
	[tilespmem:v1+s31+$0x0] =	vst.idx.msk $0xffff, v5  }
0x2a5: {  	[tilespmem:v4+s31+$0x0] =	vst.idx.msk $0xffff, v3  }
0x2a6: {  	[tilespmem:v0+s31+$0x0] =	vst.idx.msk $0xffff, v7  }
0x2a7: {  	v0 =	vld [tilespmem:s4+$0x400]  }
0x2a8: {  	v6 =	vld [tilespmem:s4+$0xA80];
	_ =	sdelay $0x2  }
0x2a9: {  	v2 =	vld [tilespmem:s4+$0x1780]  }
0x2aa: {  	v1 =	vshll.u32 v0, $0x9  }
0x2ab: {  	v1 =	vand.u32 $0xFFFFF000, v1;
	v3 =	vshll.u32 v6, $0x3;
	v13 =	vadd.s32 $0x1, v6  }
0x2ac: {  	v17 =	vadd.s32 $0x2, v6;
	v3 =	vand.u32 $0xFFFFFC00, v3;
	v4 =	vshll.u32 v13, $0x3  }
0x2ad: {  	v8 =	vadd.s32 v1, v3;
	v3 =	vand.u32 $0xFFFFFC00, v4;
	v4 =	vshll.u32 v17, $0x3  }
0x2ae: {  	v14 =	vshll.u32 v2, $0x4;
	v9 =	vadd.s32 v1, v3;
	v2 =	vand.u32 $0xFFFFFC00, v4  }
0x2af: {  	v22 =	vor.u32 $0x2, v14;
	v3 =	vor.u32 $0xA, v14;
	v10 =	vadd.s32 v1, v2  }
0x2b0: {  	v0 =	vshll.u32 v0, $0x7;
	v12 =	vadd.s32 $0x3, v6;
	v20 =	vor.u32 $0x9, v14  }
0x2b1: {  	v39 =	vor.u32 $0x1, v14;
	v21 =	vor.u32 $0xB, v14;
	v2 =	vshll.u32 v12, $0x3  }
0x2b2: {  	v33 =	vor.u32 $0x3, v14;
	v4 =	vor.u32 $0x4, v14;
	v2 =	vand.u32 $0xFFFFFC00, v2  }
0x2b3: {  	v0 =	vand.u32 $0x380, v0;
	v5 =	vor.u32 $0x8, v14;
	v18 =	vadd.s32 v1, v2;
	v16 =	vld.idx.msk [tilespmem:v14+s2+$0x0], $0xffff  }
0x2b4: {  	v40 =	vadd.s32 $0x4, v6;
	v19 =	vadd.s32 $0x5, v6;
	v15 =	vadd.s32 $0x6, v6  }
0x2b5: {  	v7 =	vshll.u32 v40, $0x3;
	v27 =	vor.u32 $0x6, v14;
	v28 =	vor.u32 $0x7, v14  }
0x2b6: {  	v24 =	vshll.u32 v19, $0x3;
	v23 =	vor.u32 $0xD, v14;
	v2 =	vld.idx.msk [tilespmem:v3+s2+$0x0], $0xffff;
	v3 =	vor.u32 $0xE, v14  }
0x2b7: {  	v7 =	vand.u32 $0xFFFFFC00, v7;
	v24 =	vand.u32 $0xFFFFFC00, v24;
	v29 =	vor.u32 $0xF, v14;
	v11 =	vld.idx.msk [tilespmem:v4+s2+$0x0], $0xffff  }
0x2b8: {  	v30 =	vadd.s32 v1, v7;
	v31 =	vadd.s32 v1, v24;
	v4 =	vld.idx.msk [tilespmem:v5+s2+$0x0], $0xffff;
	v5 =	vshll.u32 v15, $0x3  }
0x2b9: {  	v42 =	vadd.s32 $0x8, v6;
	v24 =	vadd.s32 $0x7, v6;
	v5 =	vand.u32 $0xFFFFFC00, v5  }
0x2ba: {  	v7 =	vshll.u32 v42, $0x3;
	v32 =	vadd.s32 v1, v5;
	v5 =	vshll.u32 v24, $0x3  }
0x2bb: {  	v25 =	vadd.s32 $0x9, v6;
	v7 =	vand.u32 $0xFFFFFC00, v7;
	v5 =	vand.u32 $0xFFFFFC00, v5  }
0x2bc: {  	v43 =	vadd.s32 v1, v7;
	v7 =	vshll.u32 v25, $0x3;
	v3 =	vld.idx.msk [tilespmem:v3+s2+$0x0], $0xffff;
	v36 =	vadd.s32 v1, v5  }
.Ltmp5:
0x2bd: {  	v26 =	vadd.s32 $0xA, v6;
	v7 =	vand.u32 $0xFFFFFC00, v7;
	v5 =	vld.idx.msk [tilespmem:v23+s2+$0x0], $0xffff;
	v23 =	vadd.s32 $0xB, v6;
	(pc) =	sbr.rel @p0 .LBB2_12-.Ltmp5, $4  }
0x2be: {  	v35 =	vshll.u32 v26, $0x3;
	v34 =	vadd.s32 v1, v7;
	v37 =	vshll.u32 v23, $0x3  }
0x2bf: {  	v44 =	vor.u32 $0x5, v14;
	v7 =	vld.idx.msk [tilespmem:v29+s2+$0x0], $0xffff;
	v29 =	vand.u32 $0xFFFFFC00, v35;
	v35 =	vand.u32 $0xFFFFFC00, v37  }
0x2c0: {  	v38 =	vadd.s32 $0xC, v6;
	v27 =	vld.idx.msk [tilespmem:v27+s2+$0x0], $0xffff;
	v41 =	vadd.s32 v1, v29;
	v37 =	vadd.s32 v1, v35  }
0x2c1: {  	v45 =	vshll.u32 v38, $0x3;
	v35 =	vadd.s32 $0xD, v6;
	v29 =	vld.idx.msk [tilespmem:v28+s2+$0x0], $0xffff;
	v28 =	vadd.s32 $0xE, v6  }
0x2c2: {  	v46 =	vadd.s32 $0xF, v6  }
0x2c3: {  	v45 =	vand.u32 $0xFFFFFC00, v45;
	v17 =	vand.u32 $0x7F, v17;
	v13 =	vand.u32 $0x7F, v13  }
0x2c4: {  	v42 =	vand.u32 $0x7F, v42;
	v48 =	vshll.u32 v28, $0x3;
	v6 =	vand.u32 $0x7F, v6  }
0x2c5: {  	v40 =	vand.u32 $0x7F, v40;
	v14 =	vor.u32 $0xC, v14;
	v12 =	vand.u32 $0x7F, v12  }
0x2c6: {  	v15 =	vand.u32 $0x7F, v15;
	v47 =	vshll.u32 v46, $0x3;
	v45 =	vadd.s32 v1, v45  }
0x2c7: {  	v39 =	vld.idx.msk [tilespmem:v39+s2+$0x0], $0xffff;
	v42 =	vor.u32 v42, v43;
	v6 =	vor.u32 v6, v8;
	v8 =	vand.u32 $0xFFFFFC00, v48  }
0x2c8: {  	v22 =	vld.idx.msk [tilespmem:v22+s2+$0x0], $0xffff;
	v9 =	vor.u32 v13, v9;
	v10 =	vor.u32 v17, v10;
	v6 =	vor.u32 v0, v6  }
0x2c9: {  	v33 =	vld.idx.msk [tilespmem:v33+s2+$0x0], $0xffff;
	v12 =	vor.u32 v12, v18;
	v18 =	vand.u32 $0x7F, v19;
	v9 =	vor.u32 v0, v9  }
0x2ca: {  	v13 =	vld.idx.msk [tilespmem:v20+s2+$0x0], $0xffff;
	v20 =	vor.u32 v40, v30;
	v47 =	vand.u32 $0xFFFFFC00, v47;
	v10 =	vor.u32 v0, v10  }
0x2cb: {  	v17 =	vld.idx.msk [tilespmem:v21+s2+$0x0], $0xffff;
	v8 =	vadd.s32 v1, v8;
	v12 =	vor.u32 v0, v12;
	v18 =	vor.u32 v18, v31  }
0x2cc: {  	v19 =	vld.idx.msk [tilespmem:v44+s2+$0x0], $0xffff;
	v20 =	vor.u32 v0, v20;
	v47 =	vadd.s32 v1, v47;
	v18 =	vor.u32 v0, v18  }
0x2cd: {  	v14 =	vld.idx.msk [tilespmem:v14+s2+$0x0], $0xffff;
	[tilespmem:v6+s31+$0x0] =	vst.idx.msk $0xffff, v16;
	v6 =	vor.u32 v15, v32;
	v15 =	vand.u32 $0x7F, v24;
	v16 =	vshll.u32 v35, $0x3  }
0x2ce: {  	[tilespmem:v9+s31+$0x0] =	vst.idx.msk $0xffff, v39;
	v6 =	vor.u32 v0, v6;
	v9 =	vor.u32 v15, v36;
	v15 =	vand.u32 $0xFFFFFC00, v16  }
0x2cf: {  	[tilespmem:v10+s31+$0x0] =	vst.idx.msk $0xffff, v22;
	v9 =	vor.u32 v0, v9;
	v10 =	vand.u32 $0x7F, v25;
	v1 =	vadd.s32 v1, v15  }
0x2d0: {  	v15 =	vand.u32 $0x7F, v26;
	[tilespmem:v12+s31+$0x0] =	vst.idx.msk $0xffff, v33;
	v12 =	vor.u32 v0, v42;
	v10 =	vor.u32 v10, v34  }
0x2d1: {  	[tilespmem:v20+s31+$0x0] =	vst.idx.msk $0xffff, v11;
	v10 =	vor.u32 v0, v10;
	v11 =	vor.u32 v15, v41;
	v15 =	vand.u32 $0x7F, v23  }
0x2d2: {  	v16 =	vand.u32 $0x7F, v38;
	[tilespmem:v18+s31+$0x0] =	vst.idx.msk $0xffff, v19;
	v11 =	vor.u32 v0, v11;
	v15 =	vor.u32 v15, v37  }
0x2d3: {  	[tilespmem:v6+s31+$0x0] =	vst.idx.msk $0xffff, v27;
	v6 =	vor.u32 v0, v15;
	v15 =	vor.u32 v16, v45;
	v16 =	vand.u32 $0x7F, v35  }
0x2d4: {  	[tilespmem:v9+s31+$0x0] =	vst.idx.msk $0xffff, v29;
	v9 =	vor.u32 v0, v15;
	v1 =	vor.u32 v16, v1;
	v15 =	vand.u32 $0x7F, v28  }
0x2d5: {  	[tilespmem:v12+s31+$0x0] =	vst.idx.msk $0xffff, v4;
	v1 =	vor.u32 v0, v1;
	v4 =	vor.u32 v15, v8;
	v8 =	vand.u32 $0x7F, v46  }
0x2d6: {  	[tilespmem:v10+s31+$0x0] =	vst.idx.msk $0xffff, v13;
	v4 =	vor.u32 v0, v4;
	v8 =	vor.u32 v8, v47  }
0x2d7: {  	[tilespmem:v11+s31+$0x0] =	vst.idx.msk $0xffff, v2;
	v0 =	vor.u32 v0, v8  }
0x2d8: {  	[tilespmem:v6+s31+$0x0] =	vst.idx.msk $0xffff, v17  }
0x2d9: {  	[tilespmem:v9+s31+$0x0] =	vst.idx.msk $0xffff, v14  }
0x2da: {  	[tilespmem:v1+s31+$0x0] =	vst.idx.msk $0xffff, v5  }
0x2db: {  	[tilespmem:v4+s31+$0x0] =	vst.idx.msk $0xffff, v3  }
0x2dc: {  	s3 =	simm.s32 $0x0;
	[tilespmem:v0+s31+$0x0] =	vst.idx.msk $0xffff, v7  }
0x2dd: {  	[hbm4b:s18+s3] =	stream.linear.scatter [tilespmem:s31], [sflag:$0x4], $0x8000, $0x38;
	[tilespmem:$0x11E00] =	vst v63  }
0x2de: {  	_ =	swait.ge [sflag:s1], $0x680  }
0x2df: {  	[sflag:s1] =	ssyncset.done $0x0  }
0x2e0: {  	[sflag:s1] =	ssyncadd.s32 $0xFFFFF980  }
0x2e1: {  	[tilespmem:s28], [sflag:$0x2] =	stream.linear.gather [hbm4b:s19+s3], $0x680, $0x38;
	[tilespmem:$0x11E00] =	vst v63  }
0x2e2: {  	_ =	swait.ge [sflag:s0], $0x8000  }
0x2e3: {  	[sflag:s0] =	ssyncset.done $0x0  }
0x2e4: {  	s4 =	simm.s32 $0x0;
	[sflag:s0] =	ssyncadd.s32 $0xFFFF8000  }
0x2e5: {  	v0 =	vld [tilespmem:s4+$0x400]  }
0x2e6: {  	v6 =	vld [tilespmem:s4+$0xA80]  }
0x2e7: {  	v2 =	vld [tilespmem:s4+$0x1100];
	_ =	sdelay $0x2  }
0x2e8: {  	v1 =	vshll.u32 v0, $0x9  }
0x2e9: {  	v3 =	vshll.u32 v6, $0x3;
	v13 =	vadd.s32 $0x1, v6;
	v17 =	vadd.s32 $0x2, v6  }
0x2ea: {  	v14 =	vshll.u32 v2, $0x4;
	v0 =	vshll.u32 v0, $0x7;
	v12 =	vadd.s32 $0x3, v6  }
0x2eb: {  	v40 =	vadd.s32 $0x4, v6;
	v19 =	vadd.s32 $0x5, v6;
	v15 =	vadd.s32 $0x6, v6  }
0x2ec: {  	v24 =	vadd.s32 $0x7, v6;
	v42 =	vadd.s32 $0x8, v6;
	v38 =	vadd.s32 $0xC, v6  }
0x2ed: {  	v35 =	vadd.s32 $0xD, v6;
	v1 =	vand.u32 $0xFFFFF000, v1;
	v3 =	vand.u32 $0xFFFFFC00, v3  }
0x2ee: {  	v4 =	vshll.u32 v13, $0x3;
	v22 =	vor.u32 $0x2, v14;
	v20 =	vor.u32 $0x9, v14  }
0x2ef: {  	v39 =	vor.u32 $0x1, v14;
	v21 =	vor.u32 $0xB, v14;
	v33 =	vor.u32 $0x3, v14  }
0x2f0: {  	v5 =	vor.u32 $0x8, v14;
	v0 =	vand.u32 $0x380, v0;
	v27 =	vor.u32 $0x6, v14  }
0x2f1: {  	v28 =	vor.u32 $0x7, v14;
	v7 =	vor.u32 $0xD, v14;
	v23 =	vor.u32 $0xE, v14  }
0x2f2: {  	v8 =	vadd.s32 v1, v3;
	v3 =	vand.u32 $0xFFFFFC00, v4;
	v4 =	vshll.u32 v17, $0x3  }
0x2f3: {  	v11 =	vshll.u32 v19, $0x3;
	v9 =	vadd.s32 v1, v3;
	v2 =	vand.u32 $0xFFFFFC00, v4  }
0x2f4: {  	v3 =	vor.u32 $0xA, v14;
	v10 =	vadd.s32 v1, v2;
	v2 =	vshll.u32 v12, $0x3  }
0x2f5: {  	v29 =	vor.u32 $0xF, v14;
	v4 =	vor.u32 $0x4, v14;
	v2 =	vand.u32 $0xFFFFFC00, v2  }
0x2f6: {  	v25 =	vshll.u32 v42, $0x3;
	v18 =	vadd.s32 v1, v2;
	v2 =	vshll.u32 v40, $0x3  }
0x2f7: {  	v44 =	vor.u32 $0x5, v14;
	v45 =	vshll.u32 v38, $0x3;
	v16 =	vld.idx.msk [tilespmem:v14+s2+$0x0], $0xffff;
	v2 =	vand.u32 $0xFFFFFC00, v2  }
0x2f8: {  	v11 =	vand.u32 $0xFFFFFC00, v11;
	v27 =	vld.idx.msk [tilespmem:v27+s2+$0x0], $0xffff;
	v30 =	vadd.s32 v1, v2;
	v2 =	vshll.u32 v15, $0x3  }
0x2f9: {  	v26 =	vand.u32 $0xFFFFFC00, v25;
	v31 =	vadd.s32 v1, v11;
	v11 =	vand.u32 $0xFFFFFC00, v2;
	v2 =	vld.idx.msk [tilespmem:v3+s2+$0x0], $0xffff  }
0x2fa: {  	v25 =	vadd.s32 $0x9, v6;
	v3 =	vshll.u32 v24, $0x3;
	v32 =	vadd.s32 v1, v11;
	v11 =	vld.idx.msk [tilespmem:v4+s2+$0x0], $0xffff  }
0x2fb: {  	v43 =	vadd.s32 v1, v26;
	v26 =	vadd.s32 $0xA, v6;
	v3 =	vand.u32 $0xFFFFFC00, v3;
	v4 =	vld.idx.msk [tilespmem:v5+s2+$0x0], $0xffff  }
0x2fc: {  	v5 =	vshll.u32 v25, $0x3;
	v36 =	vadd.s32 v1, v3;
	v3 =	vld.idx.msk [tilespmem:v23+s2+$0x0], $0xffff;
	v23 =	vadd.s32 $0xB, v6  }
0x2fd: {  	v61 =	vshll.u32 v26, $0x3;
	v60 =	vand.u32 $0xFFFFFC00, v5;
	v5 =	vld.idx.msk [tilespmem:v7+s2+$0x0], $0xffff;
	v62 =	vshll.u32 v23, $0x3  }
0x2fe: {  	v7 =	vld.idx.msk [tilespmem:v29+s2+$0x0], $0xffff;
	v29 =	vand.u32 $0xFFFFFC00, v61;
	v34 =	vadd.s32 v1, v60;
	v63 =	vand.u32 $0xFFFFFC00, v62  }
0x2ff: {  	s3 =	simm.s32 $0x40;
	v41 =	vadd.s32 v1, v29;
	v29 =	vld.idx.msk [tilespmem:v28+s2+$0x0], $0xffff;
	v28 =	vadd.s32 $0xE, v6;
	v37 =	vadd.s32 v1, v63  }
.LBB2_14:
0x300: {  	p0 =	sne.s32 s3, $0x19C0;
	v45 =	vand.u32 $0xFFFFFC00, v45;
	v46 =	vadd.s32 $0xF, v6;
	s4 =	smov.u32 s3;
	s3 =	sadd.s32 $0x40, s3  }
0x301: {  	v39 =	vld.idx.msk [tilespmem:v39+s2+$0x0], $0xffff;
	v45 =	vadd.s32 v1, v45;
	v47 =	vshll.u32 v46, $0x3  }
0x302: {  	v22 =	vld.idx.msk [tilespmem:v22+s2+$0x0], $0xffff;
	v47 =	vand.u32 $0xFFFFFC00, v47  }
0x303: {  	v33 =	vld.idx.msk [tilespmem:v33+s2+$0x0], $0xffff;
	v47 =	vadd.s32 v1, v47  }
0x304: {  	v17 =	vand.u32 $0x7F, v17;
	v20 =	vld.idx.msk [tilespmem:v20+s2+$0x0], $0xffff  }
0x305: {  	v13 =	vand.u32 $0x7F, v13;
	v42 =	vand.u32 $0x7F, v42;
	v48 =	vshll.u32 v28, $0x3;
	v21 =	vld.idx.msk [tilespmem:v21+s2+$0x0], $0xffff  }
0x306: {  	v6 =	vand.u32 $0x7F, v6;
	v40 =	vand.u32 $0x7F, v40;
	v42 =	vor.u32 v42, v43  }
0x307: {  	v14 =	vor.u32 $0xC, v14;
	v6 =	vor.u32 v6, v8;
	v8 =	vand.u32 $0xFFFFFC00, v48;
	v43 =	vld.idx.msk [tilespmem:v44+s2+$0x0], $0xffff  }
0x308: {  	v9 =	vor.u32 v13, v9;
	v6 =	vor.u32 v0, v6;
	v8 =	vadd.s32 v1, v8  }
0x309: {  	v12 =	vand.u32 $0x7F, v12;
	v10 =	vor.u32 v17, v10;
	v9 =	vor.u32 v0, v9  }
0x30a: {  	v12 =	vor.u32 v12, v18;
	v13 =	vand.u32 $0x7F, v19;
	v10 =	vor.u32 v0, v10  }
0x30b: {  	v17 =	vor.u32 v40, v30;
	v12 =	vor.u32 v0, v12;
	v13 =	vor.u32 v13, v31  }
0x30c: {  	v15 =	vand.u32 $0x7F, v15;
	v17 =	vor.u32 v0, v17;
	v13 =	vor.u32 v0, v13;
	v14 =	vld.idx.msk [tilespmem:v14+s2+$0x0], $0xffff  }
0x30d: {  	[tilespmem:v6+s29+$0x0] =	vst.idx.msk $0xffff, v16;
	v6 =	vor.u32 v15, v32;
	v15 =	vand.u32 $0x7F, v24;
	v16 =	vshll.u32 v35, $0x3  }
0x30e: {  	[tilespmem:v9+s29+$0x0] =	vst.idx.msk $0xffff, v39;
	v6 =	vor.u32 v0, v6;
	v9 =	vor.u32 v15, v36;
	v15 =	vand.u32 $0xFFFFFC00, v16  }
0x30f: {  	[tilespmem:v10+s29+$0x0] =	vst.idx.msk $0xffff, v22;
	v9 =	vor.u32 v0, v9;
	v10 =	vand.u32 $0x7F, v25;
	v1 =	vadd.s32 v1, v15  }
0x310: {  	v15 =	vand.u32 $0x7F, v26;
	[tilespmem:v12+s29+$0x0] =	vst.idx.msk $0xffff, v33;
	v12 =	vor.u32 v0, v42;
	v10 =	vor.u32 v10, v34  }
0x311: {  	[tilespmem:v17+s29+$0x0] =	vst.idx.msk $0xffff, v11;
	v10 =	vor.u32 v0, v10;
	v11 =	vor.u32 v15, v41;
	v15 =	vand.u32 $0x7F, v23  }
0x312: {  	[tilespmem:v13+s29+$0x0] =	vst.idx.msk $0xffff, v43;
	v11 =	vor.u32 v0, v11;
	v13 =	vor.u32 v15, v37;
	v15 =	vand.u32 $0x7F, v38  }
0x313: {  	[tilespmem:v6+s29+$0x0] =	vst.idx.msk $0xffff, v27;
	v6 =	vor.u32 v0, v13;
	v13 =	vor.u32 v15, v45;
	v15 =	vand.u32 $0x7F, v35  }
0x314: {  	[tilespmem:v9+s29+$0x0] =	vst.idx.msk $0xffff, v29;
	v9 =	vor.u32 v0, v13;
	v1 =	vor.u32 v15, v1;
	v13 =	vand.u32 $0x7F, v28  }
0x315: {  	[tilespmem:v12+s29+$0x0] =	vst.idx.msk $0xffff, v4;
	v1 =	vor.u32 v0, v1;
	v4 =	vor.u32 v13, v8;
	v8 =	vand.u32 $0x7F, v46  }
0x316: {  	[tilespmem:v10+s29+$0x0] =	vst.idx.msk $0xffff, v20;
	v4 =	vor.u32 v0, v4;
	v8 =	vor.u32 v8, v47  }
0x317: {  	[tilespmem:v11+s29+$0x0] =	vst.idx.msk $0xffff, v2;
	v0 =	vor.u32 v0, v8  }
0x318: {  	[tilespmem:v6+s29+$0x0] =	vst.idx.msk $0xffff, v21  }
0x319: {  	[tilespmem:v9+s29+$0x0] =	vst.idx.msk $0xffff, v14  }
0x31a: {  	s4 =	sshra.s32 s4, $0x2;
	[tilespmem:v1+s29+$0x0] =	vst.idx.msk $0xffff, v5  }
0x31b: {  	[tilespmem:v4+s29+$0x0] =	vst.idx.msk $0xffff, v3  }
0x31c: {  	[tilespmem:v0+s29+$0x0] =	vst.idx.msk $0xffff, v7  }
0x31d: {  	v0 =	vld [tilespmem:s4+$0x400]  }
0x31e: {  	v6 =	vld [tilespmem:s4+$0xA80];
	_ =	sdelay $0x2  }
0x31f: {  	v2 =	vld [tilespmem:s4+$0x1100]  }
0x320: {  	v1 =	vshll.u32 v0, $0x9  }
0x321: {  	v1 =	vand.u32 $0xFFFFF000, v1;
	v3 =	vshll.u32 v6, $0x3;
	v13 =	vadd.s32 $0x1, v6  }
0x322: {  	v17 =	vadd.s32 $0x2, v6;
	v3 =	vand.u32 $0xFFFFFC00, v3;
	v4 =	vshll.u32 v13, $0x3  }
0x323: {  	v8 =	vadd.s32 v1, v3;
	v3 =	vand.u32 $0xFFFFFC00, v4;
	v4 =	vshll.u32 v17, $0x3  }
0x324: {  	v14 =	vshll.u32 v2, $0x4;
	v9 =	vadd.s32 v1, v3;
	v2 =	vand.u32 $0xFFFFFC00, v4  }
0x325: {  	v22 =	vor.u32 $0x2, v14;
	v3 =	vor.u32 $0xA, v14;
	v10 =	vadd.s32 v1, v2  }
0x326: {  	v0 =	vshll.u32 v0, $0x7;
	v12 =	vadd.s32 $0x3, v6;
	v20 =	vor.u32 $0x9, v14  }
0x327: {  	v39 =	vor.u32 $0x1, v14;
	v21 =	vor.u32 $0xB, v14;
	v2 =	vshll.u32 v12, $0x3  }
0x328: {  	v33 =	vor.u32 $0x3, v14;
	v4 =	vor.u32 $0x4, v14;
	v2 =	vand.u32 $0xFFFFFC00, v2  }
0x329: {  	v0 =	vand.u32 $0x380, v0;
	v5 =	vor.u32 $0x8, v14;
	v18 =	vadd.s32 v1, v2;
	v16 =	vld.idx.msk [tilespmem:v14+s2+$0x0], $0xffff  }
0x32a: {  	v40 =	vadd.s32 $0x4, v6;
	v19 =	vadd.s32 $0x5, v6;
	v15 =	vadd.s32 $0x6, v6  }
0x32b: {  	v7 =	vshll.u32 v40, $0x3;
	v27 =	vor.u32 $0x6, v14;
	v28 =	vor.u32 $0x7, v14  }
0x32c: {  	v24 =	vshll.u32 v19, $0x3;
	v23 =	vor.u32 $0xD, v14;
	v2 =	vld.idx.msk [tilespmem:v3+s2+$0x0], $0xffff;
	v3 =	vor.u32 $0xE, v14  }
0x32d: {  	v7 =	vand.u32 $0xFFFFFC00, v7;
	v24 =	vand.u32 $0xFFFFFC00, v24;
	v29 =	vor.u32 $0xF, v14;
	v11 =	vld.idx.msk [tilespmem:v4+s2+$0x0], $0xffff  }
0x32e: {  	v30 =	vadd.s32 v1, v7;
	v31 =	vadd.s32 v1, v24;
	v4 =	vld.idx.msk [tilespmem:v5+s2+$0x0], $0xffff;
	v5 =	vshll.u32 v15, $0x3  }
0x32f: {  	v42 =	vadd.s32 $0x8, v6;
	v24 =	vadd.s32 $0x7, v6;
	v5 =	vand.u32 $0xFFFFFC00, v5  }
0x330: {  	v7 =	vshll.u32 v42, $0x3;
	v32 =	vadd.s32 v1, v5;
	v5 =	vshll.u32 v24, $0x3  }
0x331: {  	v25 =	vadd.s32 $0x9, v6;
	v7 =	vand.u32 $0xFFFFFC00, v7;
	v5 =	vand.u32 $0xFFFFFC00, v5  }
0x332: {  	v43 =	vadd.s32 v1, v7;
	v7 =	vshll.u32 v25, $0x3;
	v3 =	vld.idx.msk [tilespmem:v3+s2+$0x0], $0xffff;
	v36 =	vadd.s32 v1, v5  }
.Ltmp6:
0x333: {  	v26 =	vadd.s32 $0xA, v6;
	v7 =	vand.u32 $0xFFFFFC00, v7;
	v5 =	vld.idx.msk [tilespmem:v23+s2+$0x0], $0xffff;
	v23 =	vadd.s32 $0xB, v6;
	(pc) =	sbr.rel @p0 .LBB2_14-.Ltmp6, $4  }
0x334: {  	v35 =	vshll.u32 v26, $0x3;
	v34 =	vadd.s32 v1, v7;
	v37 =	vshll.u32 v23, $0x3  }
0x335: {  	v44 =	vor.u32 $0x5, v14;
	v7 =	vld.idx.msk [tilespmem:v29+s2+$0x0], $0xffff;
	v29 =	vand.u32 $0xFFFFFC00, v35;
	v35 =	vand.u32 $0xFFFFFC00, v37  }
0x336: {  	v38 =	vadd.s32 $0xC, v6;
	v27 =	vld.idx.msk [tilespmem:v27+s2+$0x0], $0xffff;
	v41 =	vadd.s32 v1, v29;
	v37 =	vadd.s32 v1, v35  }
0x337: {  	v45 =	vshll.u32 v38, $0x3;
	v35 =	vadd.s32 $0xD, v6;
	v29 =	vld.idx.msk [tilespmem:v28+s2+$0x0], $0xffff;
	v28 =	vadd.s32 $0xE, v6  }
0x338: {  	v46 =	vadd.s32 $0xF, v6  }
0x339: {  	v45 =	vand.u32 $0xFFFFFC00, v45;
	v17 =	vand.u32 $0x7F, v17;
	v13 =	vand.u32 $0x7F, v13  }
0x33a: {  	v42 =	vand.u32 $0x7F, v42;
	v48 =	vshll.u32 v28, $0x3;
	v6 =	vand.u32 $0x7F, v6  }
0x33b: {  	v40 =	vand.u32 $0x7F, v40;
	v14 =	vor.u32 $0xC, v14;
	v12 =	vand.u32 $0x7F, v12  }
0x33c: {  	v15 =	vand.u32 $0x7F, v15;
	v47 =	vshll.u32 v46, $0x3;
	v45 =	vadd.s32 v1, v45  }
0x33d: {  	v39 =	vld.idx.msk [tilespmem:v39+s2+$0x0], $0xffff;
	v42 =	vor.u32 v42, v43;
	v6 =	vor.u32 v6, v8;
	v8 =	vand.u32 $0xFFFFFC00, v48  }
0x33e: {  	v22 =	vld.idx.msk [tilespmem:v22+s2+$0x0], $0xffff;
	v9 =	vor.u32 v13, v9;
	v10 =	vor.u32 v17, v10;
	v6 =	vor.u32 v0, v6  }
0x33f: {  	v33 =	vld.idx.msk [tilespmem:v33+s2+$0x0], $0xffff;
	v12 =	vor.u32 v12, v18;
	v18 =	vand.u32 $0x7F, v19;
	v9 =	vor.u32 v0, v9  }
0x340: {  	v13 =	vld.idx.msk [tilespmem:v20+s2+$0x0], $0xffff;
	v20 =	vor.u32 v40, v30;
	v47 =	vand.u32 $0xFFFFFC00, v47;
	v10 =	vor.u32 v0, v10  }
0x341: {  	v17 =	vld.idx.msk [tilespmem:v21+s2+$0x0], $0xffff;
	v8 =	vadd.s32 v1, v8;
	v12 =	vor.u32 v0, v12;
	v18 =	vor.u32 v18, v31  }
0x342: {  	v19 =	vld.idx.msk [tilespmem:v44+s2+$0x0], $0xffff;
	v20 =	vor.u32 v0, v20;
	v47 =	vadd.s32 v1, v47;
	v18 =	vor.u32 v0, v18  }
0x343: {  	v14 =	vld.idx.msk [tilespmem:v14+s2+$0x0], $0xffff;
	[tilespmem:v6+s29+$0x0] =	vst.idx.msk $0xffff, v16;
	v6 =	vor.u32 v15, v32;
	v15 =	vand.u32 $0x7F, v24;
	v16 =	vshll.u32 v35, $0x3  }
0x344: {  	[tilespmem:v9+s29+$0x0] =	vst.idx.msk $0xffff, v39;
	v6 =	vor.u32 v0, v6;
	v9 =	vor.u32 v15, v36;
	v15 =	vand.u32 $0xFFFFFC00, v16  }
0x345: {  	[tilespmem:v10+s29+$0x0] =	vst.idx.msk $0xffff, v22;
	v9 =	vor.u32 v0, v9;
	v10 =	vand.u32 $0x7F, v25;
	v1 =	vadd.s32 v1, v15  }
0x346: {  	v15 =	vand.u32 $0x7F, v26;
	[tilespmem:v12+s29+$0x0] =	vst.idx.msk $0xffff, v33;
	v12 =	vor.u32 v0, v42;
	v10 =	vor.u32 v10, v34  }
0x347: {  	[tilespmem:v20+s29+$0x0] =	vst.idx.msk $0xffff, v11;
	v10 =	vor.u32 v0, v10;
	v11 =	vor.u32 v15, v41;
	v15 =	vand.u32 $0x7F, v23  }
0x348: {  	v16 =	vand.u32 $0x7F, v38;
	[tilespmem:v18+s29+$0x0] =	vst.idx.msk $0xffff, v19;
	v11 =	vor.u32 v0, v11;
	v15 =	vor.u32 v15, v37  }
0x349: {  	[tilespmem:v6+s29+$0x0] =	vst.idx.msk $0xffff, v27;
	v6 =	vor.u32 v0, v15;
	v15 =	vor.u32 v16, v45;
	v16 =	vand.u32 $0x7F, v35  }
0x34a: {  	[tilespmem:v9+s29+$0x0] =	vst.idx.msk $0xffff, v29;
	v9 =	vor.u32 v0, v15;
	v1 =	vor.u32 v16, v1;
	v15 =	vand.u32 $0x7F, v28  }
0x34b: {  	[tilespmem:v12+s29+$0x0] =	vst.idx.msk $0xffff, v4;
	v1 =	vor.u32 v0, v1;
	v4 =	vor.u32 v15, v8;
	v8 =	vand.u32 $0x7F, v46  }
0x34c: {  	[tilespmem:v10+s29+$0x0] =	vst.idx.msk $0xffff, v13;
	v4 =	vor.u32 v0, v4;
	v8 =	vor.u32 v8, v47  }
0x34d: {  	[tilespmem:v11+s29+$0x0] =	vst.idx.msk $0xffff, v2;
	v0 =	vor.u32 v0, v8  }
0x34e: {  	[tilespmem:v6+s29+$0x0] =	vst.idx.msk $0xffff, v17  }
0x34f: {  	[tilespmem:v9+s29+$0x0] =	vst.idx.msk $0xffff, v14  }
0x350: {  	[tilespmem:v1+s29+$0x0] =	vst.idx.msk $0xffff, v5  }
0x351: {  	[tilespmem:v4+s29+$0x0] =	vst.idx.msk $0xffff, v3  }
0x352: {  	s3 =	simm.s32 $0x0;
	[tilespmem:v0+s29+$0x0] =	vst.idx.msk $0xffff, v7  }
0x353: {  	[hbm4b:s20+s3] =	stream.linear.scatter [tilespmem:s29], [sflag:$0x3], $0x8000, $0x38;
	[tilespmem:$0x11E00] =	vst v63  }
0x354: {  	_ =	swait.ge [sflag:s30], $0x680  }
0x355: {  	[sflag:s30] =	ssyncset.done $0x0  }
0x356: {  	[sflag:s30] =	ssyncadd.s32 $0xFFFFF980  }
0x357: {  	_ =	swait.ge [sflag:s24], $0x8000  }
0x358: {  	[sflag:s24] =	ssyncset.done $0x0  }
0x359: {  	s4 =	simm.s32 $0x0;
	[sflag:s24] =	ssyncadd.s32 $0xFFFF8000  }
0x35a: {  	v0 =	vld [tilespmem:s4+$0x400]  }
0x35b: {  	v6 =	vld [tilespmem:s4+$0xA80]  }
0x35c: {  	v2 =	vld [tilespmem:s4+$0x1780];
	_ =	sdelay $0x2  }
0x35d: {  	v1 =	vshll.u32 v0, $0x9  }
0x35e: {  	v3 =	vshll.u32 v6, $0x3;
	v13 =	vadd.s32 $0x1, v6;
	v17 =	vadd.s32 $0x2, v6  }
0x35f: {  	v14 =	vshll.u32 v2, $0x4;
	v0 =	vshll.u32 v0, $0x7;
	v12 =	vadd.s32 $0x3, v6  }
0x360: {  	v40 =	vadd.s32 $0x4, v6;
	v19 =	vadd.s32 $0x5, v6;
	v15 =	vadd.s32 $0x6, v6  }
0x361: {  	v24 =	vadd.s32 $0x7, v6;
	v42 =	vadd.s32 $0x8, v6;
	v38 =	vadd.s32 $0xC, v6  }
0x362: {  	v35 =	vadd.s32 $0xD, v6;
	v1 =	vand.u32 $0xFFFFF000, v1;
	v3 =	vand.u32 $0xFFFFFC00, v3  }
0x363: {  	v4 =	vshll.u32 v13, $0x3;
	v22 =	vor.u32 $0x2, v14;
	v20 =	vor.u32 $0x9, v14  }
0x364: {  	v39 =	vor.u32 $0x1, v14;
	v21 =	vor.u32 $0xB, v14;
	v33 =	vor.u32 $0x3, v14  }
0x365: {  	v5 =	vor.u32 $0x8, v14;
	v0 =	vand.u32 $0x380, v0;
	v27 =	vor.u32 $0x6, v14  }
0x366: {  	v28 =	vor.u32 $0x7, v14;
	v7 =	vor.u32 $0xD, v14;
	v23 =	vor.u32 $0xE, v14  }
0x367: {  	v8 =	vadd.s32 v1, v3;
	v3 =	vand.u32 $0xFFFFFC00, v4;
	v4 =	vshll.u32 v17, $0x3  }
0x368: {  	v11 =	vshll.u32 v19, $0x3;
	v9 =	vadd.s32 v1, v3;
	v2 =	vand.u32 $0xFFFFFC00, v4  }
0x369: {  	v3 =	vor.u32 $0xA, v14;
	v10 =	vadd.s32 v1, v2;
	v2 =	vshll.u32 v12, $0x3  }
0x36a: {  	v29 =	vor.u32 $0xF, v14;
	v4 =	vor.u32 $0x4, v14;
	v2 =	vand.u32 $0xFFFFFC00, v2  }
0x36b: {  	v25 =	vshll.u32 v42, $0x3;
	v18 =	vadd.s32 v1, v2;
	v2 =	vshll.u32 v40, $0x3  }
0x36c: {  	v44 =	vor.u32 $0x5, v14;
	v45 =	vshll.u32 v38, $0x3;
	v16 =	vld.idx.msk [tilespmem:v14+s2+$0x0], $0xffff;
	v2 =	vand.u32 $0xFFFFFC00, v2  }
0x36d: {  	v11 =	vand.u32 $0xFFFFFC00, v11;
	v27 =	vld.idx.msk [tilespmem:v27+s2+$0x0], $0xffff;
	v30 =	vadd.s32 v1, v2;
	v2 =	vshll.u32 v15, $0x3  }
0x36e: {  	v26 =	vand.u32 $0xFFFFFC00, v25;
	v31 =	vadd.s32 v1, v11;
	v11 =	vand.u32 $0xFFFFFC00, v2;
	v2 =	vld.idx.msk [tilespmem:v3+s2+$0x0], $0xffff  }
0x36f: {  	v25 =	vadd.s32 $0x9, v6;
	v3 =	vshll.u32 v24, $0x3;
	v32 =	vadd.s32 v1, v11;
	v11 =	vld.idx.msk [tilespmem:v4+s2+$0x0], $0xffff  }
0x370: {  	v43 =	vadd.s32 v1, v26;
	v26 =	vadd.s32 $0xA, v6;
	v3 =	vand.u32 $0xFFFFFC00, v3;
	v4 =	vld.idx.msk [tilespmem:v5+s2+$0x0], $0xffff  }
0x371: {  	v5 =	vshll.u32 v25, $0x3;
	v36 =	vadd.s32 v1, v3;
	v3 =	vld.idx.msk [tilespmem:v23+s2+$0x0], $0xffff;
	v23 =	vadd.s32 $0xB, v6  }
0x372: {  	v61 =	vshll.u32 v26, $0x3;
	v60 =	vand.u32 $0xFFFFFC00, v5;
	v5 =	vld.idx.msk [tilespmem:v7+s2+$0x0], $0xffff;
	v62 =	vshll.u32 v23, $0x3  }
0x373: {  	v7 =	vld.idx.msk [tilespmem:v29+s2+$0x0], $0xffff;
	v29 =	vand.u32 $0xFFFFFC00, v61;
	v34 =	vadd.s32 v1, v60;
	v63 =	vand.u32 $0xFFFFFC00, v62  }
0x374: {  	s3 =	simm.s32 $0x40;
	v41 =	vadd.s32 v1, v29;
	v29 =	vld.idx.msk [tilespmem:v28+s2+$0x0], $0xffff;
	v28 =	vadd.s32 $0xE, v6;
	v37 =	vadd.s32 v1, v63  }
.LBB2_16:
0x375: {  	p0 =	sne.s32 s3, $0x19C0;
	v45 =	vand.u32 $0xFFFFFC00, v45;
	v46 =	vadd.s32 $0xF, v6;
	s4 =	smov.u32 s3;
	s3 =	sadd.s32 $0x40, s3  }
0x376: {  	v39 =	vld.idx.msk [tilespmem:v39+s2+$0x0], $0xffff;
	v45 =	vadd.s32 v1, v45;
	v47 =	vshll.u32 v46, $0x3  }
0x377: {  	v22 =	vld.idx.msk [tilespmem:v22+s2+$0x0], $0xffff;
	v47 =	vand.u32 $0xFFFFFC00, v47  }
0x378: {  	v33 =	vld.idx.msk [tilespmem:v33+s2+$0x0], $0xffff;
	v47 =	vadd.s32 v1, v47  }
0x379: {  	v17 =	vand.u32 $0x7F, v17;
	v20 =	vld.idx.msk [tilespmem:v20+s2+$0x0], $0xffff  }
0x37a: {  	v13 =	vand.u32 $0x7F, v13;
	v42 =	vand.u32 $0x7F, v42;
	v48 =	vshll.u32 v28, $0x3;
	v21 =	vld.idx.msk [tilespmem:v21+s2+$0x0], $0xffff  }
0x37b: {  	v6 =	vand.u32 $0x7F, v6;
	v40 =	vand.u32 $0x7F, v40;
	v42 =	vor.u32 v42, v43  }
0x37c: {  	v14 =	vor.u32 $0xC, v14;
	v6 =	vor.u32 v6, v8;
	v8 =	vand.u32 $0xFFFFFC00, v48;
	v43 =	vld.idx.msk [tilespmem:v44+s2+$0x0], $0xffff  }
0x37d: {  	v9 =	vor.u32 v13, v9;
	v6 =	vor.u32 v0, v6;
	v8 =	vadd.s32 v1, v8  }
0x37e: {  	v12 =	vand.u32 $0x7F, v12;
	v10 =	vor.u32 v17, v10;
	v9 =	vor.u32 v0, v9  }
0x37f: {  	v12 =	vor.u32 v12, v18;
	v13 =	vand.u32 $0x7F, v19;
	v10 =	vor.u32 v0, v10  }
0x380: {  	v17 =	vor.u32 v40, v30;
	v12 =	vor.u32 v0, v12;
	v13 =	vor.u32 v13, v31  }
0x381: {  	v15 =	vand.u32 $0x7F, v15;
	v17 =	vor.u32 v0, v17;
	v13 =	vor.u32 v0, v13;
	v14 =	vld.idx.msk [tilespmem:v14+s2+$0x0], $0xffff  }
0x382: {  	[tilespmem:v6+s31+$0x0] =	vst.idx.msk $0xffff, v16;
	v6 =	vor.u32 v15, v32;
	v15 =	vand.u32 $0x7F, v24;
	v16 =	vshll.u32 v35, $0x3  }
0x383: {  	[tilespmem:v9+s31+$0x0] =	vst.idx.msk $0xffff, v39;
	v6 =	vor.u32 v0, v6;
	v9 =	vor.u32 v15, v36;
	v15 =	vand.u32 $0xFFFFFC00, v16  }
0x384: {  	[tilespmem:v10+s31+$0x0] =	vst.idx.msk $0xffff, v22;
	v9 =	vor.u32 v0, v9;
	v10 =	vand.u32 $0x7F, v25;
	v1 =	vadd.s32 v1, v15  }
0x385: {  	v15 =	vand.u32 $0x7F, v26;
	[tilespmem:v12+s31+$0x0] =	vst.idx.msk $0xffff, v33;
	v12 =	vor.u32 v0, v42;
	v10 =	vor.u32 v10, v34  }
0x386: {  	[tilespmem:v17+s31+$0x0] =	vst.idx.msk $0xffff, v11;
	v10 =	vor.u32 v0, v10;
	v11 =	vor.u32 v15, v41;
	v15 =	vand.u32 $0x7F, v23  }
0x387: {  	[tilespmem:v13+s31+$0x0] =	vst.idx.msk $0xffff, v43;
	v11 =	vor.u32 v0, v11;
	v13 =	vor.u32 v15, v37;
	v15 =	vand.u32 $0x7F, v38  }
0x388: {  	[tilespmem:v6+s31+$0x0] =	vst.idx.msk $0xffff, v27;
	v6 =	vor.u32 v0, v13;
	v13 =	vor.u32 v15, v45;
	v15 =	vand.u32 $0x7F, v35  }
0x389: {  	[tilespmem:v9+s31+$0x0] =	vst.idx.msk $0xffff, v29;
	v9 =	vor.u32 v0, v13;
	v1 =	vor.u32 v15, v1;
	v13 =	vand.u32 $0x7F, v28  }
0x38a: {  	[tilespmem:v12+s31+$0x0] =	vst.idx.msk $0xffff, v4;
	v1 =	vor.u32 v0, v1;
	v4 =	vor.u32 v13, v8;
	v8 =	vand.u32 $0x7F, v46  }
0x38b: {  	[tilespmem:v10+s31+$0x0] =	vst.idx.msk $0xffff, v20;
	v4 =	vor.u32 v0, v4;
	v8 =	vor.u32 v8, v47  }
0x38c: {  	[tilespmem:v11+s31+$0x0] =	vst.idx.msk $0xffff, v2;
	v0 =	vor.u32 v0, v8  }
0x38d: {  	[tilespmem:v6+s31+$0x0] =	vst.idx.msk $0xffff, v21  }
0x38e: {  	[tilespmem:v9+s31+$0x0] =	vst.idx.msk $0xffff, v14  }
0x38f: {  	s4 =	sshra.s32 s4, $0x2;
	[tilespmem:v1+s31+$0x0] =	vst.idx.msk $0xffff, v5  }
0x390: {  	[tilespmem:v4+s31+$0x0] =	vst.idx.msk $0xffff, v3  }
0x391: {  	[tilespmem:v0+s31+$0x0] =	vst.idx.msk $0xffff, v7  }
0x392: {  	v0 =	vld [tilespmem:s4+$0x400]  }
0x393: {  	v6 =	vld [tilespmem:s4+$0xA80];
	_ =	sdelay $0x2  }
0x394: {  	v2 =	vld [tilespmem:s4+$0x1780]  }
0x395: {  	v1 =	vshll.u32 v0, $0x9  }
0x396: {  	v1 =	vand.u32 $0xFFFFF000, v1;
	v3 =	vshll.u32 v6, $0x3;
	v13 =	vadd.s32 $0x1, v6  }
0x397: {  	v17 =	vadd.s32 $0x2, v6;
	v3 =	vand.u32 $0xFFFFFC00, v3;
	v4 =	vshll.u32 v13, $0x3  }
0x398: {  	v8 =	vadd.s32 v1, v3;
	v3 =	vand.u32 $0xFFFFFC00, v4;
	v4 =	vshll.u32 v17, $0x3  }
0x399: {  	v14 =	vshll.u32 v2, $0x4;
	v9 =	vadd.s32 v1, v3;
	v2 =	vand.u32 $0xFFFFFC00, v4  }
0x39a: {  	v22 =	vor.u32 $0x2, v14;
	v3 =	vor.u32 $0xA, v14;
	v10 =	vadd.s32 v1, v2  }
0x39b: {  	v0 =	vshll.u32 v0, $0x7;
	v12 =	vadd.s32 $0x3, v6;
	v20 =	vor.u32 $0x9, v14  }
0x39c: {  	v39 =	vor.u32 $0x1, v14;
	v21 =	vor.u32 $0xB, v14;
	v2 =	vshll.u32 v12, $0x3  }
0x39d: {  	v33 =	vor.u32 $0x3, v14;
	v4 =	vor.u32 $0x4, v14;
	v2 =	vand.u32 $0xFFFFFC00, v2  }
0x39e: {  	v0 =	vand.u32 $0x380, v0;
	v5 =	vor.u32 $0x8, v14;
	v18 =	vadd.s32 v1, v2;
	v16 =	vld.idx.msk [tilespmem:v14+s2+$0x0], $0xffff  }
0x39f: {  	v40 =	vadd.s32 $0x4, v6;
	v19 =	vadd.s32 $0x5, v6;
	v15 =	vadd.s32 $0x6, v6  }
0x3a0: {  	v7 =	vshll.u32 v40, $0x3;
	v27 =	vor.u32 $0x6, v14;
	v28 =	vor.u32 $0x7, v14  }
0x3a1: {  	v24 =	vshll.u32 v19, $0x3;
	v23 =	vor.u32 $0xD, v14;
	v2 =	vld.idx.msk [tilespmem:v3+s2+$0x0], $0xffff;
	v3 =	vor.u32 $0xE, v14  }
0x3a2: {  	v7 =	vand.u32 $0xFFFFFC00, v7;
	v24 =	vand.u32 $0xFFFFFC00, v24;
	v29 =	vor.u32 $0xF, v14;
	v11 =	vld.idx.msk [tilespmem:v4+s2+$0x0], $0xffff  }
0x3a3: {  	v30 =	vadd.s32 v1, v7;
	v31 =	vadd.s32 v1, v24;
	v4 =	vld.idx.msk [tilespmem:v5+s2+$0x0], $0xffff;
	v5 =	vshll.u32 v15, $0x3  }
0x3a4: {  	v42 =	vadd.s32 $0x8, v6;
	v24 =	vadd.s32 $0x7, v6;
	v5 =	vand.u32 $0xFFFFFC00, v5  }
0x3a5: {  	v7 =	vshll.u32 v42, $0x3;
	v32 =	vadd.s32 v1, v5;
	v5 =	vshll.u32 v24, $0x3  }
0x3a6: {  	v25 =	vadd.s32 $0x9, v6;
	v7 =	vand.u32 $0xFFFFFC00, v7;
	v5 =	vand.u32 $0xFFFFFC00, v5  }
0x3a7: {  	v43 =	vadd.s32 v1, v7;
	v7 =	vshll.u32 v25, $0x3;
	v3 =	vld.idx.msk [tilespmem:v3+s2+$0x0], $0xffff;
	v36 =	vadd.s32 v1, v5  }
.Ltmp7:
0x3a8: {  	v26 =	vadd.s32 $0xA, v6;
	v7 =	vand.u32 $0xFFFFFC00, v7;
	v5 =	vld.idx.msk [tilespmem:v23+s2+$0x0], $0xffff;
	v23 =	vadd.s32 $0xB, v6;
	(pc) =	sbr.rel @p0 .LBB2_16-.Ltmp7, $4  }
0x3a9: {  	v35 =	vshll.u32 v26, $0x3;
	v34 =	vadd.s32 v1, v7;
	v37 =	vshll.u32 v23, $0x3  }
0x3aa: {  	v44 =	vor.u32 $0x5, v14;
	v7 =	vld.idx.msk [tilespmem:v29+s2+$0x0], $0xffff;
	v29 =	vand.u32 $0xFFFFFC00, v35;
	v35 =	vand.u32 $0xFFFFFC00, v37  }
0x3ab: {  	v38 =	vadd.s32 $0xC, v6;
	v27 =	vld.idx.msk [tilespmem:v27+s2+$0x0], $0xffff;
	v41 =	vadd.s32 v1, v29;
	v37 =	vadd.s32 v1, v35  }
0x3ac: {  	v45 =	vshll.u32 v38, $0x3;
	v35 =	vadd.s32 $0xD, v6;
	v29 =	vld.idx.msk [tilespmem:v28+s2+$0x0], $0xffff;
	v28 =	vadd.s32 $0xE, v6  }
0x3ad: {  	v46 =	vadd.s32 $0xF, v6;
	v45 =	vand.u32 $0xFFFFFC00, v45  }
0x3ae: {  	v17 =	vand.u32 $0x7F, v17;
	v13 =	vand.u32 $0x7F, v13;
	v42 =	vand.u32 $0x7F, v42  }
0x3af: {  	v48 =	vshll.u32 v28, $0x3;
	v60 =	vand.u32 $0x7F, v6;
	v40 =	vand.u32 $0x7F, v40  }
0x3b0: {  	v14 =	vor.u32 $0xC, v14;
	v12 =	vand.u32 $0x7F, v12;
	v62 =	vand.u32 $0x7F, v19  }
0x3b1: {  	v15 =	vand.u32 $0x7F, v15;
	v49 =	vand.u32 $0x7F, v25;
	v52 =	vand.u32 $0x7F, v26  }
0x3b2: {  	v39 =	vld.idx.msk [tilespmem:v39+s2+$0x0], $0xffff;
	v54 =	vand.u32 $0x7F, v23;
	v55 =	vand.u32 $0x7F, v38;
	v6 =	vor.u32 v60, v8  }
0x3b3: {  	v22 =	vld.idx.msk [tilespmem:v22+s2+$0x0], $0xffff;
	v45 =	vadd.s32 v1, v45;
	v9 =	vor.u32 v13, v9;
	v6 =	vor.u32 v0, v6  }
0x3b4: {  	v33 =	vld.idx.msk [tilespmem:v33+s2+$0x0], $0xffff;
	v42 =	vor.u32 v42, v43;
	v10 =	vor.u32 v17, v10;
	v9 =	vor.u32 v0, v9  }
0x3b5: {  	v63 =	vld.idx.msk [tilespmem:v44+s2+$0x0], $0xffff;
	v12 =	vor.u32 v12, v18;
	v30 =	vor.u32 v40, v30;
	v10 =	vor.u32 v0, v10  }
0x3b6: {  	v13 =	vld.idx.msk [tilespmem:v20+s2+$0x0], $0xffff;
	v18 =	vor.u32 v62, v31;
	v32 =	vor.u32 v15, v32;
	v12 =	vor.u32 v0, v12  }
0x3b7: {  	v17 =	vld.idx.msk [tilespmem:v21+s2+$0x0], $0xffff;
	v40 =	vand.u32 $0x7F, v24;
	v53 =	vor.u32 v52, v41;
	v20 =	vor.u32 v0, v30  }
0x3b8: {  	v15 =	vor.u32 v54, v37;
	v18 =	vor.u32 v0, v18;
	v14 =	vld.idx.msk [tilespmem:v14+s2+$0x0], $0xffff;
	[tilespmem:v6+s31+$0x0] =	vst.idx.msk $0xffff, v16  }
0x3b9: {  	v61 =	vand.u32 $0xFFFFFC00, v48;
	v44 =	vor.u32 v40, v36;
	v6 =	vor.u32 v0, v32;
	[tilespmem:v9+s31+$0x0] =	vst.idx.msk $0xffff, v39  }
0x3ba: {  	v47 =	vshll.u32 v46, $0x3;
	v8 =	vadd.s32 v1, v61;
	v9 =	vor.u32 v0, v44;
	[tilespmem:v10+s31+$0x0] =	vst.idx.msk $0xffff, v22  }
0x3bb: {  	v43 =	vshll.u32 v35, $0x3;
	v51 =	vor.u32 v0, v42;
	v10 =	vor.u32 v49, v34;
	[tilespmem:v12+s31+$0x0] =	vst.idx.msk $0xffff, v33  }
0x3bc: {  	v47 =	vand.u32 $0xFFFFFC00, v47;
	v56 =	vor.u32 v0, v15;
	v10 =	vor.u32 v0, v10;
	[tilespmem:v20+s31+$0x0] =	vst.idx.msk $0xffff, v11  }
0x3bd: {  	v48 =	vand.u32 $0xFFFFFC00, v43;
	v57 =	vor.u32 v55, v45;
	v11 =	vor.u32 v0, v53;
	[tilespmem:v18+s31+$0x0] =	vst.idx.msk $0xffff, v63  }
0x3be: {  	v58 =	vand.u32 $0x7F, v35;
	v47 =	vadd.s32 v1, v47;
	v50 =	vadd.s32 v1, v48;
	[tilespmem:v6+s31+$0x0] =	vst.idx.msk $0xffff, v27  }
0x3bf: {  	v60 =	vand.u32 $0x7F, v28;
	v59 =	vor.u32 v0, v57;
	v1 =	vor.u32 v58, v50;
	[tilespmem:v9+s31+$0x0] =	vst.idx.msk $0xffff, v29  }
0x3c0: {  	v62 =	vand.u32 $0x7F, v46;
	v61 =	vor.u32 v60, v8;
	v1 =	vor.u32 v0, v1;
	[tilespmem:v51+s31+$0x0] =	vst.idx.msk $0xffff, v4  }
0x3c1: {  	v8 =	vor.u32 v62, v47;
	v4 =	vor.u32 v0, v61;
	[tilespmem:v10+s31+$0x0] =	vst.idx.msk $0xffff, v13  }
0x3c2: {  	v63 =	vor.u32 v0, v8;
	[tilespmem:v11+s31+$0x0] =	vst.idx.msk $0xffff, v2  }
0x3c3: {  	[tilespmem:v56+s31+$0x0] =	vst.idx.msk $0xffff, v17  }
0x3c4: {  	[tilespmem:v59+s31+$0x0] =	vst.idx.msk $0xffff, v14  }
0x3c5: {  	[tilespmem:v1+s31+$0x0] =	vst.idx.msk $0xffff, v5  }
0x3c6: {  	[tilespmem:v4+s31+$0x0] =	vst.idx.msk $0xffff, v3  }
0x3c7: {  	s25 =	sadd.s32 $0x1, s25;
	[tilespmem:v63+s31+$0x0] =	vst.idx.msk $0xffff, v7  }
0x3c8: {  	[hbm4b:s21+s2] =	stream.linear.scatter [tilespmem:s31], [sflag:$0x4], $0x8000, $0x38;
	[tilespmem:$0x11E00] =	vst v63  }
0x3c9: {  	p0 =	sne.s32 s25, s22;
	_ =	swait.ge [sflag:s0], $0x8000  }
.Ltmp8:
0x3ca: {  	[sflag:s0] =	ssyncset.done $0x0;
	(pc) =	sbr.rel @p0 .LBB2_1-.Ltmp8, $4  }
0x3cb: {  	[sflag:s0] =	ssyncadd.s32 $0xFFFF8000  }
0x3cc: {  	_ =	swait.ge [sflag:s24], $0x8000  }
0x3cd: {  	[sflag:s24] =	ssyncset.done $0x0  }
0x3ce: {  	[sflag:s24] =	ssyncadd.s32 $0xFFFF8000  }
0x3cf: {  	_ =	sfence.sel $0x180000  }
0x3d0: {  	[bflag:$0x0] =	sbarrier.arrive $0xFFFF  }
0x3d1: {  	_ =	strace $0x90000047  }
0x3d2: {  	s0 =	stileid.u32;
	[bflag:$0x2] =	sbarrier.arrive $0xFFFF  }
0x3d3: {  	p0 =	sne.s32 s0, $0x0;
	s0 =	rddreg [dreg:$0x2]  }
0x3d4: {  	s0 =	sadd.s32 @!p0 $0x100000, s0  }
0x3d5: {  	[sflag:s0] =	ssyncadd.tile.s32 @!p0 $0x1;
	_ =	shalt  }
.Lfunc_end2:
_tile_overlayer_lowered:
.L_overlay_start_2:
0x3d6: {  	(tag) =	ssettag $0x2  }
0x3d7: {  	s0 =	rddreg [dreg:$0x0];
	s2 =	stileid.u32  }
0x3d8: {  	s1 =	rddreg [dreg:$0x1];
	p0 =	sne.s32 s2, $0x0  }
0x3d9: {  	s3 =	rddreg [dreg:$0x2];
	[bflag:$0x3] =	sbarrier.arrive $0xFFFF;
	s2 =	simm.s32 @!p0 $0x1C05  }
0x3da: {  	[timem:s3], [sflag:s2] =	dma.local @!p0 [hbm:s0], s1  }
0x3db: {  	s0 =	simm.s32 @!p0 $0x5  }
0x3dc: {  	_ =	swait.ge @!p0 [sflag:s0], s1  }
0x3dd: {  	s1 =	ssub.s32 @!p0 $0x0, s1;
	[sflag:s0] =	ssyncset.done @!p0 $0x0  }
0x3de: {  	[sflag:s0] =	ssyncadd.s32 @!p0 s1  }
0x3df: {  	[bflag:$0x3] =	sbarrier.arrive $0xFFFF  }
0x3e0: {  	_ =	shalt  }

</sc_bundles>
